<compile_context>
chip_gen: v7x
topology: tpu7x:2x2x1
jax: 0.10.2.dev20260603
libtpu: 0.0.44.dev20260713+nightly
codegen_flags: <defaults>
</compile_context>

<pallas_src>
import functools

import jax
import jax.numpy as jnp
from jax import lax
from jax.experimental import pallas as pl
from jax.experimental.pallas import tpu as pltpu
from jax.experimental.pallas import tpu_sc as plsc

_NC = 2
_NS = 16
_NW = _NC * _NS
_G = 16


@functools.partial(jax.jit, static_argnames=("chunk",))
def _emb_call(x_flat, w1, w2, *, chunk):
    bf = x_flat.shape[0]
    pivot = w1.shape[0]
    d = w1.shape[1]
    per_w = bf // _NW
    nchunk = per_w // chunk
    pad = chunk + 2 * _G
    assert per_w % chunk == 0 and bf % _NW == 0 and chunk % _G == 0

    mesh = plsc.VectorSubcoreMesh(
        core_axis_name="c", subcore_axis_name="s",
        num_cores=_NC, num_subcores=_NS,
    )

    @functools.partial(
        pl.kernel,
        out_type=jax.ShapeDtypeStruct((bf, d), jnp.float32),
        mesh=mesh,
        compiler_params=pltpu.CompilerParams(
            needs_layout_passes=False, use_tc_tiling_on_sc=False,
        ),
        scratch_types=[
            pltpu.VMEM((chunk,), jnp.int32),
            pltpu.VMEM((pad,), jnp.int32),
            pltpu.VMEM((pad,), jnp.int32),
            pltpu.VMEM((pad,), jnp.int32),
            pltpu.VMEM((pad,), jnp.int32),
            pltpu.VMEM((pad, d), jnp.float32),
            pltpu.VMEM((chunk, d), jnp.float32),
            pltpu.SemaphoreType.DMA,
            pltpu.SemaphoreType.DMA,
        ],
    )
    def emb(x_hbm, w1_hbm, w2_hbm, out_hbm, xv, i1v, p1v, i2v, p2v,
            rs, rout, sg, so):
        wid = lax.axis_index("s") * _NC + lax.axis_index("c")
        base = wid * per_w
        iota = lax.iota(jnp.int32, 16)

        def pad_list(ibuf, pbuf, n):
            @pl.when(lax.rem(n, _G) != 0)
            def _():
                start = jnp.maximum(n - 16, 0)
                lane = n - 1 - start
                vi = ibuf[pl.ds(start, 16)]
                vp = pbuf[pl.ds(start, 16)]
                sel = iota == lane
                li = jnp.sum(jnp.where(sel, vi, 0))
                lp = jnp.sum(jnp.where(sel, vp, 0))
                ibuf[pl.ds(n, 16)] = jnp.full((16,), li, jnp.int32)
                pbuf[pl.ds(n, 16)] = jnp.full((16,), lp, jnp.int32)

        def chunk_body(j, c):
            cbase = base + j * chunk
            pltpu.sync_copy(x_hbm.at[pl.ds(cbase, chunk)], xv)

            def compact(g, offs):
                o1, o2 = offs
                xx = xv[pl.ds(g * 16, 16)]
                m1 = xx < pivot
                m2 = jnp.logical_not(m1)
                posv = g * 16 + iota
                plsc.store_compressed(i1v.at[pl.ds(o1, 16)], xx, mask=m1)
                plsc.store_compressed(p1v.at[pl.ds(o1, 16)], posv, mask=m1)
                plsc.store_compressed(i2v.at[pl.ds(o2, 16)], xx - pivot, mask=m2)
                plsc.store_compressed(p2v.at[pl.ds(o2, 16)], posv, mask=m2)
                c1 = jnp.sum(m1.astype(jnp.int32))
                return o1 + c1, o2 + (16 - c1)

            n1, n2 = lax.fori_loop(
                0, chunk // 16, compact, (jnp.int32(0), jnp.int32(0)))
            pad_list(i1v, p1v, n1)
            pad_list(i2v, p2v, n2)
            ng1 = lax.div(n1 + (_G - 1), _G)
            ng2 = lax.div(n2 + (_G - 1), _G)
            base2 = ng1 * _G

            def fire1(g, c2):
                pltpu.async_copy(w1_hbm.at[i1v.at[pl.ds(g * _G, _G)]],
                                 rs.at[pl.ds(g * _G, _G)], sg)
                return c2

            def fire2(g, c2):
                pltpu.async_copy(w2_hbm.at[i2v.at[pl.ds(g * _G, _G)]],
                                 rs.at[pl.ds(base2 + g * _G, _G)], sg)
                return c2

            lax.fori_loop(0, ng1, fire1, 0)
            lax.fori_loop(0, ng2, fire2, 0)

            def drain(g, c2):
                pltpu.make_async_copy(
                    w1_hbm.at[i1v.at[pl.ds(0, _G)]],
                    rs.at[pl.ds(0, _G)], sg).wait()
                return c2

            lax.fori_loop(0, ng1 + ng2, drain, 0)

            @pl.when(j > 0)
            def _():
                pltpu.make_async_copy(
                    rout, out_hbm.at[pl.ds(cbase - chunk, chunk)], so).wait()

            def perm(pbuf, srow_base):
                def perm_g(g, c2):
                    for e in range(16):
                        entry = g * 16 + e
                        psplat = plsc.load_gather(
                            pbuf, [jnp.full((16,), entry, jnp.int32)])
                        srow = srow_base + entry
                        for v in range(d // 16):
                            data = rs[srow, pl.ds(v * 16, 16)]
                            plsc.store_scatter(
                                rout, [psplat, v * 16 + iota], data)
                    return c2
                return perm_g

            lax.fori_loop(0, ng1, perm(p1v, 0), 0)
            lax.fori_loop(0, ng2, perm(p2v, base2), 0)

            pltpu.async_copy(rout, out_hbm.at[pl.ds(cbase, chunk)], so)
            return c

        lax.fori_loop(0, nchunk, chunk_body, 0)
        pltpu.make_async_copy(
            rout,
            out_hbm.at[pl.ds(base + (nchunk - 1) * chunk, chunk)], so).wait()

    return emb(x_flat, w1, w2)


def kernel(x, w1, w2):
    b, f = x.shape
    d = w1.shape[1]
    flat = x.reshape(-1).astype(jnp.int32)
    out = _emb_call(flat, w1, w2, chunk=832)
    return out.reshape(b, f, d)

# --- scband reference (transcript-rebuilt; emitter-appended) ---
"""Pipeline reference for scband-partially-frozen-embedding-73632919323357 (READ-ONLY COPY).

The authoritative reference and input builder live on the scoring server;
editing this copy changes nothing except your own understanding.
"""

import jax, jax.numpy as jnp
import numpy as np

NUM_EMBEDDINGS = 1000000
EMBEDDING_DIM = 64
PIVOT = 500000
BATCH = 16384
FIELDS = 26


def setup_inputs(seed: int = 0) -> dict:
    key = jax.random.key(seed)
    k1, k2, k3 = jax.random.split(key, 3)
    x = jax.random.randint(k1, (BATCH, FIELDS), 0, NUM_EMBEDDINGS)
    w1 = jax.random.normal(k2, (PIVOT, EMBEDDING_DIM), dtype=jnp.float32) * 0.02
    w2 = jax.random.normal(k3, (NUM_EMBEDDINGS - PIVOT, EMBEDDING_DIM), dtype=jnp.float32) * 0.02
    return {"x": x, "w1": w1, "w2": w2}


def reference(x, w1, w2):
    # PartiallyFrozenEmbedding.forward: rows < pivot come from frozen table w1,
    # rows >= pivot come from trainable table w2 (index shifted by pivot).
    pivot = w1.shape[0]
    mask = x < pivot
    idx1 = jnp.where(mask, x, 0)
    idx2 = jnp.where(mask, 0, x - pivot)
    e1 = jnp.take(w1, idx1, axis=0)
    e2 = jnp.take(w2, idx2, axis=0)
    e = jnp.where(mask[..., None], e1, e2)
    return e

if __name__ == "__main__":
    import jax
    _d = setup_inputs()
    print(jax.jit(kernel)(*tuple(_d.values())))

</pallas_src>

<mosaic_0001>
#map = affine_map<(d0, d1) -> (0)>
#map1 = affine_map<(d0, d1) -> (0, 0)>
module attributes {stable_mosaic.version = 14 : i64} {
  func.func @emb(%arg0: i32, %arg1: i32, %arg2: memref<425984xi32, #tpu.memory_space<hbm>>, %arg3: memref<500000x64xf32, #tpu.memory_space<hbm>>, %arg4: memref<500000x64xf32, #tpu.memory_space<hbm>>, %arg5: memref<425984x64xf32, #tpu.memory_space<hbm>>, %arg6: memref<832xi32, #tpu.memory_space<vmem>>, %arg7: memref<864xi32, #tpu.memory_space<vmem>>, %arg8: memref<864xi32, #tpu.memory_space<vmem>>, %arg9: memref<864xi32, #tpu.memory_space<vmem>>, %arg10: memref<864xi32, #tpu.memory_space<vmem>>, %arg11: memref<864x64xf32, #tpu.memory_space<vmem>>, %arg12: memref<832x64xf32, #tpu.memory_space<vmem>>, %arg13: memref<!tpu.dma_semaphore, #tpu.memory_space<semaphore_mem>>, %arg14: memref<!tpu.dma_semaphore, #tpu.memory_space<semaphore_mem>>) attributes {dimension_semantics = [#tpu.dimension_semantics<core_parallel>, #tpu.dimension_semantics<subcore_parallel>], iteration_bounds = array<i64: 2, 16>, scalar_prefetch = 0 : i64, scratch_operands = 9 : i64, tpu.core_type = #tpu.core_type<sc_vector_subcore>, window_params = [{transform_indices = #map}, {transform_indices = #map1}, {transform_indices = #map1}, {transform_indices = #map1}]} {
    %mul3A = arith.constant 2 : i32
    %mul3A_0 = arith.muli %arg1, %mul3A : i32
    %add3A = arith.addi %mul3A_0, %arg0 : i32
    %mul3A_1 = arith.constant 13312 : i32
    %mul3A_2 = arith.muli %add3A, %mul3A_1 : i32
    %iota3A = tpu.iota {dimensions = array<i32: 0>} : vector<16xi32>
    %scan3A = arith.constant 0 : i32
    %scan3A_3 = arith.constant 0 : i32
    %scan3A_4 = arith.constant 16 : i32
    %scan3A_5 = arith.addi %scan3A_3, %scan3A_4 : i32
    %scan3A_6 = arith.constant 1 : i32
    scf.for %scan3A_13 = %scan3A_3 to %scan3A_5 step %scan3A_6  : i32 {
      %mul3A_14 = arith.constant 832 : i32
      %mul3A_15 = arith.muli %scan3A_13, %mul3A_14 : i32
      %add3A_16 = arith.addi %mul3A_2, %mul3A_15 : i32
      "tpu.region"() ({
        %run_scoped3A = tpu.sem_alloc : memref<!tpu.dma_semaphore, #tpu.memory_space<semaphore_mem>>
        %dma_start3A_101 = tpu.memref_slice %arg2[%add3A_16] : memref<425984xi32, #tpu.memory_space<hbm>> -> memref<832xi32, #tpu.memory_space<hbm>>
        %dma_start3A_102 = tpu.memref_slice %arg2[%add3A_16] : memref<425984xi32, #tpu.memory_space<hbm>> -> memref<832xi32, #tpu.memory_space<hbm>>
        tpu.enqueue_dma source(%dma_start3A_102 : memref<832xi32, #tpu.memory_space<hbm>>) target(%arg6 : memref<832xi32, #tpu.memory_space<vmem>>) target_semaphore(%run_scoped3A : memref<!tpu.dma_semaphore, #tpu.memory_space<semaphore_mem>>)
        %dma_wait3A_103 = tpu.memref_slice %arg2[%add3A_16] : memref<425984xi32, #tpu.memory_space<hbm>> -> memref<832xi32, #tpu.memory_space<hbm>>
        %dma_wait3A_104 = tpu.memref_slice %arg2[%add3A_16] : memref<425984xi32, #tpu.memory_space<hbm>> -> memref<832xi32, #tpu.memory_space<hbm>>
        tpu.wait_dma2 semaphore(%run_scoped3A : memref<!tpu.dma_semaphore, #tpu.memory_space<semaphore_mem>>) src(%dma_wait3A_104 : memref<832xi32, #tpu.memory_space<hbm>>) dst(%arg6 : memref<832xi32, #tpu.memory_space<vmem>>)
        tpu.yield
      }) : () -> ()
      %scan3A_17 = arith.constant 0 : i32
      %scan3A_18 = arith.constant 0 : i32
      %scan3A_19 = arith.constant 0 : i32
      %scan3A_20 = arith.constant 52 : i32
      %scan3A_21 = arith.addi %scan3A_19, %scan3A_20 : i32
      %scan3A_22 = arith.constant 1 : i32
      %scan3A_23:2 = scf.for %scan3A_101 = %scan3A_19 to %scan3A_21 step %scan3A_22 iter_args(%scan3A_102 = %scan3A_17, %scan3A_103 = %scan3A_18) -> (i32, i32)  : i32 {
        %mul3A_104 = arith.constant 16 : i32
        %mul3A_105 = arith.muli %scan3A_101, %mul3A_104 : i32
        %get3A = arith.index_cast %mul3A_105 : i32 to index
        %get3A_106 = tpu.vector_load %arg6[%get3A] {strides = array<i32>} : memref<832xi32, #tpu.memory_space<vmem>>, vector<16xi32>,
        %lt3A = arith.constant 500000 : i32
        %lt3A_107 = vector.broadcast %lt3A : i32 to vector<16xi32>
        %lt3A_108 = arith.cmpi slt, %get3A_106, %lt3A_107 : vector<16xi32>
        %not3A = arith.constant dense<true> : vector<16xi1>
        %not3A_109 = arith.xori %lt3A_108, %not3A : vector<16xi1>
        %mul3A_110 = arith.constant 16 : i32
        %mul3A_111 = arith.muli %scan3A_101, %mul3A_110 : i32
        %add3A_112 = vector.broadcast %mul3A_111 : i32 to vector<16xi32>
        %add3A_113 = arith.addi %add3A_112, %iota3A : vector<16xi32>
        %swap3A = arith.index_cast %scan3A_102 : i32 to index
        %swap3A_114 = tpu.vector_load %arg7[%swap3A] masked %lt3A_108 {strides = array<i32>} : memref<864xi32, #tpu.memory_space<vmem>>, vector<16xi32>, vector<16xi1>
        tpu.vector_store %arg7[%swap3A], %get3A_106 masked %lt3A_108 {strides = array<i32>} : memref<864xi32, #tpu.memory_space<vmem>>, vector<16xi32>, vector<16xi1>
        %swap3A_115 = arith.index_cast %scan3A_102 : i32 to index
        %swap3A_116 = tpu.vector_load %arg8[%swap3A_115] masked %lt3A_108 {strides = array<i32>} : memref<864xi32, #tpu.memory_space<vmem>>, vector<16xi32>, vector<16xi1>
        tpu.vector_store %arg8[%swap3A_115], %add3A_113 masked %lt3A_108 {strides = array<i32>} : memref<864xi32, #tpu.memory_space<vmem>>, vector<16xi32>, vector<16xi1>
        %sub3A = arith.constant 500000 : i32
        %sub3A_117 = vector.broadcast %sub3A : i32 to vector<16xi32>
        %sub3A_118 = arith.subi %get3A_106, %sub3A_117 : vector<16xi32>
        %swap3A_119 = arith.index_cast %scan3A_103 : i32 to index
        %swap3A_120 = tpu.vector_load %arg9[%swap3A_119] masked %not3A_109 {strides = array<i32>} : memref<864xi32, #tpu.memory_space<vmem>>, vector<16xi32>, vector<16xi1>
        tpu.vector_store %arg9[%swap3A_119], %sub3A_118 masked %not3A_109 {strides = array<i32>} : memref<864xi32, #tpu.memory_space<vmem>>, vector<16xi32>, vector<16xi1>
        %swap3A_121 = arith.index_cast %scan3A_103 : i32 to index
        %swap3A_122 = tpu.vector_load %arg10[%swap3A_121] masked %not3A_109 {strides = array<i32>} : memref<864xi32, #tpu.memory_space<vmem>>, vector<16xi32>, vector<16xi1>
        tpu.vector_store %arg10[%swap3A_121], %add3A_113 masked %not3A_109 {strides = array<i32>} : memref<864xi32, #tpu.memory_space<vmem>>, vector<16xi32>, vector<16xi1>
        %convert_element_type3A_123 = arith.extui %lt3A_108 : vector<16xi1> to vector<16xi32>
        %reduce_sum3A = arith.constant true
        %reduce_sum3A_124 = vector.broadcast %reduce_sum3A : i1 to vector<16xi1>
        %reduce_sum3A_125 = tpu.scan <sum>, %convert_element_type3A_123 masked %reduce_sum3A_124 : vector<16xi32>, vector<16xi1> -> vector<16xi32>
        %reduce_sum3A_126 = vector.extract %reduce_sum3A_125[15] : i32 from vector<16xi32>
        %add3A_127 = arith.addi %scan3A_102, %reduce_sum3A_126 : i32
        %sub3A_128 = arith.constant 16 : i32
        %sub3A_129 = arith.subi %sub3A_128, %reduce_sum3A_126 : i32
        %add3A_130 = arith.addi %scan3A_103, %sub3A_129 : i32
        scf.yield %add3A_127, %add3A_130 : i32, i32
      }
      %scan3A_24 = arith.constant 52 : i32
      %rem3A = arith.constant 16 : i32
      %rem3A_25 = arith.remsi %scan3A_23#0, %rem3A : i32
      %ne3A = arith.constant 0 : i32
      %ne3A_26 = arith.cmpi ne, %rem3A_25, %ne3A : i32
      %convert_element_type3A = arith.extui %ne3A_26 : i1 to i32
      %cond3A = arith.constant 0 : i32
      %cond3A_27 = arith.cmpi ne, %convert_element_type3A, %cond3A : i32
      scf.if %cond3A_27 {
        %sub3A = arith.constant 16 : i32
        %sub3A_101 = arith.subi %scan3A_23#0, %sub3A : i32
        %max3A = arith.constant 0 : i32
        %max3A_102 = arith.maxsi %sub3A_101, %max3A : i32
        %sub3A_103 = arith.constant 1 : i32
        %sub3A_104 = arith.subi %scan3A_23#0, %sub3A_103 : i32
        %sub3A_105 = arith.subi %sub3A_104, %max3A_102 : i32
        %get3A = arith.index_cast %max3A_102 : i32 to index
        %get3A_106 = tpu.vector_load %arg7[%get3A] {strides = array<i32>} : memref<864xi32, #tpu.memory_space<vmem>>, vector<16xi32>,
        %get3A_107 = arith.index_cast %max3A_102 : i32 to index
        %get3A_108 = tpu.vector_load %arg8[%get3A_107] {strides = array<i32>} : memref<864xi32, #tpu.memory_space<vmem>>, vector<16xi32>,
        %eq3A = vector.broadcast %sub3A_105 : i32 to vector<16xi32>
        %eq3A_109 = arith.cmpi eq, %iota3A, %eq3A : vector<16xi32>
        %jit3A = arith.constant 0 : i32
        %broadcast_in_dim3A = vector.broadcast %jit3A : i32 to vector<16xi32>
        %select_n3A = arith.select %eq3A_109, %get3A_106, %broadcast_in_dim3A : vector<16xi1>, vector<16xi32>
        %reduce_sum3A = arith.constant true
        %reduce_sum3A_110 = vector.broadcast %reduce_sum3A : i1 to vector<16xi1>
        %reduce_sum3A_111 = tpu.scan <sum>, %select_n3A masked %reduce_sum3A_110 : vector<16xi32>, vector<16xi1> -> vector<16xi32>
        %reduce_sum3A_112 = vector.extract %reduce_sum3A_111[15] : i32 from vector<16xi32>
        %jit3A_113 = arith.constant 0 : i32
        %broadcast_in_dim3A_114 = vector.broadcast %jit3A_113 : i32 to vector<16xi32>
        %select_n3A_115 = arith.select %eq3A_109, %get3A_108, %broadcast_in_dim3A_114 : vector<16xi1>, vector<16xi32>
        %reduce_sum3A_116 = arith.constant true
        %reduce_sum3A_117 = vector.broadcast %reduce_sum3A_116 : i1 to vector<16xi1>
        %reduce_sum3A_118 = tpu.scan <sum>, %select_n3A_115 masked %reduce_sum3A_117 : vector<16xi32>, vector<16xi1> -> vector<16xi32>
        %reduce_sum3A_119 = vector.extract %reduce_sum3A_118[15] : i32 from vector<16xi32>
        %broadcast_in_dim3A_120 = vector.broadcast %reduce_sum3A_112 : i32 to vector<16xi32>
        %swap3A = arith.index_cast %scan3A_23#0 : i32 to index
        %swap3A_121 = tpu.vector_load %arg7[%swap3A] {strides = array<i32>} : memref<864xi32, #tpu.memory_space<vmem>>, vector<16xi32>,
        tpu.vector_store %arg7[%swap3A], %broadcast_in_dim3A_120 {strides = array<i32>} : memref<864xi32, #tpu.memory_space<vmem>>, vector<16xi32>,
        %broadcast_in_dim3A_122 = vector.broadcast %reduce_sum3A_119 : i32 to vector<16xi32>
        %swap3A_123 = arith.index_cast %scan3A_23#0 : i32 to index
        %swap3A_124 = tpu.vector_load %arg8[%swap3A_123] {strides = array<i32>} : memref<864xi32, #tpu.memory_space<vmem>>, vector<16xi32>,
        tpu.vector_store %arg8[%swap3A_123], %broadcast_in_dim3A_122 {strides = array<i32>} : memref<864xi32, #tpu.memory_space<vmem>>, vector<16xi32>,
      } else {
      }
      %rem3A_28 = arith.constant 16 : i32
      %rem3A_29 = arith.remsi %scan3A_23#1, %rem3A_28 : i32
      %ne3A_30 = arith.constant 0 : i32
      %ne3A_31 = arith.cmpi ne, %rem3A_29, %ne3A_30 : i32
      %convert_element_type3A_32 = arith.extui %ne3A_31 : i1 to i32
      %cond3A_33 = arith.constant 0 : i32
      %cond3A_34 = arith.cmpi ne, %convert_element_type3A_32, %cond3A_33 : i32
      scf.if %cond3A_34 {
        %sub3A = arith.constant 16 : i32
        %sub3A_101 = arith.subi %scan3A_23#1, %sub3A : i32
        %max3A = arith.constant 0 : i32
        %max3A_102 = arith.maxsi %sub3A_101, %max3A : i32
        %sub3A_103 = arith.constant 1 : i32
        %sub3A_104 = arith.subi %scan3A_23#1, %sub3A_103 : i32
        %sub3A_105 = arith.subi %sub3A_104, %max3A_102 : i32
        %get3A = arith.index_cast %max3A_102 : i32 to index
        %get3A_106 = tpu.vector_load %arg9[%get3A] {strides = array<i32>} : memref<864xi32, #tpu.memory_space<vmem>>, vector<16xi32>,
        %get3A_107 = arith.index_cast %max3A_102 : i32 to index
        %get3A_108 = tpu.vector_load %arg10[%get3A_107] {strides = array<i32>} : memref<864xi32, #tpu.memory_space<vmem>>, vector<16xi32>,
        %eq3A = vector.broadcast %sub3A_105 : i32 to vector<16xi32>
        %eq3A_109 = arith.cmpi eq, %iota3A, %eq3A : vector<16xi32>
        %jit3A = arith.constant 0 : i32
        %broadcast_in_dim3A = vector.broadcast %jit3A : i32 to vector<16xi32>
        %select_n3A = arith.select %eq3A_109, %get3A_106, %broadcast_in_dim3A : vector<16xi1>, vector<16xi32>
        %reduce_sum3A = arith.constant true
        %reduce_sum3A_110 = vector.broadcast %reduce_sum3A : i1 to vector<16xi1>
        %reduce_sum3A_111 = tpu.scan <sum>, %select_n3A masked %reduce_sum3A_110 : vector<16xi32>, vector<16xi1> -> vector<16xi32>
        %reduce_sum3A_112 = vector.extract %reduce_sum3A_111[15] : i32 from vector<16xi32>
        %jit3A_113 = arith.constant 0 : i32
        %broadcast_in_dim3A_114 = vector.broadcast %jit3A_113 : i32 to vector<16xi32>
        %select_n3A_115 = arith.select %eq3A_109, %get3A_108, %broadcast_in_dim3A_114 : vector<16xi1>, vector<16xi32>
        %reduce_sum3A_116 = arith.constant true
        %reduce_sum3A_117 = vector.broadcast %reduce_sum3A_116 : i1 to vector<16xi1>
        %reduce_sum3A_118 = tpu.scan <sum>, %select_n3A_115 masked %reduce_sum3A_117 : vector<16xi32>, vector<16xi1> -> vector<16xi32>
        %reduce_sum3A_119 = vector.extract %reduce_sum3A_118[15] : i32 from vector<16xi32>
        %broadcast_in_dim3A_120 = vector.broadcast %reduce_sum3A_112 : i32 to vector<16xi32>
        %swap3A = arith.index_cast %scan3A_23#1 : i32 to index
        %swap3A_121 = tpu.vector_load %arg9[%swap3A] {strides = array<i32>} : memref<864xi32, #tpu.memory_space<vmem>>, vector<16xi32>,
        tpu.vector_store %arg9[%swap3A], %broadcast_in_dim3A_120 {strides = array<i32>} : memref<864xi32, #tpu.memory_space<vmem>>, vector<16xi32>,
        %broadcast_in_dim3A_122 = vector.broadcast %reduce_sum3A_119 : i32 to vector<16xi32>
        %swap3A_123 = arith.index_cast %scan3A_23#1 : i32 to index
        %swap3A_124 = tpu.vector_load %arg10[%swap3A_123] {strides = array<i32>} : memref<864xi32, #tpu.memory_space<vmem>>, vector<16xi32>,
        tpu.vector_store %arg10[%swap3A_123], %broadcast_in_dim3A_122 {strides = array<i32>} : memref<864xi32, #tpu.memory_space<vmem>>, vector<16xi32>,
      } else {
      }
      %add3A_35 = arith.constant 15 : i32
      %add3A_36 = arith.addi %scan3A_23#0, %add3A_35 : i32
      %div3A = arith.constant 16 : i32
      %div3A_37 = arith.divsi %add3A_36, %div3A : i32
      %add3A_38 = arith.constant 15 : i32
      %add3A_39 = arith.addi %scan3A_23#1, %add3A_38 : i32
      %div3A_40 = arith.constant 16 : i32
      %div3A_41 = arith.divsi %add3A_39, %div3A_40 : i32
      %mul3A_42 = arith.constant 16 : i32
      %mul3A_43 = arith.muli %div3A_37, %mul3A_42 : i32
      %while3A = arith.constant 0 : i32
      %while3A_44 = arith.constant 0 : i32
      %while3A_45 = arith.subi %div3A_37, %while3A_44 : i32
      %while3A_46 = arith.addi %while3A_44, %while3A_45 : i32
      %while3A_47 = arith.constant 1 : i32
      %while3A_48 = arith.divsi %while3A_45, %while3A_47 : i32
      %while3A_49 = arith.muli %while3A_48, %while3A_47 : i32
      %while3A_50 = arith.addi %while3A_44, %while3A_49 : i32
      %while3A_51 = arith.constant 1 : i32
      scf.for %while3A_101 = %while3A_44 to %while3A_50 step %while3A_51  : i32 {
        %mul3A_102 = arith.constant 16 : i32
        %mul3A_103 = arith.muli %while3A_101, %mul3A_102 : i32
        %mul3A_104 = arith.constant 16 : i32
        %mul3A_105 = arith.muli %while3A_101, %mul3A_104 : i32
        %dma_start3A_106 = arith.constant 0 : i32
        %dma_start3A_107 = tpu.memref_slice %arg11[%mul3A_105, %dma_start3A_106] : memref<864x64xf32, #tpu.memory_space<vmem>> -> memref<16x64xf32, #tpu.memory_space<vmem>>
        %dma_start3A_108 = tpu.memref_slice %arg7[%mul3A_103] : memref<864xi32, #tpu.memory_space<vmem>> -> memref<16xi32, #tpu.memory_space<vmem>>
        %dma_start3A_109 = arith.constant 0 : i32
        %dma_start3A_110 = arith.constant 0 : i32
        %dma_start3A_111 = tpu.memref_slice %arg3[%dma_start3A_109, %dma_start3A_110] : memref<500000x64xf32, #tpu.memory_space<hbm>> -> memref<500000x64xf32, #tpu.memory_space<hbm>>
        tpu.enqueue_indirect_dma source(%dma_start3A_111 : memref<500000x64xf32, #tpu.memory_space<hbm>>) target(%dma_start3A_107 : memref<16x64xf32, #tpu.memory_space<vmem>>) offsets(%dma_start3A_108 : memref<16xi32, #tpu.memory_space<vmem>>) semaphore(%arg13 : memref<!tpu.dma_semaphore, #tpu.memory_space<semaphore_mem>>)
      }
      %while3A_52 = arith.constant 1 : i32
      scf.for %while3A_101 = %while3A_50 to %while3A_46 step %while3A_52  : i32 {
        %mul3A_102 = arith.constant 16 : i32
        %mul3A_103 = arith.muli %while3A_101, %mul3A_102 : i32
        %mul3A_104 = arith.constant 16 : i32
        %mul3A_105 = arith.muli %while3A_101, %mul3A_104 : i32
        %dma_start3A_106 = arith.constant 0 : i32
        %dma_start3A_107 = tpu.memref_slice %arg11[%mul3A_105, %dma_start3A_106] : memref<864x64xf32, #tpu.memory_space<vmem>> -> memref<16x64xf32, #tpu.memory_space<vmem>>
        %dma_start3A_108 = tpu.memref_slice %arg7[%mul3A_103] : memref<864xi32, #tpu.memory_space<vmem>> -> memref<16xi32, #tpu.memory_space<vmem>>
        %dma_start3A_109 = arith.constant 0 : i32
        %dma_start3A_110 = arith.constant 0 : i32
        %dma_start3A_111 = tpu.memref_slice %arg3[%dma_start3A_109, %dma_start3A_110] : memref<500000x64xf32, #tpu.memory_space<hbm>> -> memref<500000x64xf32, #tpu.memory_space<hbm>>
        tpu.enqueue_indirect_dma source(%dma_start3A_111 : memref<500000x64xf32, #tpu.memory_space<hbm>>) target(%dma_start3A_107 : memref<16x64xf32, #tpu.memory_space<vmem>>) offsets(%dma_start3A_108 : memref<16xi32, #tpu.memory_space<vmem>>) semaphore(%arg13 : memref<!tpu.dma_semaphore, #tpu.memory_space<semaphore_mem>>)
      }
      %while3A_53 = arith.constant 0 : i32
      %while3A_54 = arith.constant 0 : i32
      %while3A_55 = arith.subi %div3A_41, %while3A_54 : i32
      %while3A_56 = arith.addi %while3A_54, %while3A_55 : i32
      %while3A_57 = arith.constant 1 : i32
      %while3A_58 = arith.divsi %while3A_55, %while3A_57 : i32
      %while3A_59 = arith.muli %while3A_58, %while3A_57 : i32
      %while3A_60 = arith.addi %while3A_54, %while3A_59 : i32
      %while3A_61 = arith.constant 1 : i32
      scf.for %while3A_101 = %while3A_54 to %while3A_60 step %while3A_61  : i32 {
        %mul3A_102 = arith.constant 16 : i32
        %mul3A_103 = arith.muli %while3A_101, %mul3A_102 : i32
        %mul3A_104 = arith.constant 16 : i32
        %mul3A_105 = arith.muli %while3A_101, %mul3A_104 : i32
        %add3A_106 = arith.addi %mul3A_43, %mul3A_105 : i32
        %dma_start3A_107 = arith.constant 0 : i32
        %dma_start3A_108 = tpu.memref_slice %arg11[%add3A_106, %dma_start3A_107] : memref<864x64xf32, #tpu.memory_space<vmem>> -> memref<16x64xf32, #tpu.memory_space<vmem>>
        %dma_start3A_109 = tpu.memref_slice %arg9[%mul3A_103] : memref<864xi32, #tpu.memory_space<vmem>> -> memref<16xi32, #tpu.memory_space<vmem>>
        %dma_start3A_110 = arith.constant 0 : i32
        %dma_start3A_111 = arith.constant 0 : i32
        %dma_start3A_112 = tpu.memref_slice %arg4[%dma_start3A_110, %dma_start3A_111] : memref<500000x64xf32, #tpu.memory_space<hbm>> -> memref<500000x64xf32, #tpu.memory_space<hbm>>
        tpu.enqueue_indirect_dma source(%dma_start3A_112 : memref<500000x64xf32, #tpu.memory_space<hbm>>) target(%dma_start3A_108 : memref<16x64xf32, #tpu.memory_space<vmem>>) offsets(%dma_start3A_109 : memref<16xi32, #tpu.memory_space<vmem>>) semaphore(%arg13 : memref<!tpu.dma_semaphore, #tpu.memory_space<semaphore_mem>>)
      }
      %while3A_62 = arith.constant 1 : i32
      scf.for %while3A_101 = %while3A_60 to %while3A_56 step %while3A_62  : i32 {
        %mul3A_102 = arith.constant 16 : i32
        %mul3A_103 = arith.muli %while3A_101, %mul3A_102 : i32
        %mul3A_104 = arith.constant 16 : i32
        %mul3A_105 = arith.muli %while3A_101, %mul3A_104 : i32
        %add3A_106 = arith.addi %mul3A_43, %mul3A_105 : i32
        %dma_start3A_107 = arith.constant 0 : i32
        %dma_start3A_108 = tpu.memref_slice %arg11[%add3A_106, %dma_start3A_107] : memref<864x64xf32, #tpu.memory_space<vmem>> -> memref<16x64xf32, #tpu.memory_space<vmem>>
        %dma_start3A_109 = tpu.memref_slice %arg9[%mul3A_103] : memref<864xi32, #tpu.memory_space<vmem>> -> memref<16xi32, #tpu.memory_space<vmem>>
        %dma_start3A_110 = arith.constant 0 : i32
        %dma_start3A_111 = arith.constant 0 : i32
        %dma_start3A_112 = tpu.memref_slice %arg4[%dma_start3A_110, %dma_start3A_111] : memref<500000x64xf32, #tpu.memory_space<hbm>> -> memref<500000x64xf32, #tpu.memory_space<hbm>>
        tpu.enqueue_indirect_dma source(%dma_start3A_112 : memref<500000x64xf32, #tpu.memory_space<hbm>>) target(%dma_start3A_108 : memref<16x64xf32, #tpu.memory_space<vmem>>) offsets(%dma_start3A_109 : memref<16xi32, #tpu.memory_space<vmem>>) semaphore(%arg13 : memref<!tpu.dma_semaphore, #tpu.memory_space<semaphore_mem>>)
      }
      %add3A_63 = arith.addi %div3A_37, %div3A_41 : i32
      %while3A_64 = arith.constant 0 : i32
      %while3A_65 = arith.constant 0 : i32
      %while3A_66 = arith.subi %add3A_63, %while3A_65 : i32
      %while3A_67 = arith.addi %while3A_65, %while3A_66 : i32
      %while3A_68 = arith.constant 1 : i32
      %while3A_69 = arith.divsi %while3A_66, %while3A_68 : i32
      %while3A_70 = arith.muli %while3A_69, %while3A_68 : i32
      %while3A_71 = arith.addi %while3A_65, %while3A_70 : i32
      %while3A_72 = arith.constant 1 : i32
      scf.for %while3A_101 = %while3A_65 to %while3A_71 step %while3A_72  : i32 {
        %dma_wait3A_102 = arith.constant 0 : i32
        %dma_wait3A_103 = arith.constant 0 : i32
        %dma_wait3A_104 = tpu.memref_slice %arg11[%dma_wait3A_102, %dma_wait3A_103] : memref<864x64xf32, #tpu.memory_space<vmem>> -> memref<16x64xf32, #tpu.memory_space<vmem>>
        %dma_wait3A_105 = arith.constant 0 : i32
        %dma_wait3A_106 = tpu.memref_slice %arg7[%dma_wait3A_105] : memref<864xi32, #tpu.memory_space<vmem>> -> memref<16xi32, #tpu.memory_space<vmem>>
        %dma_wait3A_107 = arith.constant 0 : i32
        %dma_wait3A_108 = arith.constant 0 : i32
        %dma_wait3A_109 = tpu.memref_slice %arg3[%dma_wait3A_107, %dma_wait3A_108] : memref<500000x64xf32, #tpu.memory_space<hbm>> -> memref<500000x64xf32, #tpu.memory_space<hbm>>
        tpu.wait_indirect_dma semaphore(%arg13 : memref<!tpu.dma_semaphore, #tpu.memory_space<semaphore_mem>>) src(%dma_wait3A_109 : memref<500000x64xf32, #tpu.memory_space<hbm>>) dst(%dma_wait3A_104 : memref<16x64xf32, #tpu.memory_space<vmem>>)
      }
      %while3A_73 = arith.constant 1 : i32
      scf.for %while3A_101 = %while3A_71 to %while3A_67 step %while3A_73  : i32 {
        %dma_wait3A_102 = arith.constant 0 : i32
        %dma_wait3A_103 = arith.constant 0 : i32
        %dma_wait3A_104 = tpu.memref_slice %arg11[%dma_wait3A_102, %dma_wait3A_103] : memref<864x64xf32, #tpu.memory_space<vmem>> -> memref<16x64xf32, #tpu.memory_space<vmem>>
        %dma_wait3A_105 = arith.constant 0 : i32
        %dma_wait3A_106 = tpu.memref_slice %arg7[%dma_wait3A_105] : memref<864xi32, #tpu.memory_space<vmem>> -> memref<16xi32, #tpu.memory_space<vmem>>
        %dma_wait3A_107 = arith.constant 0 : i32
        %dma_wait3A_108 = arith.constant 0 : i32
        %dma_wait3A_109 = tpu.memref_slice %arg3[%dma_wait3A_107, %dma_wait3A_108] : memref<500000x64xf32, #tpu.memory_space<hbm>> -> memref<500000x64xf32, #tpu.memory_space<hbm>>
        tpu.wait_indirect_dma semaphore(%arg13 : memref<!tpu.dma_semaphore, #tpu.memory_space<semaphore_mem>>) src(%dma_wait3A_109 : memref<500000x64xf32, #tpu.memory_space<hbm>>) dst(%dma_wait3A_104 : memref<16x64xf32, #tpu.memory_space<vmem>>)
      }
      %gt3A = arith.constant 0 : i32
      %gt3A_74 = arith.cmpi sgt, %scan3A_13, %gt3A : i32
      %convert_element_type3A_75 = arith.extui %gt3A_74 : i1 to i32
      %cond3A_76 = arith.constant 0 : i32
      %cond3A_77 = arith.cmpi ne, %convert_element_type3A_75, %cond3A_76 : i32
      scf.if %cond3A_77 {
        %sub3A = arith.constant 832 : i32
        %sub3A_101 = arith.subi %add3A_16, %sub3A : i32
        %dma_wait3A_102 = arith.constant 0 : i32
        %dma_wait3A_103 = tpu.memref_slice %arg5[%sub3A_101, %dma_wait3A_102] : memref<425984x64xf32, #tpu.memory_space<hbm>> -> memref<832x64xf32, #tpu.memory_space<hbm>>
        %dma_wait3A_104 = arith.constant 0 : i32
        %dma_wait3A_105 = tpu.memref_slice %arg5[%sub3A_101, %dma_wait3A_104] : memref<425984x64xf32, #tpu.memory_space<hbm>> -> memref<832x64xf32, #tpu.memory_space<hbm>>
        tpu.wait_dma2 semaphore(%arg14 : memref<!tpu.dma_semaphore, #tpu.memory_space<semaphore_mem>>) src(%arg12 : memref<832x64xf32, #tpu.memory_space<vmem>>) dst(%dma_wait3A_105 : memref<832x64xf32, #tpu.memory_space<hbm>>)
      } else {
      }
      %while3A_78 = arith.constant 0 : i32
      %while3A_79 = arith.constant 0 : i32
      %while3A_80 = arith.subi %div3A_37, %while3A_79 : i32
      %while3A_81 = arith.addi %while3A_79, %while3A_80 : i32
      %while3A_82 = arith.constant 1 : i32
      %while3A_83 = arith.divsi %while3A_80, %while3A_82 : i32
      %while3A_84 = arith.muli %while3A_83, %while3A_82 : i32
      %while3A_85 = arith.addi %while3A_79, %while3A_84 : i32
      %while3A_86 = arith.constant 1 : i32
      scf.for %while3A_101 = %while3A_79 to %while3A_85 step %while3A_86  : i32 {
        %mul3A_102 = arith.constant 16 : i32
        %mul3A_103 = arith.muli %while3A_101, %mul3A_102 : i32
        %add3A_104 = arith.constant 0 : i32
        %add3A_105 = arith.addi %mul3A_103, %add3A_104 : i32
        %broadcast_in_dim3A = vector.broadcast %add3A_105 : i32 to vector<16xi32>
        %gather3A = tpu.vector_load_idx %arg8[%broadcast_in_dim3A] : memref<864xi32, #tpu.memory_space<vmem>>[vector<16xi32>], vector<16xi32>,
        %add3A_106 = arith.constant 0 : i32
        %add3A_107 = arith.addi %add3A_106, %add3A_105 : i32
        %get3A = arith.index_cast %add3A_107 : i32 to index
        %get3A_108 = arith.constant 0 : index
        %get3A_109 = tpu.vector_load %arg11[%get3A, %get3A_108] {strides = array<i32>} : memref<864x64xf32, #tpu.memory_space<vmem>>, vector<16xf32>,
        %add3A_110 = arith.constant 0 : i32
        %add3A_111 = vector.broadcast %add3A_110 : i32 to vector<16xi32>
        %add3A_112 = arith.addi %add3A_111, %iota3A : vector<16xi32>
        tpu.vector_store_idx %arg12[%gather3A, %add3A_112], %get3A_109 : memref<832x64xf32, #tpu.memory_space<vmem>>[vector<16xi32>, vector<16xi32>], vector<16xf32>,
        %get3A_113 = arith.index_cast %add3A_107 : i32 to index
        %get3A_114 = arith.constant 16 : index
        %get3A_115 = tpu.vector_load %arg11[%get3A_113, %get3A_114] {strides = array<i32>} : memref<864x64xf32, #tpu.memory_space<vmem>>, vector<16xf32>,
        %add3A_116 = arith.constant 16 : i32
        %add3A_117 = vector.broadcast %add3A_116 : i32 to vector<16xi32>
        %add3A_118 = arith.addi %add3A_117, %iota3A : vector<16xi32>
        tpu.vector_store_idx %arg12[%gather3A, %add3A_118], %get3A_115 : memref<832x64xf32, #tpu.memory_space<vmem>>[vector<16xi32>, vector<16xi32>], vector<16xf32>,
        %get3A_119 = arith.index_cast %add3A_107 : i32 to index
        %get3A_120 = arith.constant 32 : index
        %get3A_121 = tpu.vector_load %arg11[%get3A_119, %get3A_120] {strides = array<i32>} : memref<864x64xf32, #tpu.memory_space<vmem>>, vector<16xf32>,
        %add3A_122 = arith.constant 32 : i32
        %add3A_123 = vector.broadcast %add3A_122 : i32 to vector<16xi32>
        %add3A_124 = arith.addi %add3A_123, %iota3A : vector<16xi32>
        tpu.vector_store_idx %arg12[%gather3A, %add3A_124], %get3A_121 : memref<832x64xf32, #tpu.memory_space<vmem>>[vector<16xi32>, vector<16xi32>], vector<16xf32>,
        %get3A_125 = arith.index_cast %add3A_107 : i32 to index
        %get3A_126 = arith.constant 48 : index
        %get3A_127 = tpu.vector_load %arg11[%get3A_125, %get3A_126] {strides = array<i32>} : memref<864x64xf32, #tpu.memory_space<vmem>>, vector<16xf32>,
        %add3A_128 = arith.constant 48 : i32
        %add3A_129 = vector.broadcast %add3A_128 : i32 to vector<16xi32>
        %add3A_130 = arith.addi %add3A_129, %iota3A : vector<16xi32>
        tpu.vector_store_idx %arg12[%gather3A, %add3A_130], %get3A_127 : memref<832x64xf32, #tpu.memory_space<vmem>>[vector<16xi32>, vector<16xi32>], vector<16xf32>,
        %mul3A_131 = arith.constant 16 : i32
        %mul3A_132 = arith.muli %while3A_101, %mul3A_131 : i32
        %add3A_133 = arith.constant 1 : i32
        %add3A_134 = arith.addi %mul3A_132, %add3A_133 : i32
        %broadcast_in_dim3A_135 = vector.broadcast %add3A_134 : i32 to vector<16xi32>
        %gather3A_136 = tpu.vector_load_idx %arg8[%broadcast_in_dim3A_135] : memref<864xi32, #tpu.memory_space<vmem>>[vector<16xi32>], vector<16xi32>,
        %add3A_137 = arith.constant 0 : i32
        %add3A_138 = arith.addi %add3A_137, %add3A_134 : i32
        %get3A_139 = arith.index_cast %add3A_138 : i32 to index
        %get3A_140 = arith.constant 0 : index
        %get3A_141 = tpu.vector_load %arg11[%get3A_139, %get3A_140] {strides = array<i32>} : memref<864x64xf32, #tpu.memory_space<vmem>>, vector<16xf32>,
        %add3A_142 = arith.constant 0 : i32
        %add3A_143 = vector.broadcast %add3A_142 : i32 to vector<16xi32>
        %add3A_144 = arith.addi %add3A_143, %iota3A : vector<16xi32>
        tpu.vector_store_idx %arg12[%gather3A_136, %add3A_144], %get3A_141 : memref<832x64xf32, #tpu.memory_space<vmem>>[vector<16xi32>, vector<16xi32>], vector<16xf32>,
        %get3A_145 = arith.index_cast %add3A_138 : i32 to index
        %get3A_146 = arith.constant 16 : index
        %get3A_147 = tpu.vector_load %arg11[%get3A_145, %get3A_146] {strides = array<i32>} : memref<864x64xf32, #tpu.memory_space<vmem>>, vector<16xf32>,
        %add3A_148 = arith.constant 16 : i32
        %add3A_149 = vector.broadcast %add3A_148 : i32 to vector<16xi32>
        %add3A_150 = arith.addi %add3A_149, %iota3A : vector<16xi32>
        tpu.vector_store_idx %arg12[%gather3A_136, %add3A_150], %get3A_147 : memref<832x64xf32, #tpu.memory_space<vmem>>[vector<16xi32>, vector<16xi32>], vector<16xf32>,
        %get3A_151 = arith.index_cast %add3A_138 : i32 to index
        %get3A_152 = arith.constant 32 : index
        %get3A_153 = tpu.vector_load %arg11[%get3A_151, %get3A_152] {strides = array<i32>} : memref<864x64xf32, #tpu.memory_space<vmem>>, vector<16xf32>,
        %add3A_154 = arith.constant 32 : i32
        %add3A_155 = vector.broadcast %add3A_154 : i32 to vector<16xi32>
        %add3A_156 = arith.addi %add3A_155, %iota3A : vector<16xi32>
        tpu.vector_store_idx %arg12[%gather3A_136, %add3A_156], %get3A_153 : memref<832x64xf32, #tpu.memory_space<vmem>>[vector<16xi32>, vector<16xi32>], vector<16xf32>,
        %get3A_157 = arith.index_cast %add3A_138 : i32 to index
        %get3A_158 = arith.constant 48 : index
        %get3A_159 = tpu.vector_load %arg11[%get3A_157, %get3A_158] {strides = array<i32>} : memref<864x64xf32, #tpu.memory_space<vmem>>, vector<16xf32>,
        %add3A_160 = arith.constant 48 : i32
        %add3A_161 = vector.broadcast %add3A_160 : i32 to vector<16xi32>
        %add3A_162 = arith.addi %add3A_161, %iota3A : vector<16xi32>
        tpu.vector_store_idx %arg12[%gather3A_136, %add3A_162], %get3A_159 : memref<832x64xf32, #tpu.memory_space<vmem>>[vector<16xi32>, vector<16xi32>], vector<16xf32>,
        %mul3A_163 = arith.constant 16 : i32
        %mul3A_164 = arith.muli %while3A_101, %mul3A_163 : i32
        %add3A_165 = arith.constant 2 : i32
        %add3A_166 = arith.addi %mul3A_164, %add3A_165 : i32
        %broadcast_in_dim3A_167 = vector.broadcast %add3A_166 : i32 to vector<16xi32>
        %gather3A_168 = tpu.vector_load_idx %arg8[%broadcast_in_dim3A_167] : memref<864xi32, #tpu.memory_space<vmem>>[vector<16xi32>], vector<16xi32>,
        %add3A_169 = arith.constant 0 : i32
        %add3A_170 = arith.addi %add3A_169, %add3A_166 : i32
        %get3A_171 = arith.index_cast %add3A_170 : i32 to index
        %get3A_172 = arith.constant 0 : index
        %get3A_173 = tpu.vector_load %arg11[%get3A_171, %get3A_172] {strides = array<i32>} : memref<864x64xf32, #tpu.memory_space<vmem>>, vector<16xf32>,
        %add3A_174 = arith.constant 0 : i32
        %add3A_175 = vector.broadcast %add3A_174 : i32 to vector<16xi32>
        %add3A_176 = arith.addi %add3A_175, %iota3A : vector<16xi32>
        tpu.vector_store_idx %arg12[%gather3A_168, %add3A_176], %get3A_173 : memref<832x64xf32, #tpu.memory_space<vmem>>[vector<16xi32>, vector<16xi32>], vector<16xf32>,
        %get3A_177 = arith.index_cast %add3A_170 : i32 to index
        %get3A_178 = arith.constant 16 : index
        %get3A_179 = tpu.vector_load %arg11[%get3A_177, %get3A_178] {strides = array<i32>} : memref<864x64xf32, #tpu.memory_space<vmem>>, vector<16xf32>,
        %add3A_180 = arith.constant 16 : i32
        %add3A_181 = vector.broadcast %add3A_180 : i32 to vector<16xi32>
        %add3A_182 = arith.addi %add3A_181, %iota3A : vector<16xi32>
        tpu.vector_store_idx %arg12[%gather3A_168, %add3A_182], %get3A_179 : memref<832x64xf32, #tpu.memory_space<vmem>>[vector<16xi32>, vector<16xi32>], vector<16xf32>,
        %get3A_183 = arith.index_cast %add3A_170 : i32 to index
        %get3A_184 = arith.constant 32 : index
        %get3A_185 = tpu.vector_load %arg11[%get3A_183, %get3A_184] {strides = array<i32>} : memref<864x64xf32, #tpu.memory_space<vmem>>, vector<16xf32>,
        %add3A_186 = arith.constant 32 : i32
        %add3A_187 = vector.broadcast %add3A_186 : i32 to vector<16xi32>
        %add3A_188 = arith.addi %add3A_187, %iota3A : vector<16xi32>
        tpu.vector_store_idx %arg12[%gather3A_168, %add3A_188], %get3A_185 : memref<832x64xf32, #tpu.memory_space<vmem>>[vector<16xi32>, vector<16xi32>], vector<16xf32>,
        %get3A_189 = arith.index_cast %add3A_170 : i32 to index
        %get3A_190 = arith.constant 48 : index
        %get3A_191 = tpu.vector_load %arg11[%get3A_189, %get3A_190] {strides = array<i32>} : memref<864x64xf32, #tpu.memory_space<vmem>>, vector<16xf32>,
        %add3A_192 = arith.constant 48 : i32
        %add3A_193 = vector.broadcast %add3A_192 : i32 to vector<16xi32>
        %add3A_194 = arith.addi %add3A_193, %iota3A : vector<16xi32>
        tpu.vector_store_idx %arg12[%gather3A_168, %add3A_194], %get3A_191 : memref<832x64xf32, #tpu.memory_space<vmem>>[vector<16xi32>, vector<16xi32>], vector<16xf32>,
        %mul3A_195 = arith.constant 16 : i32
        %mul3A_196 = arith.muli %while3A_101, %mul3A_195 : i32
        %add3A_197 = arith.constant 3 : i32
        %add3A_198 = arith.addi %mul3A_196, %add3A_197 : i32
        %broadcast_in_dim3A_199 = vector.broadcast %add3A_198 : i32 to vector<16xi32>
        %gather3A_200 = tpu.vector_load_idx %arg8[%broadcast_in_dim3A_199] : memref<864xi32, #tpu.memory_space<vmem>>[vector<16xi32>], vector<16xi32>,
        %add3A_201 = arith.constant 0 : i32
        %add3A_202 = arith.addi %add3A_201, %add3A_198 : i32
        %get3A_203 = arith.index_cast %add3A_202 : i32 to index
        %get3A_204 = arith.constant 0 : index
        %get3A_205 = tpu.vector_load %arg11[%get3A_203, %get3A_204] {strides = array<i32>} : memref<864x64xf32, #tpu.memory_space<vmem>>, vector<16xf32>,
        %add3A_206 = arith.constant 0 : i32
        %add3A_207 = vector.broadcast %add3A_206 : i32 to vector<16xi32>
        %add3A_208 = arith.addi %add3A_207, %iota3A : vector<16xi32>
        tpu.vector_store_idx %arg12[%gather3A_200, %add3A_208], %get3A_205 : memref<832x64xf32, #tpu.memory_space<vmem>>[vector<16xi32>, vector<16xi32>], vector<16xf32>,
        %get3A_209 = arith.index_cast %add3A_202 : i32 to index
        %get3A_210 = arith.constant 16 : index
        %get3A_211 = tpu.vector_load %arg11[%get3A_209, %get3A_210] {strides = array<i32>} : memref<864x64xf32, #tpu.memory_space<vmem>>, vector<16xf32>,
        %add3A_212 = arith.constant 16 : i32
        %add3A_213 = vector.broadcast %add3A_212 : i32 to vector<16xi32>
        %add3A_214 = arith.addi %add3A_213, %iota3A : vector<16xi32>
        tpu.vector_store_idx %arg12[%gather3A_200, %add3A_214], %get3A_211 : memref<832x64xf32, #tpu.memory_space<vmem>>[vector<16xi32>, vector<16xi32>], vector<16xf32>,
        %get3A_215 = arith.index_cast %add3A_202 : i32 to index
        %get3A_216 = arith.constant 32 : index
        %get3A_217 = tpu.vector_load %arg11[%get3A_215, %get3A_216] {strides = array<i32>} : memref<864x64xf32, #tpu.memory_space<vmem>>, vector<16xf32>,
        %add3A_218 = arith.constant 32 : i32
        %add3A_219 = vector.broadcast %add3A_218 : i32 to vector<16xi32>
        %add3A_220 = arith.addi %add3A_219, %iota3A : vector<16xi32>
        tpu.vector_store_idx %arg12[%gather3A_200, %add3A_220], %get3A_217 : memref<832x64xf32, #tpu.memory_space<vmem>>[vector<16xi32>, vector<16xi32>], vector<16xf32>,
        %get3A_221 = arith.index_cast %add3A_202 : i32 to index
        %get3A_222 = arith.constant 48 : index
        %get3A_223 = tpu.vector_load %arg11[%get3A_221, %get3A_222] {strides = array<i32>} : memref<864x64xf32, #tpu.memory_space<vmem>>, vector<16xf32>,
        %add3A_224 = arith.constant 48 : i32
        %add3A_225 = vector.broadcast %add3A_224 : i32 to vector<16xi32>
        %add3A_226 = arith.addi %add3A_225, %iota3A : vector<16xi32>
        tpu.vector_store_idx %arg12[%gather3A_200, %add3A_226], %get3A_223 : memref<832x64xf32, #tpu.memory_space<vmem>>[vector<16xi32>, vector<16xi32>], vector<16xf32>,
        %mul3A_227 = arith.constant 16 : i32
        %mul3A_228 = arith.muli %while3A_101, %mul3A_227 : i32
        %add3A_229 = arith.constant 4 : i32
        %add3A_230 = arith.addi %mul3A_228, %add3A_229 : i32
        %broadcast_in_dim3A_231 = vector.broadcast %add3A_230 : i32 to vector<16xi32>
        %gather3A_232 = tpu.vector_load_idx %arg8[%broadcast_in_dim3A_231] : memref<864xi32, #tpu.memory_space<vmem>>[vector<16xi32>], vector<16xi32>,
        %add3A_233 = arith.constant 0 : i32
        %add3A_234 = arith.addi %add3A_233, %add3A_230 : i32
        %get3A_235 = arith.index_cast %add3A_234 : i32 to index
        %get3A_236 = arith.constant 0 : index
        %get3A_237 = tpu.vector_load %arg11[%get3A_235, %get3A_236] {strides = array<i32>} : memref<864x64xf32, #tpu.memory_space<vmem>>, vector<16xf32>,
        %add3A_238 = arith.constant 0 : i32
        %add3A_239 = vector.broadcast %add3A_238 : i32 to vector<16xi32>
        %add3A_240 = arith.addi %add3A_239, %iota3A : vector<16xi32>
        tpu.vector_store_idx %arg12[%gather3A_232, %add3A_240], %get3A_237 : memref<832x64xf32, #tpu.memory_space<vmem>>[vector<16xi32>, vector<16xi32>], vector<16xf32>,
        %get3A_241 = arith.index_cast %add3A_234 : i32 to index
        %get3A_242 = arith.constant 16 : index
        %get3A_243 = tpu.vector_load %arg11[%get3A_241, %get3A_242] {strides = array<i32>} : memref<864x64xf32, #tpu.memory_space<vmem>>, vector<16xf32>,
        %add3A_244 = arith.constant 16 : i32
        %add3A_245 = vector.broadcast %add3A_244 : i32 to vector<16xi32>
        %add3A_246 = arith.addi %add3A_245, %iota3A : vector<16xi32>
        tpu.vector_store_idx %arg12[%gather3A_232, %add3A_246], %get3A_243 : memref<832x64xf32, #tpu.memory_space<vmem>>[vector<16xi32>, vector<16xi32>], vector<16xf32>,
        %get3A_247 = arith.index_cast %add3A_234 : i32 to index
        %get3A_248 = arith.constant 32 : index
        %get3A_249 = tpu.vector_load %arg11[%get3A_247, %get3A_248] {strides = array<i32>} : memref<864x64xf32, #tpu.memory_space<vmem>>, vector<16xf32>,
        %add3A_250 = arith.constant 32 : i32
        %add3A_251 = vector.broadcast %add3A_250 : i32 to vector<16xi32>
        %add3A_252 = arith.addi %add3A_251, %iota3A : vector<16xi32>
        tpu.vector_store_idx %arg12[%gather3A_232, %add3A_252], %get3A_249 : memref<832x64xf32, #tpu.memory_space<vmem>>[vector<16xi32>, vector<16xi32>], vector<16xf32>,
        %get3A_253 = arith.index_cast %add3A_234 : i32 to index
        %get3A_254 = arith.constant 48 : index
        %get3A_255 = tpu.vector_load %arg11[%get3A_253, %get3A_254] {strides = array<i32>} : memref<864x64xf32, #tpu.memory_space<vmem>>, vector<16xf32>,
        %add3A_256 = arith.constant 48 : i32
        %add3A_257 = vector.broadcast %add3A_256 : i32 to vector<16xi32>
        %add3A_258 = arith.addi %add3A_257, %iota3A : vector<16xi32>
        tpu.vector_store_idx %arg12[%gather3A_232, %add3A_258], %get3A_255 : memref<832x64xf32, #tpu.memory_space<vmem>>[vector<16xi32>, vector<16xi32>], vector<16xf32>,
        %mul3A_259 = arith.constant 16 : i32
        %mul3A_260 = arith.muli %while3A_101, %mul3A_259 : i32
        %add3A_261 = arith.constant 5 : i32
        %add3A_262 = arith.addi %mul3A_260, %add3A_261 : i32
        %broadcast_in_dim3A_263 = vector.broadcast %add3A_262 : i32 to vector<16xi32>
        %gather3A_264 = tpu.vector_load_idx %arg8[%broadcast_in_dim3A_263] : memref<864xi32, #tpu.memory_space<vmem>>[vector<16xi32>], vector<16xi32>,
        %add3A_265 = arith.constant 0 : i32
        %add3A_266 = arith.addi %add3A_265, %add3A_262 : i32
        %get3A_267 = arith.index_cast %add3A_266 : i32 to index
        %get3A_268 = arith.constant 0 : index
        %get3A_269 = tpu.vector_load %arg11[%get3A_267, %get3A_268] {strides = array<i32>} : memref<864x64xf32, #tpu.memory_space<vmem>>, vector<16xf32>,
        %add3A_270 = arith.constant 0 : i32
        %add3A_271 = vector.broadcast %add3A_270 : i32 to vector<16xi32>
        %add3A_272 = arith.addi %add3A_271, %iota3A : vector<16xi32>
        tpu.vector_store_idx %arg12[%gather3A_264, %add3A_272], %get3A_269 : memref<832x64xf32, #tpu.memory_space<vmem>>[vector<16xi32>, vector<16xi32>], vector<16xf32>,
        %get3A_273 = arith.index_cast %add3A_266 : i32 to index
        %get3A_274 = arith.constant 16 : index
        %get3A_275 = tpu.vector_load %arg11[%get3A_273, %get3A_274] {strides = array<i32>} : memref<864x64xf32, #tpu.memory_space<vmem>>, vector<16xf32>,
        %add3A_276 = arith.constant 16 : i32
        %add3A_277 = vector.broadcast %add3A_276 : i32 to vector<16xi32>
        %add3A_278 = arith.addi %add3A_277, %iota3A : vector<16xi32>
        tpu.vector_store_idx %arg12[%gather3A_264, %add3A_278], %get3A_275 : memref<832x64xf32, #tpu.memory_space<vmem>>[vector<16xi32>, vector<16xi32>], vector<16xf32>,
        %get3A_279 = arith.index_cast %add3A_266 : i32 to index
        %get3A_280 = arith.constant 32 : index
        %get3A_281 = tpu.vector_load %arg11[%get3A_279, %get3A_280] {strides = array<i32>} : memref<864x64xf32, #tpu.memory_space<vmem>>, vector<16xf32>,
        %add3A_282 = arith.constant 32 : i32
        %add3A_283 = vector.broadcast %add3A_282 : i32 to vector<16xi32>
        %add3A_284 = arith.addi %add3A_283, %iota3A : vector<16xi32>
        tpu.vector_store_idx %arg12[%gather3A_264, %add3A_284], %get3A_281 : memref<832x64xf32, #tpu.memory_space<vmem>>[vector<16xi32>, vector<16xi32>], vector<16xf32>,
        %get3A_285 = arith.index_cast %add3A_266 : i32 to index
        %get3A_286 = arith.constant 48 : index
        %get3A_287 = tpu.vector_load %arg11[%get3A_285, %get3A_286] {strides = array<i32>} : memref<864x64xf32, #tpu.memory_space<vmem>>, vector<16xf32>,
        %add3A_288 = arith.constant 48 : i32
        %add3A_289 = vector.broadcast %add3A_288 : i32 to vector<16xi32>
        %add3A_290 = arith.addi %add3A_289, %iota3A : vector<16xi32>
        tpu.vector_store_idx %arg12[%gather3A_264, %add3A_290], %get3A_287 : memref<832x64xf32, #tpu.memory_space<vmem>>[vector<16xi32>, vector<16xi32>], vector<16xf32>,
        %mul3A_291 = arith.constant 16 : i32
        %mul3A_292 = arith.muli %while3A_101, %mul3A_291 : i32
        %add3A_293 = arith.constant 6 : i32
        %add3A_294 = arith.addi %mul3A_292, %add3A_293 : i32
        %broadcast_in_dim3A_295 = vector.broadcast %add3A_294 : i32 to vector<16xi32>
        %gather3A_296 = tpu.vector_load_idx %arg8[%broadcast_in_dim3A_295] : memref<864xi32, #tpu.memory_space<vmem>>[vector<16xi32>], vector<16xi32>,
        %add3A_297 = arith.constant 0 : i32
        %add3A_298 = arith.addi %add3A_297, %add3A_294 : i32
        %get3A_299 = arith.index_cast %add3A_298 : i32 to index
        %get3A_300 = arith.constant 0 : index
        %get3A_301 = tpu.vector_load %arg11[%get3A_299, %get3A_300] {strides = array<i32>} : memref<864x64xf32, #tpu.memory_space<vmem>>, vector<16xf32>,
        %add3A_302 = arith.constant 0 : i32
        %add3A_303 = vector.broadcast %add3A_302 : i32 to vector<16xi32>
        %add3A_304 = arith.addi %add3A_303, %iota3A : vector<16xi32>
        tpu.vector_store_idx %arg12[%gather3A_296, %add3A_304], %get3A_301 : memref<832x64xf32, #tpu.memory_space<vmem>>[vector<16xi32>, vector<16xi32>], vector<16xf32>,
        %get3A_305 = arith.index_cast %add3A_298 : i32 to index
        %get3A_306 = arith.constant 16 : index
        %get3A_307 = tpu.vector_load %arg11[%get3A_305, %get3A_306] {strides = array<i32>} : memref<864x64xf32, #tpu.memory_space<vmem>>, vector<16xf32>,
        %add3A_308 = arith.constant 16 : i32
        %add3A_309 = vector.broadcast %add3A_308 : i32 to vector<16xi32>
        %add3A_310 = arith.addi %add3A_309, %iota3A : vector<16xi32>
        tpu.vector_store_idx %arg12[%gather3A_296, %add3A_310], %get3A_307 : memref<832x64xf32, #tpu.memory_space<vmem>>[vector<16xi32>, vector<16xi32>], vector<16xf32>,
        %get3A_311 = arith.index_cast %add3A_298 : i32 to index
        %get3A_312 = arith.constant 32 : index
        %get3A_313 = tpu.vector_load %arg11[%get3A_311, %get3A_312] {strides = array<i32>} : memref<864x64xf32, #tpu.memory_space<vmem>>, vector<16xf32>,
        %add3A_314 = arith.constant 32 : i32
        %add3A_315 = vector.broadcast %add3A_314 : i32 to vector<16xi32>
        %add3A_316 = arith.addi %add3A_315, %iota3A : vector<16xi32>
        tpu.vector_store_idx %arg12[%gather3A_296, %add3A_316], %get3A_313 : memref<832x64xf32, #tpu.memory_space<vmem>>[vector<16xi32>, vector<16xi32>], vector<16xf32>,
        %get3A_317 = arith.index_cast %add3A_298 : i32 to index
        %get3A_318 = arith.constant 48 : index
        %get3A_319 = tpu.vector_load %arg11[%get3A_317, %get3A_318] {strides = array<i32>} : memref<864x64xf32, #tpu.memory_space<vmem>>, vector<16xf32>,
        %add3A_320 = arith.constant 48 : i32
        %add3A_321 = vector.broadcast %add3A_320 : i32 to vector<16xi32>
        %add3A_322 = arith.addi %add3A_321, %iota3A : vector<16xi32>
        tpu.vector_store_idx %arg12[%gather3A_296, %add3A_322], %get3A_319 : memref<832x64xf32, #tpu.memory_space<vmem>>[vector<16xi32>, vector<16xi32>], vector<16xf32>,
        %mul3A_323 = arith.constant 16 : i32
        %mul3A_324 = arith.muli %while3A_101, %mul3A_323 : i32
        %add3A_325 = arith.constant 7 : i32
        %add3A_326 = arith.addi %mul3A_324, %add3A_325 : i32
        %broadcast_in_dim3A_327 = vector.broadcast %add3A_326 : i32 to vector<16xi32>
        %gather3A_328 = tpu.vector_load_idx %arg8[%broadcast_in_dim3A_327] : memref<864xi32, #tpu.memory_space<vmem>>[vector<16xi32>], vector<16xi32>,
        %add3A_329 = arith.constant 0 : i32
        %add3A_330 = arith.addi %add3A_329, %add3A_326 : i32
        %get3A_331 = arith.index_cast %add3A_330 : i32 to index
        %get3A_332 = arith.constant 0 : index
        %get3A_333 = tpu.vector_load %arg11[%get3A_331, %get3A_332] {strides = array<i32>} : memref<864x64xf32, #tpu.memory_space<vmem>>, vector<16xf32>,
        %add3A_334 = arith.constant 0 : i32
        %add3A_335 = vector.broadcast %add3A_334 : i32 to vector<16xi32>
        %add3A_336 = arith.addi %add3A_335, %iota3A : vector<16xi32>
        tpu.vector_store_idx %arg12[%gather3A_328, %add3A_336], %get3A_333 : memref<832x64xf32, #tpu.memory_space<vmem>>[vector<16xi32>, vector<16xi32>], vector<16xf32>,
        %get3A_337 = arith.index_cast %add3A_330 : i32 to index
        %get3A_338 = arith.constant 16 : index
        %get3A_339 = tpu.vector_load %arg11[%get3A_337, %get3A_338] {strides = array<i32>} : memref<864x64xf32, #tpu.memory_space<vmem>>, vector<16xf32>,
        %add3A_340 = arith.constant 16 : i32
        %add3A_341 = vector.broadcast %add3A_340 : i32 to vector<16xi32>
        %add3A_342 = arith.addi %add3A_341, %iota3A : vector<16xi32>
        tpu.vector_store_idx %arg12[%gather3A_328, %add3A_342], %get3A_339 : memref<832x64xf32, #tpu.memory_space<vmem>>[vector<16xi32>, vector<16xi32>], vector<16xf32>,
        %get3A_343 = arith.index_cast %add3A_330 : i32 to index
        %get3A_344 = arith.constant 32 : index
        %get3A_345 = tpu.vector_load %arg11[%get3A_343, %get3A_344] {strides = array<i32>} : memref<864x64xf32, #tpu.memory_space<vmem>>, vector<16xf32>,
        %add3A_346 = arith.constant 32 : i32
        %add3A_347 = vector.broadcast %add3A_346 : i32 to vector<16xi32>
        %add3A_348 = arith.addi %add3A_347, %iota3A : vector<16xi32>
        tpu.vector_store_idx %arg12[%gather3A_328, %add3A_348], %get3A_345 : memref<832x64xf32, #tpu.memory_space<vmem>>[vector<16xi32>, vector<16xi32>], vector<16xf32>,
        %get3A_349 = arith.index_cast %add3A_330 : i32 to index
        %get3A_350 = arith.constant 48 : index
        %get3A_351 = tpu.vector_load %arg11[%get3A_349, %get3A_350] {strides = array<i32>} : memref<864x64xf32, #tpu.memory_space<vmem>>, vector<16xf32>,
        %add3A_352 = arith.constant 48 : i32
        %add3A_353 = vector.broadcast %add3A_352 : i32 to vector<16xi32>
        %add3A_354 = arith.addi %add3A_353, %iota3A : vector<16xi32>
        tpu.vector_store_idx %arg12[%gather3A_328, %add3A_354], %get3A_351 : memref<832x64xf32, #tpu.memory_space<vmem>>[vector<16xi32>, vector<16xi32>], vector<16xf32>,
        %mul3A_355 = arith.constant 16 : i32
        %mul3A_356 = arith.muli %while3A_101, %mul3A_355 : i32
        %add3A_357 = arith.constant 8 : i32
        %add3A_358 = arith.addi %mul3A_356, %add3A_357 : i32
        %broadcast_in_dim3A_359 = vector.broadcast %add3A_358 : i32 to vector<16xi32>
        %gather3A_360 = tpu.vector_load_idx %arg8[%broadcast_in_dim3A_359] : memref<864xi32, #tpu.memory_space<vmem>>[vector<16xi32>], vector<16xi32>,
        %add3A_361 = arith.constant 0 : i32
        %add3A_362 = arith.addi %add3A_361, %add3A_358 : i32
        %get3A_363 = arith.index_cast %add3A_362 : i32 to index
        %get3A_364 = arith.constant 0 : index
        %get3A_365 = tpu.vector_load %arg11[%get3A_363, %get3A_364] {strides = array<i32>} : memref<864x64xf32, #tpu.memory_space<vmem>>, vector<16xf32>,
        %add3A_366 = arith.constant 0 : i32
        %add3A_367 = vector.broadcast %add3A_366 : i32 to vector<16xi32>
        %add3A_368 = arith.addi %add3A_367, %iota3A : vector<16xi32>
        tpu.vector_store_idx %arg12[%gather3A_360, %add3A_368], %get3A_365 : memref<832x64xf32, #tpu.memory_space<vmem>>[vector<16xi32>, vector<16xi32>], vector<16xf32>,
        %get3A_369 = arith.index_cast %add3A_362 : i32 to index
        %get3A_370 = arith.constant 16 : index
        %get3A_371 = tpu.vector_load %arg11[%get3A_369, %get3A_370] {strides = array<i32>} : memref<864x64xf32, #tpu.memory_space<vmem>>, vector<16xf32>,
        %add3A_372 = arith.constant 16 : i32
        %add3A_373 = vector.broadcast %add3A_372 : i32 to vector<16xi32>
        %add3A_374 = arith.addi %add3A_373, %iota3A : vector<16xi32>
        tpu.vector_store_idx %arg12[%gather3A_360, %add3A_374], %get3A_371 : memref<832x64xf32, #tpu.memory_space<vmem>>[vector<16xi32>, vector<16xi32>], vector<16xf32>,
        %get3A_375 = arith.index_cast %add3A_362 : i32 to index
        %get3A_376 = arith.constant 32 : index
        %get3A_377 = tpu.vector_load %arg11[%get3A_375, %get3A_376] {strides = array<i32>} : memref<864x64xf32, #tpu.memory_space<vmem>>, vector<16xf32>,
        %add3A_378 = arith.constant 32 : i32
        %add3A_379 = vector.broadcast %add3A_378 : i32 to vector<16xi32>
        %add3A_380 = arith.addi %add3A_379, %iota3A : vector<16xi32>
        tpu.vector_store_idx %arg12[%gather3A_360, %add3A_380], %get3A_377 : memref<832x64xf32, #tpu.memory_space<vmem>>[vector<16xi32>, vector<16xi32>], vector<16xf32>,
        %get3A_381 = arith.index_cast %add3A_362 : i32 to index
        %get3A_382 = arith.constant 48 : index
        %get3A_383 = tpu.vector_load %arg11[%get3A_381, %get3A_382] {strides = array<i32>} : memref<864x64xf32, #tpu.memory_space<vmem>>, vector<16xf32>,
        %add3A_384 = arith.constant 48 : i32
        %add3A_385 = vector.broadcast %add3A_384 : i32 to vector<16xi32>
        %add3A_386 = arith.addi %add3A_385, %iota3A : vector<16xi32>
        tpu.vector_store_idx %arg12[%gather3A_360, %add3A_386], %get3A_383 : memref<832x64xf32, #tpu.memory_space<vmem>>[vector<16xi32>, vector<16xi32>], vector<16xf32>,
        %mul3A_387 = arith.constant 16 : i32
        %mul3A_388 = arith.muli %while3A_101, %mul3A_387 : i32
        %add3A_389 = arith.constant 9 : i32
        %add3A_390 = arith.addi %mul3A_388, %add3A_389 : i32
        %broadcast_in_dim3A_391 = vector.broadcast %add3A_390 : i32 to vector<16xi32>
        %gather3A_392 = tpu.vector_load_idx %arg8[%broadcast_in_dim3A_391] : memref<864xi32, #tpu.memory_space<vmem>>[vector<16xi32>], vector<16xi32>,
        %add3A_393 = arith.constant 0 : i32
        %add3A_394 = arith.addi %add3A_393, %add3A_390 : i32
        %get3A_395 = arith.index_cast %add3A_394 : i32 to index
        %get3A_396 = arith.constant 0 : index
        %get3A_397 = tpu.vector_load %arg11[%get3A_395, %get3A_396] {strides = array<i32>} : memref<864x64xf32, #tpu.memory_space<vmem>>, vector<16xf32>,
        %add3A_398 = arith.constant 0 : i32
        %add3A_399 = vector.broadcast %add3A_398 : i32 to vector<16xi32>
        %add3A_400 = arith.addi %add3A_399, %iota3A : vector<16xi32>
        tpu.vector_store_idx %arg12[%gather3A_392, %add3A_400], %get3A_397 : memref<832x64xf32, #tpu.memory_space<vmem>>[vector<16xi32>, vector<16xi32>], vector<16xf32>,
        %get3A_401 = arith.index_cast %add3A_394 : i32 to index
        %get3A_402 = arith.constant 16 : index
        %get3A_403 = tpu.vector_load %arg11[%get3A_401, %get3A_402] {strides = array<i32>} : memref<864x64xf32, #tpu.memory_space<vmem>>, vector<16xf32>,
        %add3A_404 = arith.constant 16 : i32
        %add3A_405 = vector.broadcast %add3A_404 : i32 to vector<16xi32>
        %add3A_406 = arith.addi %add3A_405, %iota3A : vector<16xi32>
        tpu.vector_store_idx %arg12[%gather3A_392, %add3A_406], %get3A_403 : memref<832x64xf32, #tpu.memory_space<vmem>>[vector<16xi32>, vector<16xi32>], vector<16xf32>,
        %get3A_407 = arith.index_cast %add3A_394 : i32 to index
        %get3A_408 = arith.constant 32 : index
        %get3A_409 = tpu.vector_load %arg11[%get3A_407, %get3A_408] {strides = array<i32>} : memref<864x64xf32, #tpu.memory_space<vmem>>, vector<16xf32>,
        %add3A_410 = arith.constant 32 : i32
        %add3A_411 = vector.broadcast %add3A_410 : i32 to vector<16xi32>
        %add3A_412 = arith.addi %add3A_411, %iota3A : vector<16xi32>
        tpu.vector_store_idx %arg12[%gather3A_392, %add3A_412], %get3A_409 : memref<832x64xf32, #tpu.memory_space<vmem>>[vector<16xi32>, vector<16xi32>], vector<16xf32>,
        %get3A_413 = arith.index_cast %add3A_394 : i32 to index
        %get3A_414 = arith.constant 48 : index
        %get3A_415 = tpu.vector_load %arg11[%get3A_413, %get3A_414] {strides = array<i32>} : memref<864x64xf32, #tpu.memory_space<vmem>>, vector<16xf32>,
        %add3A_416 = arith.constant 48 : i32
        %add3A_417 = vector.broadcast %add3A_416 : i32 to vector<16xi32>
        %add3A_418 = arith.addi %add3A_417, %iota3A : vector<16xi32>
        tpu.vector_store_idx %arg12[%gather3A_392, %add3A_418], %get3A_415 : memref<832x64xf32, #tpu.memory_space<vmem>>[vector<16xi32>, vector<16xi32>], vector<16xf32>,
        %mul3A_419 = arith.constant 16 : i32
        %mul3A_420 = arith.muli %while3A_101, %mul3A_419 : i32
        %add3A_421 = arith.constant 10 : i32
        %add3A_422 = arith.addi %mul3A_420, %add3A_421 : i32
        %broadcast_in_dim3A_423 = vector.broadcast %add3A_422 : i32 to vector<16xi32>
        %gather3A_424 = tpu.vector_load_idx %arg8[%broadcast_in_dim3A_423] : memref<864xi32, #tpu.memory_space<vmem>>[vector<16xi32>], vector<16xi32>,
        %add3A_425 = arith.constant 0 : i32
        %add3A_426 = arith.addi %add3A_425, %add3A_422 : i32
        %get3A_427 = arith.index_cast %add3A_426 : i32 to index
        %get3A_428 = arith.constant 0 : index
        %get3A_429 = tpu.vector_load %arg11[%get3A_427, %get3A_428] {strides = array<i32>} : memref<864x64xf32, #tpu.memory_space<vmem>>, vector<16xf32>,
        %add3A_430 = arith.constant 0 : i32
        %add3A_431 = vector.broadcast %add3A_430 : i32 to vector<16xi32>
        %add3A_432 = arith.addi %add3A_431, %iota3A : vector<16xi32>
        tpu.vector_store_idx %arg12[%gather3A_424, %add3A_432], %get3A_429 : memref<832x64xf32, #tpu.memory_space<vmem>>[vector<16xi32>, vector<16xi32>], vector<16xf32>,
        %get3A_433 = arith.index_cast %add3A_426 : i32 to index
        %get3A_434 = arith.constant 16 : index
        %get3A_435 = tpu.vector_load %arg11[%get3A_433, %get3A_434] {strides = array<i32>} : memref<864x64xf32, #tpu.memory_space<vmem>>, vector<16xf32>,
        %add3A_436 = arith.constant 16 : i32
        %add3A_437 = vector.broadcast %add3A_436 : i32 to vector<16xi32>
        %add3A_438 = arith.addi %add3A_437, %iota3A : vector<16xi32>
        tpu.vector_store_idx %arg12[%gather3A_424, %add3A_438], %get3A_435 : memref<832x64xf32, #tpu.memory_space<vmem>>[vector<16xi32>, vector<16xi32>], vector<16xf32>,
        %get3A_439 = arith.index_cast %add3A_426 : i32 to index
        %get3A_440 = arith.constant 32 : index
        %get3A_441 = tpu.vector_load %arg11[%get3A_439, %get3A_440] {strides = array<i32>} : memref<864x64xf32, #tpu.memory_space<vmem>>, vector<16xf32>,
        %add3A_442 = arith.constant 32 : i32
        %add3A_443 = vector.broadcast %add3A_442 : i32 to vector<16xi32>
        %add3A_444 = arith.addi %add3A_443, %iota3A : vector<16xi32>
        tpu.vector_store_idx %arg12[%gather3A_424, %add3A_444], %get3A_441 : memref<832x64xf32, #tpu.memory_space<vmem>>[vector<16xi32>, vector<16xi32>], vector<16xf32>,
        %get3A_445 = arith.index_cast %add3A_426 : i32 to index
        %get3A_446 = arith.constant 48 : index
        %get3A_447 = tpu.vector_load %arg11[%get3A_445, %get3A_446] {strides = array<i32>} : memref<864x64xf32, #tpu.memory_space<vmem>>, vector<16xf32>,
        %add3A_448 = arith.constant 48 : i32
        %add3A_449 = vector.broadcast %add3A_448 : i32 to vector<16xi32>
        %add3A_450 = arith.addi %add3A_449, %iota3A : vector<16xi32>
        tpu.vector_store_idx %arg12[%gather3A_424, %add3A_450], %get3A_447 : memref<832x64xf32, #tpu.memory_space<vmem>>[vector<16xi32>, vector<16xi32>], vector<16xf32>,
        %mul3A_451 = arith.constant 16 : i32
        %mul3A_452 = arith.muli %while3A_101, %mul3A_451 : i32
        %add3A_453 = arith.constant 11 : i32
        %add3A_454 = arith.addi %mul3A_452, %add3A_453 : i32
        %broadcast_in_dim3A_455 = vector.broadcast %add3A_454 : i32 to vector<16xi32>
        %gather3A_456 = tpu.vector_load_idx %arg8[%broadcast_in_dim3A_455] : memref<864xi32, #tpu.memory_space<vmem>>[vector<16xi32>], vector<16xi32>,
        %add3A_457 = arith.constant 0 : i32
        %add3A_458 = arith.addi %add3A_457, %add3A_454 : i32
        %get3A_459 = arith.index_cast %add3A_458 : i32 to index
        %get3A_460 = arith.constant 0 : index
        %get3A_461 = tpu.vector_load %arg11[%get3A_459, %get3A_460] {strides = array<i32>} : memref<864x64xf32, #tpu.memory_space<vmem>>, vector<16xf32>,
        %add3A_462 = arith.constant 0 : i32
        %add3A_463 = vector.broadcast %add3A_462 : i32 to vector<16xi32>
        %add3A_464 = arith.addi %add3A_463, %iota3A : vector<16xi32>
        tpu.vector_store_idx %arg12[%gather3A_456, %add3A_464], %get3A_461 : memref<832x64xf32, #tpu.memory_space<vmem>>[vector<16xi32>, vector<16xi32>], vector<16xf32>,
        %get3A_465 = arith.index_cast %add3A_458 : i32 to index
        %get3A_466 = arith.constant 16 : index
        %get3A_467 = tpu.vector_load %arg11[%get3A_465, %get3A_466] {strides = array<i32>} : memref<864x64xf32, #tpu.memory_space<vmem>>, vector<16xf32>,
        %add3A_468 = arith.constant 16 : i32
        %add3A_469 = vector.broadcast %add3A_468 : i32 to vector<16xi32>
        %add3A_470 = arith.addi %add3A_469, %iota3A : vector<16xi32>
        tpu.vector_store_idx %arg12[%gather3A_456, %add3A_470], %get3A_467 : memref<832x64xf32, #tpu.memory_space<vmem>>[vector<16xi32>, vector<16xi32>], vector<16xf32>,
        %get3A_471 = arith.index_cast %add3A_458 : i32 to index
        %get3A_472 = arith.constant 32 : index
        %get3A_473 = tpu.vector_load %arg11[%get3A_471, %get3A_472] {strides = array<i32>} : memref<864x64xf32, #tpu.memory_space<vmem>>, vector<16xf32>,
        %add3A_474 = arith.constant 32 : i32
        %add3A_475 = vector.broadcast %add3A_474 : i32 to vector<16xi32>
        %add3A_476 = arith.addi %add3A_475, %iota3A : vector<16xi32>
        tpu.vector_store_idx %arg12[%gather3A_456, %add3A_476], %get3A_473 : memref<832x64xf32, #tpu.memory_space<vmem>>[vector<16xi32>, vector<16xi32>], vector<16xf32>,
        %get3A_477 = arith.index_cast %add3A_458 : i32 to index
        %get3A_478 = arith.constant 48 : index
        %get3A_479 = tpu.vector_load %arg11[%get3A_477, %get3A_478] {strides = array<i32>} : memref<864x64xf32, #tpu.memory_space<vmem>>, vector<16xf32>,
        %add3A_480 = arith.constant 48 : i32
        %add3A_481 = vector.broadcast %add3A_480 : i32 to vector<16xi32>
        %add3A_482 = arith.addi %add3A_481, %iota3A : vector<16xi32>
        tpu.vector_store_idx %arg12[%gather3A_456, %add3A_482], %get3A_479 : memref<832x64xf32, #tpu.memory_space<vmem>>[vector<16xi32>, vector<16xi32>], vector<16xf32>,
        %mul3A_483 = arith.constant 16 : i32
        %mul3A_484 = arith.muli %while3A_101, %mul3A_483 : i32
        %add3A_485 = arith.constant 12 : i32
        %add3A_486 = arith.addi %mul3A_484, %add3A_485 : i32
        %broadcast_in_dim3A_487 = vector.broadcast %add3A_486 : i32 to vector<16xi32>
        %gather3A_488 = tpu.vector_load_idx %arg8[%broadcast_in_dim3A_487] : memref<864xi32, #tpu.memory_space<vmem>>[vector<16xi32>], vector<16xi32>,
        %add3A_489 = arith.constant 0 : i32
        %add3A_490 = arith.addi %add3A_489, %add3A_486 : i32
        %get3A_491 = arith.index_cast %add3A_490 : i32 to index
        %get3A_492 = arith.constant 0 : index
        %get3A_493 = tpu.vector_load %arg11[%get3A_491, %get3A_492] {strides = array<i32>} : memref<864x64xf32, #tpu.memory_space<vmem>>, vector<16xf32>,
        %add3A_494 = arith.constant 0 : i32
        %add3A_495 = vector.broadcast %add3A_494 : i32 to vector<16xi32>
        %add3A_496 = arith.addi %add3A_495, %iota3A : vector<16xi32>
        tpu.vector_store_idx %arg12[%gather3A_488, %add3A_496], %get3A_493 : memref<832x64xf32, #tpu.memory_space<vmem>>[vector<16xi32>, vector<16xi32>], vector<16xf32>,
        %get3A_497 = arith.index_cast %add3A_490 : i32 to index
        %get3A_498 = arith.constant 16 : index
        %get3A_499 = tpu.vector_load %arg11[%get3A_497, %get3A_498] {strides = array<i32>} : memref<864x64xf32, #tpu.memory_space<vmem>>, vector<16xf32>,
        %add3A_500 = arith.constant 16 : i32
        %add3A_501 = vector.broadcast %add3A_500 : i32 to vector<16xi32>
        %add3A_502 = arith.addi %add3A_501, %iota3A : vector<16xi32>
        tpu.vector_store_idx %arg12[%gather3A_488, %add3A_502], %get3A_499 : memref<832x64xf32, #tpu.memory_space<vmem>>[vector<16xi32>, vector<16xi32>], vector<16xf32>,
        %get3A_503 = arith.index_cast %add3A_490 : i32 to index
        %get3A_504 = arith.constant 32 : index
        %get3A_505 = tpu.vector_load %arg11[%get3A_503, %get3A_504] {strides = array<i32>} : memref<864x64xf32, #tpu.memory_space<vmem>>, vector<16xf32>,
        %add3A_506 = arith.constant 32 : i32
        %add3A_507 = vector.broadcast %add3A_506 : i32 to vector<16xi32>
        %add3A_508 = arith.addi %add3A_507, %iota3A : vector<16xi32>
        tpu.vector_store_idx %arg12[%gather3A_488, %add3A_508], %get3A_505 : memref<832x64xf32, #tpu.memory_space<vmem>>[vector<16xi32>, vector<16xi32>], vector<16xf32>,
        %get3A_509 = arith.index_cast %add3A_490 : i32 to index
        %get3A_510 = arith.constant 48 : index
        %get3A_511 = tpu.vector_load %arg11[%get3A_509, %get3A_510] {strides = array<i32>} : memref<864x64xf32, #tpu.memory_space<vmem>>, vector<16xf32>,
        %add3A_512 = arith.constant 48 : i32
        %add3A_513 = vector.broadcast %add3A_512 : i32 to vector<16xi32>
        %add3A_514 = arith.addi %add3A_513, %iota3A : vector<16xi32>
        tpu.vector_store_idx %arg12[%gather3A_488, %add3A_514], %get3A_511 : memref<832x64xf32, #tpu.memory_space<vmem>>[vector<16xi32>, vector<16xi32>], vector<16xf32>,
        %mul3A_515 = arith.constant 16 : i32
        %mul3A_516 = arith.muli %while3A_101, %mul3A_515 : i32
        %add3A_517 = arith.constant 13 : i32
        %add3A_518 = arith.addi %mul3A_516, %add3A_517 : i32
        %broadcast_in_dim3A_519 = vector.broadcast %add3A_518 : i32 to vector<16xi32>
        %gather3A_520 = tpu.vector_load_idx %arg8[%broadcast_in_dim3A_519] : memref<864xi32, #tpu.memory_space<vmem>>[vector<16xi32>], vector<16xi32>,
        %add3A_521 = arith.constant 0 : i32
        %add3A_522 = arith.addi %add3A_521, %add3A_518 : i32
        %get3A_523 = arith.index_cast %add3A_522 : i32 to index
        %get3A_524 = arith.constant 0 : index
        %get3A_525 = tpu.vector_load %arg11[%get3A_523, %get3A_524] {strides = array<i32>} : memref<864x64xf32, #tpu.memory_space<vmem>>, vector<16xf32>,
        %add3A_526 = arith.constant 0 : i32
        %add3A_527 = vector.broadcast %add3A_526 : i32 to vector<16xi32>
        %add3A_528 = arith.addi %add3A_527, %iota3A : vector<16xi32>
        tpu.vector_store_idx %arg12[%gather3A_520, %add3A_528], %get3A_525 : memref<832x64xf32, #tpu.memory_space<vmem>>[vector<16xi32>, vector<16xi32>], vector<16xf32>,
        %get3A_529 = arith.index_cast %add3A_522 : i32 to index
        %get3A_530 = arith.constant 16 : index
        %get3A_531 = tpu.vector_load %arg11[%get3A_529, %get3A_530] {strides = array<i32>} : memref<864x64xf32, #tpu.memory_space<vmem>>, vector<16xf32>,
        %add3A_532 = arith.constant 16 : i32
        %add3A_533 = vector.broadcast %add3A_532 : i32 to vector<16xi32>
        %add3A_534 = arith.addi %add3A_533, %iota3A : vector<16xi32>
        tpu.vector_store_idx %arg12[%gather3A_520, %add3A_534], %get3A_531 : memref<832x64xf32, #tpu.memory_space<vmem>>[vector<16xi32>, vector<16xi32>], vector<16xf32>,
        %get3A_535 = arith.index_cast %add3A_522 : i32 to index
        %get3A_536 = arith.constant 32 : index
        %get3A_537 = tpu.vector_load %arg11[%get3A_535, %get3A_536] {strides = array<i32>} : memref<864x64xf32, #tpu.memory_space<vmem>>, vector<16xf32>,
        %add3A_538 = arith.constant 32 : i32
        %add3A_539 = vector.broadcast %add3A_538 : i32 to vector<16xi32>
        %add3A_540 = arith.addi %add3A_539, %iota3A : vector<16xi32>
        tpu.vector_store_idx %arg12[%gather3A_520, %add3A_540], %get3A_537 : memref<832x64xf32, #tpu.memory_space<vmem>>[vector<16xi32>, vector<16xi32>], vector<16xf32>,
        %get3A_541 = arith.index_cast %add3A_522 : i32 to index
        %get3A_542 = arith.constant 48 : index
        %get3A_543 = tpu.vector_load %arg11[%get3A_541, %get3A_542] {strides = array<i32>} : memref<864x64xf32, #tpu.memory_space<vmem>>, vector<16xf32>,
        %add3A_544 = arith.constant 48 : i32
        %add3A_545 = vector.broadcast %add3A_544 : i32 to vector<16xi32>
        %add3A_546 = arith.addi %add3A_545, %iota3A : vector<16xi32>
        tpu.vector_store_idx %arg12[%gather3A_520, %add3A_546], %get3A_543 : memref<832x64xf32, #tpu.memory_space<vmem>>[vector<16xi32>, vector<16xi32>], vector<16xf32>,
        %mul3A_547 = arith.constant 16 : i32
        %mul3A_548 = arith.muli %while3A_101, %mul3A_547 : i32
        %add3A_549 = arith.constant 14 : i32
        %add3A_550 = arith.addi %mul3A_548, %add3A_549 : i32
        %broadcast_in_dim3A_551 = vector.broadcast %add3A_550 : i32 to vector<16xi32>
        %gather3A_552 = tpu.vector_load_idx %arg8[%broadcast_in_dim3A_551] : memref<864xi32, #tpu.memory_space<vmem>>[vector<16xi32>], vector<16xi32>,
        %add3A_553 = arith.constant 0 : i32
        %add3A_554 = arith.addi %add3A_553, %add3A_550 : i32
        %get3A_555 = arith.index_cast %add3A_554 : i32 to index
        %get3A_556 = arith.constant 0 : index
        %get3A_557 = tpu.vector_load %arg11[%get3A_555, %get3A_556] {strides = array<i32>} : memref<864x64xf32, #tpu.memory_space<vmem>>, vector<16xf32>,
        %add3A_558 = arith.constant 0 : i32
        %add3A_559 = vector.broadcast %add3A_558 : i32 to vector<16xi32>
        %add3A_560 = arith.addi %add3A_559, %iota3A : vector<16xi32>
        tpu.vector_store_idx %arg12[%gather3A_552, %add3A_560], %get3A_557 : memref<832x64xf32, #tpu.memory_space<vmem>>[vector<16xi32>, vector<16xi32>], vector<16xf32>,
        %get3A_561 = arith.index_cast %add3A_554 : i32 to index
        %get3A_562 = arith.constant 16 : index
        %get3A_563 = tpu.vector_load %arg11[%get3A_561, %get3A_562] {strides = array<i32>} : memref<864x64xf32, #tpu.memory_space<vmem>>, vector<16xf32>,
        %add3A_564 = arith.constant 16 : i32
        %add3A_565 = vector.broadcast %add3A_564 : i32 to vector<16xi32>
        %add3A_566 = arith.addi %add3A_565, %iota3A : vector<16xi32>
        tpu.vector_store_idx %arg12[%gather3A_552, %add3A_566], %get3A_563 : memref<832x64xf32, #tpu.memory_space<vmem>>[vector<16xi32>, vector<16xi32>], vector<16xf32>,
        %get3A_567 = arith.index_cast %add3A_554 : i32 to index
        %get3A_568 = arith.constant 32 : index
        %get3A_569 = tpu.vector_load %arg11[%get3A_567, %get3A_568] {strides = array<i32>} : memref<864x64xf32, #tpu.memory_space<vmem>>, vector<16xf32>,
        %add3A_570 = arith.constant 32 : i32
        %add3A_571 = vector.broadcast %add3A_570 : i32 to vector<16xi32>
        %add3A_572 = arith.addi %add3A_571, %iota3A : vector<16xi32>
        tpu.vector_store_idx %arg12[%gather3A_552, %add3A_572], %get3A_569 : memref<832x64xf32, #tpu.memory_space<vmem>>[vector<16xi32>, vector<16xi32>], vector<16xf32>,
        %get3A_573 = arith.index_cast %add3A_554 : i32 to index
        %get3A_574 = arith.constant 48 : index
        %get3A_575 = tpu.vector_load %arg11[%get3A_573, %get3A_574] {strides = array<i32>} : memref<864x64xf32, #tpu.memory_space<vmem>>, vector<16xf32>,
        %add3A_576 = arith.constant 48 : i32
        %add3A_577 = vector.broadcast %add3A_576 : i32 to vector<16xi32>
        %add3A_578 = arith.addi %add3A_577, %iota3A : vector<16xi32>
        tpu.vector_store_idx %arg12[%gather3A_552, %add3A_578], %get3A_575 : memref<832x64xf32, #tpu.memory_space<vmem>>[vector<16xi32>, vector<16xi32>], vector<16xf32>,
        %mul3A_579 = arith.constant 16 : i32
        %mul3A_580 = arith.muli %while3A_101, %mul3A_579 : i32
        %add3A_581 = arith.constant 15 : i32
        %add3A_582 = arith.addi %mul3A_580, %add3A_581 : i32
        %broadcast_in_dim3A_583 = vector.broadcast %add3A_582 : i32 to vector<16xi32>
        %gather3A_584 = tpu.vector_load_idx %arg8[%broadcast_in_dim3A_583] : memref<864xi32, #tpu.memory_space<vmem>>[vector<16xi32>], vector<16xi32>,
        %add3A_585 = arith.constant 0 : i32
        %add3A_586 = arith.addi %add3A_585, %add3A_582 : i32
        %get3A_587 = arith.index_cast %add3A_586 : i32 to index
        %get3A_588 = arith.constant 0 : index
        %get3A_589 = tpu.vector_load %arg11[%get3A_587, %get3A_588] {strides = array<i32>} : memref<864x64xf32, #tpu.memory_space<vmem>>, vector<16xf32>,
        %add3A_590 = arith.constant 0 : i32
        %add3A_591 = vector.broadcast %add3A_590 : i32 to vector<16xi32>
        %add3A_592 = arith.addi %add3A_591, %iota3A : vector<16xi32>
        tpu.vector_store_idx %arg12[%gather3A_584, %add3A_592], %get3A_589 : memref<832x64xf32, #tpu.memory_space<vmem>>[vector<16xi32>, vector<16xi32>], vector<16xf32>,
        %get3A_593 = arith.index_cast %add3A_586 : i32 to index
        %get3A_594 = arith.constant 16 : index
        %get3A_595 = tpu.vector_load %arg11[%get3A_593, %get3A_594] {strides = array<i32>} : memref<864x64xf32, #tpu.memory_space<vmem>>, vector<16xf32>,
        %add3A_596 = arith.constant 16 : i32
        %add3A_597 = vector.broadcast %add3A_596 : i32 to vector<16xi32>
        %add3A_598 = arith.addi %add3A_597, %iota3A : vector<16xi32>
        tpu.vector_store_idx %arg12[%gather3A_584, %add3A_598], %get3A_595 : memref<832x64xf32, #tpu.memory_space<vmem>>[vector<16xi32>, vector<16xi32>], vector<16xf32>,
        %get3A_599 = arith.index_cast %add3A_586 : i32 to index
        %get3A_600 = arith.constant 32 : index
        %get3A_601 = tpu.vector_load %arg11[%get3A_599, %get3A_600] {strides = array<i32>} : memref<864x64xf32, #tpu.memory_space<vmem>>, vector<16xf32>,
        %add3A_602 = arith.constant 32 : i32
        %add3A_603 = vector.broadcast %add3A_602 : i32 to vector<16xi32>
        %add3A_604 = arith.addi %add3A_603, %iota3A : vector<16xi32>
        tpu.vector_store_idx %arg12[%gather3A_584, %add3A_604], %get3A_601 : memref<832x64xf32, #tpu.memory_space<vmem>>[vector<16xi32>, vector<16xi32>], vector<16xf32>,
        %get3A_605 = arith.index_cast %add3A_586 : i32 to index
        %get3A_606 = arith.constant 48 : index
        %get3A_607 = tpu.vector_load %arg11[%get3A_605, %get3A_606] {strides = array<i32>} : memref<864x64xf32, #tpu.memory_space<vmem>>, vector<16xf32>,
        %add3A_608 = arith.constant 48 : i32
        %add3A_609 = vector.broadcast %add3A_608 : i32 to vector<16xi32>
        %add3A_610 = arith.addi %add3A_609, %iota3A : vector<16xi32>
        tpu.vector_store_idx %arg12[%gather3A_584, %add3A_610], %get3A_607 : memref<832x64xf32, #tpu.memory_space<vmem>>[vector<16xi32>, vector<16xi32>], vector<16xf32>,
      }
      %while3A_87 = arith.constant 1 : i32
      scf.for %while3A_101 = %while3A_85 to %while3A_81 step %while3A_87  : i32 {
        %mul3A_102 = arith.constant 16 : i32
        %mul3A_103 = arith.muli %while3A_101, %mul3A_102 : i32
        %add3A_104 = arith.constant 0 : i32
        %add3A_105 = arith.addi %mul3A_103, %add3A_104 : i32
        %broadcast_in_dim3A = vector.broadcast %add3A_105 : i32 to vector<16xi32>
        %gather3A = tpu.vector_load_idx %arg8[%broadcast_in_dim3A] : memref<864xi32, #tpu.memory_space<vmem>>[vector<16xi32>], vector<16xi32>,
        %add3A_106 = arith.constant 0 : i32
        %add3A_107 = arith.addi %add3A_106, %add3A_105 : i32
        %get3A = arith.index_cast %add3A_107 : i32 to index
        %get3A_108 = arith.constant 0 : index
        %get3A_109 = tpu.vector_load %arg11[%get3A, %get3A_108] {strides = array<i32>} : memref<864x64xf32, #tpu.memory_space<vmem>>, vector<16xf32>,
        %add3A_110 = arith.constant 0 : i32
        %add3A_111 = vector.broadcast %add3A_110 : i32 to vector<16xi32>
        %add3A_112 = arith.addi %add3A_111, %iota3A : vector<16xi32>
        tpu.vector_store_idx %arg12[%gather3A, %add3A_112], %get3A_109 : memref<832x64xf32, #tpu.memory_space<vmem>>[vector<16xi32>, vector<16xi32>], vector<16xf32>,
        %get3A_113 = arith.index_cast %add3A_107 : i32 to index
        %get3A_114 = arith.constant 16 : index
        %get3A_115 = tpu.vector_load %arg11[%get3A_113, %get3A_114] {strides = array<i32>} : memref<864x64xf32, #tpu.memory_space<vmem>>, vector<16xf32>,
        %add3A_116 = arith.constant 16 : i32
        %add3A_117 = vector.broadcast %add3A_116 : i32 to vector<16xi32>
        %add3A_118 = arith.addi %add3A_117, %iota3A : vector<16xi32>
        tpu.vector_store_idx %arg12[%gather3A, %add3A_118], %get3A_115 : memref<832x64xf32, #tpu.memory_space<vmem>>[vector<16xi32>, vector<16xi32>], vector<16xf32>,
        %get3A_119 = arith.index_cast %add3A_107 : i32 to index
        %get3A_120 = arith.constant 32 : index
        %get3A_121 = tpu.vector_load %arg11[%get3A_119, %get3A_120] {strides = array<i32>} : memref<864x64xf32, #tpu.memory_space<vmem>>, vector<16xf32>,
        %add3A_122 = arith.constant 32 : i32
        %add3A_123 = vector.broadcast %add3A_122 : i32 to vector<16xi32>
        %add3A_124 = arith.addi %add3A_123, %iota3A : vector<16xi32>
        tpu.vector_store_idx %arg12[%gather3A, %add3A_124], %get3A_121 : memref<832x64xf32, #tpu.memory_space<vmem>>[vector<16xi32>, vector<16xi32>], vector<16xf32>,
        %get3A_125 = arith.index_cast %add3A_107 : i32 to index
        %get3A_126 = arith.constant 48 : index
        %get3A_127 = tpu.vector_load %arg11[%get3A_125, %get3A_126] {strides = array<i32>} : memref<864x64xf32, #tpu.memory_space<vmem>>, vector<16xf32>,
        %add3A_128 = arith.constant 48 : i32
        %add3A_129 = vector.broadcast %add3A_128 : i32 to vector<16xi32>
        %add3A_130 = arith.addi %add3A_129, %iota3A : vector<16xi32>
        tpu.vector_store_idx %arg12[%gather3A, %add3A_130], %get3A_127 : memref<832x64xf32, #tpu.memory_space<vmem>>[vector<16xi32>, vector<16xi32>], vector<16xf32>,
        %mul3A_131 = arith.constant 16 : i32
        %mul3A_132 = arith.muli %while3A_101, %mul3A_131 : i32
        %add3A_133 = arith.constant 1 : i32
        %add3A_134 = arith.addi %mul3A_132, %add3A_133 : i32
        %broadcast_in_dim3A_135 = vector.broadcast %add3A_134 : i32 to vector<16xi32>
        %gather3A_136 = tpu.vector_load_idx %arg8[%broadcast_in_dim3A_135] : memref<864xi32, #tpu.memory_space<vmem>>[vector<16xi32>], vector<16xi32>,
        %add3A_137 = arith.constant 0 : i32
        %add3A_138 = arith.addi %add3A_137, %add3A_134 : i32
        %get3A_139 = arith.index_cast %add3A_138 : i32 to index
        %get3A_140 = arith.constant 0 : index
        %get3A_141 = tpu.vector_load %arg11[%get3A_139, %get3A_140] {strides = array<i32>} : memref<864x64xf32, #tpu.memory_space<vmem>>, vector<16xf32>,
        %add3A_142 = arith.constant 0 : i32
        %add3A_143 = vector.broadcast %add3A_142 : i32 to vector<16xi32>
        %add3A_144 = arith.addi %add3A_143, %iota3A : vector<16xi32>
        tpu.vector_store_idx %arg12[%gather3A_136, %add3A_144], %get3A_141 : memref<832x64xf32, #tpu.memory_space<vmem>>[vector<16xi32>, vector<16xi32>], vector<16xf32>,
        %get3A_145 = arith.index_cast %add3A_138 : i32 to index
        %get3A_146 = arith.constant 16 : index
        %get3A_147 = tpu.vector_load %arg11[%get3A_145, %get3A_146] {strides = array<i32>} : memref<864x64xf32, #tpu.memory_space<vmem>>, vector<16xf32>,
        %add3A_148 = arith.constant 16 : i32
        %add3A_149 = vector.broadcast %add3A_148 : i32 to vector<16xi32>
        %add3A_150 = arith.addi %add3A_149, %iota3A : vector<16xi32>
        tpu.vector_store_idx %arg12[%gather3A_136, %add3A_150], %get3A_147 : memref<832x64xf32, #tpu.memory_space<vmem>>[vector<16xi32>, vector<16xi32>], vector<16xf32>,
        %get3A_151 = arith.index_cast %add3A_138 : i32 to index
        %get3A_152 = arith.constant 32 : index
        %get3A_153 = tpu.vector_load %arg11[%get3A_151, %get3A_152] {strides = array<i32>} : memref<864x64xf32, #tpu.memory_space<vmem>>, vector<16xf32>,
        %add3A_154 = arith.constant 32 : i32
        %add3A_155 = vector.broadcast %add3A_154 : i32 to vector<16xi32>
        %add3A_156 = arith.addi %add3A_155, %iota3A : vector<16xi32>
        tpu.vector_store_idx %arg12[%gather3A_136, %add3A_156], %get3A_153 : memref<832x64xf32, #tpu.memory_space<vmem>>[vector<16xi32>, vector<16xi32>], vector<16xf32>,
        %get3A_157 = arith.index_cast %add3A_138 : i32 to index
        %get3A_158 = arith.constant 48 : index
        %get3A_159 = tpu.vector_load %arg11[%get3A_157, %get3A_158] {strides = array<i32>} : memref<864x64xf32, #tpu.memory_space<vmem>>, vector<16xf32>,
        %add3A_160 = arith.constant 48 : i32
        %add3A_161 = vector.broadcast %add3A_160 : i32 to vector<16xi32>
        %add3A_162 = arith.addi %add3A_161, %iota3A : vector<16xi32>
        tpu.vector_store_idx %arg12[%gather3A_136, %add3A_162], %get3A_159 : memref<832x64xf32, #tpu.memory_space<vmem>>[vector<16xi32>, vector<16xi32>], vector<16xf32>,
        %mul3A_163 = arith.constant 16 : i32
        %mul3A_164 = arith.muli %while3A_101, %mul3A_163 : i32
        %add3A_165 = arith.constant 2 : i32
        %add3A_166 = arith.addi %mul3A_164, %add3A_165 : i32
        %broadcast_in_dim3A_167 = vector.broadcast %add3A_166 : i32 to vector<16xi32>
        %gather3A_168 = tpu.vector_load_idx %arg8[%broadcast_in_dim3A_167] : memref<864xi32, #tpu.memory_space<vmem>>[vector<16xi32>], vector<16xi32>,
        %add3A_169 = arith.constant 0 : i32
        %add3A_170 = arith.addi %add3A_169, %add3A_166 : i32
        %get3A_171 = arith.index_cast %add3A_170 : i32 to index
        %get3A_172 = arith.constant 0 : index
        %get3A_173 = tpu.vector_load %arg11[%get3A_171, %get3A_172] {strides = array<i32>} : memref<864x64xf32, #tpu.memory_space<vmem>>, vector<16xf32>,
        %add3A_174 = arith.constant 0 : i32
        %add3A_175 = vector.broadcast %add3A_174 : i32 to vector<16xi32>
        %add3A_176 = arith.addi %add3A_175, %iota3A : vector<16xi32>
        tpu.vector_store_idx %arg12[%gather3A_168, %add3A_176], %get3A_173 : memref<832x64xf32, #tpu.memory_space<vmem>>[vector<16xi32>, vector<16xi32>], vector<16xf32>,
        %get3A_177 = arith.index_cast %add3A_170 : i32 to index
        %get3A_178 = arith.constant 16 : index
        %get3A_179 = tpu.vector_load %arg11[%get3A_177, %get3A_178] {strides = array<i32>} : memref<864x64xf32, #tpu.memory_space<vmem>>, vector<16xf32>,
        %add3A_180 = arith.constant 16 : i32
        %add3A_181 = vector.broadcast %add3A_180 : i32 to vector<16xi32>
        %add3A_182 = arith.addi %add3A_181, %iota3A : vector<16xi32>
        tpu.vector_store_idx %arg12[%gather3A_168, %add3A_182], %get3A_179 : memref<832x64xf32, #tpu.memory_space<vmem>>[vector<16xi32>, vector<16xi32>], vector<16xf32>,
        %get3A_183 = arith.index_cast %add3A_170 : i32 to index
        %get3A_184 = arith.constant 32 : index
        %get3A_185 = tpu.vector_load %arg11[%get3A_183, %get3A_184] {strides = array<i32>} : memref<864x64xf32, #tpu.memory_space<vmem>>, vector<16xf32>,
        %add3A_186 = arith.constant 32 : i32
        %add3A_187 = vector.broadcast %add3A_186 : i32 to vector<16xi32>
        %add3A_188 = arith.addi %add3A_187, %iota3A : vector<16xi32>
        tpu.vector_store_idx %arg12[%gather3A_168, %add3A_188], %get3A_185 : memref<832x64xf32, #tpu.memory_space<vmem>>[vector<16xi32>, vector<16xi32>], vector<16xf32>,
        %get3A_189 = arith.index_cast %add3A_170 : i32 to index
        %get3A_190 = arith.constant 48 : index
        %get3A_191 = tpu.vector_load %arg11[%get3A_189, %get3A_190] {strides = array<i32>} : memref<864x64xf32, #tpu.memory_space<vmem>>, vector<16xf32>,
        %add3A_192 = arith.constant 48 : i32
        %add3A_193 = vector.broadcast %add3A_192 : i32 to vector<16xi32>
        %add3A_194 = arith.addi %add3A_193, %iota3A : vector<16xi32>
        tpu.vector_store_idx %arg12[%gather3A_168, %add3A_194], %get3A_191 : memref<832x64xf32, #tpu.memory_space<vmem>>[vector<16xi32>, vector<16xi32>], vector<16xf32>,
        %mul3A_195 = arith.constant 16 : i32
        %mul3A_196 = arith.muli %while3A_101, %mul3A_195 : i32
        %add3A_197 = arith.constant 3 : i32
        %add3A_198 = arith.addi %mul3A_196, %add3A_197 : i32
        %broadcast_in_dim3A_199 = vector.broadcast %add3A_198 : i32 to vector<16xi32>
        %gather3A_200 = tpu.vector_load_idx %arg8[%broadcast_in_dim3A_199] : memref<864xi32, #tpu.memory_space<vmem>>[vector<16xi32>], vector<16xi32>,
        %add3A_201 = arith.constant 0 : i32
        %add3A_202 = arith.addi %add3A_201, %add3A_198 : i32
        %get3A_203 = arith.index_cast %add3A_202 : i32 to index
        %get3A_204 = arith.constant 0 : index
        %get3A_205 = tpu.vector_load %arg11[%get3A_203, %get3A_204] {strides = array<i32>} : memref<864x64xf32, #tpu.memory_space<vmem>>, vector<16xf32>,
        %add3A_206 = arith.constant 0 : i32
        %add3A_207 = vector.broadcast %add3A_206 : i32 to vector<16xi32>
        %add3A_208 = arith.addi %add3A_207, %iota3A : vector<16xi32>
        tpu.vector_store_idx %arg12[%gather3A_200, %add3A_208], %get3A_205 : memref<832x64xf32, #tpu.memory_space<vmem>>[vector<16xi32>, vector<16xi32>], vector<16xf32>,
        %get3A_209 = arith.index_cast %add3A_202 : i32 to index
        %get3A_210 = arith.constant 16 : index
        %get3A_211 = tpu.vector_load %arg11[%get3A_209, %get3A_210] {strides = array<i32>} : memref<864x64xf32, #tpu.memory_space<vmem>>, vector<16xf32>,
        %add3A_212 = arith.constant 16 : i32
        %add3A_213 = vector.broadcast %add3A_212 : i32 to vector<16xi32>
        %add3A_214 = arith.addi %add3A_213, %iota3A : vector<16xi32>
        tpu.vector_store_idx %arg12[%gather3A_200, %add3A_214], %get3A_211 : memref<832x64xf32, #tpu.memory_space<vmem>>[vector<16xi32>, vector<16xi32>], vector<16xf32>,
        %get3A_215 = arith.index_cast %add3A_202 : i32 to index
        %get3A_216 = arith.constant 32 : index
        %get3A_217 = tpu.vector_load %arg11[%get3A_215, %get3A_216] {strides = array<i32>} : memref<864x64xf32, #tpu.memory_space<vmem>>, vector<16xf32>,
        %add3A_218 = arith.constant 32 : i32
        %add3A_219 = vector.broadcast %add3A_218 : i32 to vector<16xi32>
        %add3A_220 = arith.addi %add3A_219, %iota3A : vector<16xi32>
        tpu.vector_store_idx %arg12[%gather3A_200, %add3A_220], %get3A_217 : memref<832x64xf32, #tpu.memory_space<vmem>>[vector<16xi32>, vector<16xi32>], vector<16xf32>,
        %get3A_221 = arith.index_cast %add3A_202 : i32 to index
        %get3A_222 = arith.constant 48 : index
        %get3A_223 = tpu.vector_load %arg11[%get3A_221, %get3A_222] {strides = array<i32>} : memref<864x64xf32, #tpu.memory_space<vmem>>, vector<16xf32>,
        %add3A_224 = arith.constant 48 : i32
        %add3A_225 = vector.broadcast %add3A_224 : i32 to vector<16xi32>
        %add3A_226 = arith.addi %add3A_225, %iota3A : vector<16xi32>
        tpu.vector_store_idx %arg12[%gather3A_200, %add3A_226], %get3A_223 : memref<832x64xf32, #tpu.memory_space<vmem>>[vector<16xi32>, vector<16xi32>], vector<16xf32>,
        %mul3A_227 = arith.constant 16 : i32
        %mul3A_228 = arith.muli %while3A_101, %mul3A_227 : i32
        %add3A_229 = arith.constant 4 : i32
        %add3A_230 = arith.addi %mul3A_228, %add3A_229 : i32
        %broadcast_in_dim3A_231 = vector.broadcast %add3A_230 : i32 to vector<16xi32>
        %gather3A_232 = tpu.vector_load_idx %arg8[%broadcast_in_dim3A_231] : memref<864xi32, #tpu.memory_space<vmem>>[vector<16xi32>], vector<16xi32>,
        %add3A_233 = arith.constant 0 : i32
        %add3A_234 = arith.addi %add3A_233, %add3A_230 : i32
        %get3A_235 = arith.index_cast %add3A_234 : i32 to index
        %get3A_236 = arith.constant 0 : index
        %get3A_237 = tpu.vector_load %arg11[%get3A_235, %get3A_236] {strides = array<i32>} : memref<864x64xf32, #tpu.memory_space<vmem>>, vector<16xf32>,
        %add3A_238 = arith.constant 0 : i32
        %add3A_239 = vector.broadcast %add3A_238 : i32 to vector<16xi32>
        %add3A_240 = arith.addi %add3A_239, %iota3A : vector<16xi32>
        tpu.vector_store_idx %arg12[%gather3A_232, %add3A_240], %get3A_237 : memref<832x64xf32, #tpu.memory_space<vmem>>[vector<16xi32>, vector<16xi32>], vector<16xf32>,
        %get3A_241 = arith.index_cast %add3A_234 : i32 to index
        %get3A_242 = arith.constant 16 : index
        %get3A_243 = tpu.vector_load %arg11[%get3A_241, %get3A_242] {strides = array<i32>} : memref<864x64xf32, #tpu.memory_space<vmem>>, vector<16xf32>,
        %add3A_244 = arith.constant 16 : i32
        %add3A_245 = vector.broadcast %add3A_244 : i32 to vector<16xi32>
        %add3A_246 = arith.addi %add3A_245, %iota3A : vector<16xi32>
        tpu.vector_store_idx %arg12[%gather3A_232, %add3A_246], %get3A_243 : memref<832x64xf32, #tpu.memory_space<vmem>>[vector<16xi32>, vector<16xi32>], vector<16xf32>,
        %get3A_247 = arith.index_cast %add3A_234 : i32 to index
        %get3A_248 = arith.constant 32 : index
        %get3A_249 = tpu.vector_load %arg11[%get3A_247, %get3A_248] {strides = array<i32>} : memref<864x64xf32, #tpu.memory_space<vmem>>, vector<16xf32>,
        %add3A_250 = arith.constant 32 : i32
        %add3A_251 = vector.broadcast %add3A_250 : i32 to vector<16xi32>
        %add3A_252 = arith.addi %add3A_251, %iota3A : vector<16xi32>
        tpu.vector_store_idx %arg12[%gather3A_232, %add3A_252], %get3A_249 : memref<832x64xf32, #tpu.memory_space<vmem>>[vector<16xi32>, vector<16xi32>], vector<16xf32>,
        %get3A_253 = arith.index_cast %add3A_234 : i32 to index
        %get3A_254 = arith.constant 48 : index
        %get3A_255 = tpu.vector_load %arg11[%get3A_253, %get3A_254] {strides = array<i32>} : memref<864x64xf32, #tpu.memory_space<vmem>>, vector<16xf32>,
        %add3A_256 = arith.constant 48 : i32
        %add3A_257 = vector.broadcast %add3A_256 : i32 to vector<16xi32>
        %add3A_258 = arith.addi %add3A_257, %iota3A : vector<16xi32>
        tpu.vector_store_idx %arg12[%gather3A_232, %add3A_258], %get3A_255 : memref<832x64xf32, #tpu.memory_space<vmem>>[vector<16xi32>, vector<16xi32>], vector<16xf32>,
        %mul3A_259 = arith.constant 16 : i32
        %mul3A_260 = arith.muli %while3A_101, %mul3A_259 : i32
        %add3A_261 = arith.constant 5 : i32
        %add3A_262 = arith.addi %mul3A_260, %add3A_261 : i32
        %broadcast_in_dim3A_263 = vector.broadcast %add3A_262 : i32 to vector<16xi32>
        %gather3A_264 = tpu.vector_load_idx %arg8[%broadcast_in_dim3A_263] : memref<864xi32, #tpu.memory_space<vmem>>[vector<16xi32>], vector<16xi32>,
        %add3A_265 = arith.constant 0 : i32
        %add3A_266 = arith.addi %add3A_265, %add3A_262 : i32
        %get3A_267 = arith.index_cast %add3A_266 : i32 to index
        %get3A_268 = arith.constant 0 : index
        %get3A_269 = tpu.vector_load %arg11[%get3A_267, %get3A_268] {strides = array<i32>} : memref<864x64xf32, #tpu.memory_space<vmem>>, vector<16xf32>,
        %add3A_270 = arith.constant 0 : i32
        %add3A_271 = vector.broadcast %add3A_270 : i32 to vector<16xi32>
        %add3A_272 = arith.addi %add3A_271, %iota3A : vector<16xi32>
        tpu.vector_store_idx %arg12[%gather3A_264, %add3A_272], %get3A_269 : memref<832x64xf32, #tpu.memory_space<vmem>>[vector<16xi32>, vector<16xi32>], vector<16xf32>,
        %get3A_273 = arith.index_cast %add3A_266 : i32 to index
        %get3A_274 = arith.constant 16 : index
        %get3A_275 = tpu.vector_load %arg11[%get3A_273, %get3A_274] {strides = array<i32>} : memref<864x64xf32, #tpu.memory_space<vmem>>, vector<16xf32>,
        %add3A_276 = arith.constant 16 : i32
        %add3A_277 = vector.broadcast %add3A_276 : i32 to vector<16xi32>
        %add3A_278 = arith.addi %add3A_277, %iota3A : vector<16xi32>
        tpu.vector_store_idx %arg12[%gather3A_264, %add3A_278], %get3A_275 : memref<832x64xf32, #tpu.memory_space<vmem>>[vector<16xi32>, vector<16xi32>], vector<16xf32>,
        %get3A_279 = arith.index_cast %add3A_266 : i32 to index
        %get3A_280 = arith.constant 32 : index
        %get3A_281 = tpu.vector_load %arg11[%get3A_279, %get3A_280] {strides = array<i32>} : memref<864x64xf32, #tpu.memory_space<vmem>>, vector<16xf32>,
        %add3A_282 = arith.constant 32 : i32
        %add3A_283 = vector.broadcast %add3A_282 : i32 to vector<16xi32>
        %add3A_284 = arith.addi %add3A_283, %iota3A : vector<16xi32>
        tpu.vector_store_idx %arg12[%gather3A_264, %add3A_284], %get3A_281 : memref<832x64xf32, #tpu.memory_space<vmem>>[vector<16xi32>, vector<16xi32>], vector<16xf32>,
        %get3A_285 = arith.index_cast %add3A_266 : i32 to index
        %get3A_286 = arith.constant 48 : index
        %get3A_287 = tpu.vector_load %arg11[%get3A_285, %get3A_286] {strides = array<i32>} : memref<864x64xf32, #tpu.memory_space<vmem>>, vector<16xf32>,
        %add3A_288 = arith.constant 48 : i32
        %add3A_289 = vector.broadcast %add3A_288 : i32 to vector<16xi32>
        %add3A_290 = arith.addi %add3A_289, %iota3A : vector<16xi32>
        tpu.vector_store_idx %arg12[%gather3A_264, %add3A_290], %get3A_287 : memref<832x64xf32, #tpu.memory_space<vmem>>[vector<16xi32>, vector<16xi32>], vector<16xf32>,
        %mul3A_291 = arith.constant 16 : i32
        %mul3A_292 = arith.muli %while3A_101, %mul3A_291 : i32
        %add3A_293 = arith.constant 6 : i32
        %add3A_294 = arith.addi %mul3A_292, %add3A_293 : i32
        %broadcast_in_dim3A_295 = vector.broadcast %add3A_294 : i32 to vector<16xi32>
        %gather3A_296 = tpu.vector_load_idx %arg8[%broadcast_in_dim3A_295] : memref<864xi32, #tpu.memory_space<vmem>>[vector<16xi32>], vector<16xi32>,
        %add3A_297 = arith.constant 0 : i32
        %add3A_298 = arith.addi %add3A_297, %add3A_294 : i32
        %get3A_299 = arith.index_cast %add3A_298 : i32 to index
        %get3A_300 = arith.constant 0 : index
        %get3A_301 = tpu.vector_load %arg11[%get3A_299, %get3A_300] {strides = array<i32>} : memref<864x64xf32, #tpu.memory_space<vmem>>, vector<16xf32>,
        %add3A_302 = arith.constant 0 : i32
        %add3A_303 = vector.broadcast %add3A_302 : i32 to vector<16xi32>
        %add3A_304 = arith.addi %add3A_303, %iota3A : vector<16xi32>
        tpu.vector_store_idx %arg12[%gather3A_296, %add3A_304], %get3A_301 : memref<832x64xf32, #tpu.memory_space<vmem>>[vector<16xi32>, vector<16xi32>], vector<16xf32>,
        %get3A_305 = arith.index_cast %add3A_298 : i32 to index
        %get3A_306 = arith.constant 16 : index
        %get3A_307 = tpu.vector_load %arg11[%get3A_305, %get3A_306] {strides = array<i32>} : memref<864x64xf32, #tpu.memory_space<vmem>>, vector<16xf32>,
        %add3A_308 = arith.constant 16 : i32
        %add3A_309 = vector.broadcast %add3A_308 : i32 to vector<16xi32>
        %add3A_310 = arith.addi %add3A_309, %iota3A : vector<16xi32>
        tpu.vector_store_idx %arg12[%gather3A_296, %add3A_310], %get3A_307 : memref<832x64xf32, #tpu.memory_space<vmem>>[vector<16xi32>, vector<16xi32>], vector<16xf32>,
        %get3A_311 = arith.index_cast %add3A_298 : i32 to index
        %get3A_312 = arith.constant 32 : index
        %get3A_313 = tpu.vector_load %arg11[%get3A_311, %get3A_312] {strides = array<i32>} : memref<864x64xf32, #tpu.memory_space<vmem>>, vector<16xf32>,
        %add3A_314 = arith.constant 32 : i32
        %add3A_315 = vector.broadcast %add3A_314 : i32 to vector<16xi32>
        %add3A_316 = arith.addi %add3A_315, %iota3A : vector<16xi32>
        tpu.vector_store_idx %arg12[%gather3A_296, %add3A_316], %get3A_313 : memref<832x64xf32, #tpu.memory_space<vmem>>[vector<16xi32>, vector<16xi32>], vector<16xf32>,
        %get3A_317 = arith.index_cast %add3A_298 : i32 to index
        %get3A_318 = arith.constant 48 : index
        %get3A_319 = tpu.vector_load %arg11[%get3A_317, %get3A_318] {strides = array<i32>} : memref<864x64xf32, #tpu.memory_space<vmem>>, vector<16xf32>,
        %add3A_320 = arith.constant 48 : i32
        %add3A_321 = vector.broadcast %add3A_320 : i32 to vector<16xi32>
        %add3A_322 = arith.addi %add3A_321, %iota3A : vector<16xi32>
        tpu.vector_store_idx %arg12[%gather3A_296, %add3A_322], %get3A_319 : memref<832x64xf32, #tpu.memory_space<vmem>>[vector<16xi32>, vector<16xi32>], vector<16xf32>,
        %mul3A_323 = arith.constant 16 : i32
        %mul3A_324 = arith.muli %while3A_101, %mul3A_323 : i32
        %add3A_325 = arith.constant 7 : i32
        %add3A_326 = arith.addi %mul3A_324, %add3A_325 : i32
        %broadcast_in_dim3A_327 = vector.broadcast %add3A_326 : i32 to vector<16xi32>
        %gather3A_328 = tpu.vector_load_idx %arg8[%broadcast_in_dim3A_327] : memref<864xi32, #tpu.memory_space<vmem>>[vector<16xi32>], vector<16xi32>,
        %add3A_329 = arith.constant 0 : i32
        %add3A_330 = arith.addi %add3A_329, %add3A_326 : i32
        %get3A_331 = arith.index_cast %add3A_330 : i32 to index
        %get3A_332 = arith.constant 0 : index
        %get3A_333 = tpu.vector_load %arg11[%get3A_331, %get3A_332] {strides = array<i32>} : memref<864x64xf32, #tpu.memory_space<vmem>>, vector<16xf32>,
        %add3A_334 = arith.constant 0 : i32
        %add3A_335 = vector.broadcast %add3A_334 : i32 to vector<16xi32>
        %add3A_336 = arith.addi %add3A_335, %iota3A : vector<16xi32>
        tpu.vector_store_idx %arg12[%gather3A_328, %add3A_336], %get3A_333 : memref<832x64xf32, #tpu.memory_space<vmem>>[vector<16xi32>, vector<16xi32>], vector<16xf32>,
        %get3A_337 = arith.index_cast %add3A_330 : i32 to index
        %get3A_338 = arith.constant 16 : index
        %get3A_339 = tpu.vector_load %arg11[%get3A_337, %get3A_338] {strides = array<i32>} : memref<864x64xf32, #tpu.memory_space<vmem>>, vector<16xf32>,
        %add3A_340 = arith.constant 16 : i32
        %add3A_341 = vector.broadcast %add3A_340 : i32 to vector<16xi32>
        %add3A_342 = arith.addi %add3A_341, %iota3A : vector<16xi32>
        tpu.vector_store_idx %arg12[%gather3A_328, %add3A_342], %get3A_339 : memref<832x64xf32, #tpu.memory_space<vmem>>[vector<16xi32>, vector<16xi32>], vector<16xf32>,
        %get3A_343 = arith.index_cast %add3A_330 : i32 to index
        %get3A_344 = arith.constant 32 : index
        %get3A_345 = tpu.vector_load %arg11[%get3A_343, %get3A_344] {strides = array<i32>} : memref<864x64xf32, #tpu.memory_space<vmem>>, vector<16xf32>,
        %add3A_346 = arith.constant 32 : i32
        %add3A_347 = vector.broadcast %add3A_346 : i32 to vector<16xi32>
        %add3A_348 = arith.addi %add3A_347, %iota3A : vector<16xi32>
        tpu.vector_store_idx %arg12[%gather3A_328, %add3A_348], %get3A_345 : memref<832x64xf32, #tpu.memory_space<vmem>>[vector<16xi32>, vector<16xi32>], vector<16xf32>,
        %get3A_349 = arith.index_cast %add3A_330 : i32 to index
        %get3A_350 = arith.constant 48 : index
        %get3A_351 = tpu.vector_load %arg11[%get3A_349, %get3A_350] {strides = array<i32>} : memref<864x64xf32, #tpu.memory_space<vmem>>, vector<16xf32>,
        %add3A_352 = arith.constant 48 : i32
        %add3A_353 = vector.broadcast %add3A_352 : i32 to vector<16xi32>
        %add3A_354 = arith.addi %add3A_353, %iota3A : vector<16xi32>
        tpu.vector_store_idx %arg12[%gather3A_328, %add3A_354], %get3A_351 : memref<832x64xf32, #tpu.memory_space<vmem>>[vector<16xi32>, vector<16xi32>], vector<16xf32>,
        %mul3A_355 = arith.constant 16 : i32
        %mul3A_356 = arith.muli %while3A_101, %mul3A_355 : i32
        %add3A_357 = arith.constant 8 : i32
        %add3A_358 = arith.addi %mul3A_356, %add3A_357 : i32
        %broadcast_in_dim3A_359 = vector.broadcast %add3A_358 : i32 to vector<16xi32>
        %gather3A_360 = tpu.vector_load_idx %arg8[%broadcast_in_dim3A_359] : memref<864xi32, #tpu.memory_space<vmem>>[vector<16xi32>], vector<16xi32>,
        %add3A_361 = arith.constant 0 : i32
        %add3A_362 = arith.addi %add3A_361, %add3A_358 : i32
        %get3A_363 = arith.index_cast %add3A_362 : i32 to index
        %get3A_364 = arith.constant 0 : index
        %get3A_365 = tpu.vector_load %arg11[%get3A_363, %get3A_364] {strides = array<i32>} : memref<864x64xf32, #tpu.memory_space<vmem>>, vector<16xf32>,
        %add3A_366 = arith.constant 0 : i32
        %add3A_367 = vector.broadcast %add3A_366 : i32 to vector<16xi32>
        %add3A_368 = arith.addi %add3A_367, %iota3A : vector<16xi32>
        tpu.vector_store_idx %arg12[%gather3A_360, %add3A_368], %get3A_365 : memref<832x64xf32, #tpu.memory_space<vmem>>[vector<16xi32>, vector<16xi32>], vector<16xf32>,
        %get3A_369 = arith.index_cast %add3A_362 : i32 to index
        %get3A_370 = arith.constant 16 : index
        %get3A_371 = tpu.vector_load %arg11[%get3A_369, %get3A_370] {strides = array<i32>} : memref<864x64xf32, #tpu.memory_space<vmem>>, vector<16xf32>,
        %add3A_372 = arith.constant 16 : i32
        %add3A_373 = vector.broadcast %add3A_372 : i32 to vector<16xi32>
        %add3A_374 = arith.addi %add3A_373, %iota3A : vector<16xi32>
        tpu.vector_store_idx %arg12[%gather3A_360, %add3A_374], %get3A_371 : memref<832x64xf32, #tpu.memory_space<vmem>>[vector<16xi32>, vector<16xi32>], vector<16xf32>,
        %get3A_375 = arith.index_cast %add3A_362 : i32 to index
        %get3A_376 = arith.constant 32 : index
        %get3A_377 = tpu.vector_load %arg11[%get3A_375, %get3A_376] {strides = array<i32>} : memref<864x64xf32, #tpu.memory_space<vmem>>, vector<16xf32>,
        %add3A_378 = arith.constant 32 : i32
        %add3A_379 = vector.broadcast %add3A_378 : i32 to vector<16xi32>
        %add3A_380 = arith.addi %add3A_379, %iota3A : vector<16xi32>
        tpu.vector_store_idx %arg12[%gather3A_360, %add3A_380], %get3A_377 : memref<832x64xf32, #tpu.memory_space<vmem>>[vector<16xi32>, vector<16xi32>], vector<16xf32>,
        %get3A_381 = arith.index_cast %add3A_362 : i32 to index
        %get3A_382 = arith.constant 48 : index
        %get3A_383 = tpu.vector_load %arg11[%get3A_381, %get3A_382] {strides = array<i32>} : memref<864x64xf32, #tpu.memory_space<vmem>>, vector<16xf32>,
        %add3A_384 = arith.constant 48 : i32
        %add3A_385 = vector.broadcast %add3A_384 : i32 to vector<16xi32>
        %add3A_386 = arith.addi %add3A_385, %iota3A : vector<16xi32>
        tpu.vector_store_idx %arg12[%gather3A_360, %add3A_386], %get3A_383 : memref<832x64xf32, #tpu.memory_space<vmem>>[vector<16xi32>, vector<16xi32>], vector<16xf32>,
        %mul3A_387 = arith.constant 16 : i32
        %mul3A_388 = arith.muli %while3A_101, %mul3A_387 : i32
        %add3A_389 = arith.constant 9 : i32
        %add3A_390 = arith.addi %mul3A_388, %add3A_389 : i32
        %broadcast_in_dim3A_391 = vector.broadcast %add3A_390 : i32 to vector<16xi32>
        %gather3A_392 = tpu.vector_load_idx %arg8[%broadcast_in_dim3A_391] : memref<864xi32, #tpu.memory_space<vmem>>[vector<16xi32>], vector<16xi32>,
        %add3A_393 = arith.constant 0 : i32
        %add3A_394 = arith.addi %add3A_393, %add3A_390 : i32
        %get3A_395 = arith.index_cast %add3A_394 : i32 to index
        %get3A_396 = arith.constant 0 : index
        %get3A_397 = tpu.vector_load %arg11[%get3A_395, %get3A_396] {strides = array<i32>} : memref<864x64xf32, #tpu.memory_space<vmem>>, vector<16xf32>,
        %add3A_398 = arith.constant 0 : i32
        %add3A_399 = vector.broadcast %add3A_398 : i32 to vector<16xi32>
        %add3A_400 = arith.addi %add3A_399, %iota3A : vector<16xi32>
        tpu.vector_store_idx %arg12[%gather3A_392, %add3A_400], %get3A_397 : memref<832x64xf32, #tpu.memory_space<vmem>>[vector<16xi32>, vector<16xi32>], vector<16xf32>,
        %get3A_401 = arith.index_cast %add3A_394 : i32 to index
        %get3A_402 = arith.constant 16 : index
        %get3A_403 = tpu.vector_load %arg11[%get3A_401, %get3A_402] {strides = array<i32>} : memref<864x64xf32, #tpu.memory_space<vmem>>, vector<16xf32>,
        %add3A_404 = arith.constant 16 : i32
        %add3A_405 = vector.broadcast %add3A_404 : i32 to vector<16xi32>
        %add3A_406 = arith.addi %add3A_405, %iota3A : vector<16xi32>
        tpu.vector_store_idx %arg12[%gather3A_392, %add3A_406], %get3A_403 : memref<832x64xf32, #tpu.memory_space<vmem>>[vector<16xi32>, vector<16xi32>], vector<16xf32>,
        %get3A_407 = arith.index_cast %add3A_394 : i32 to index
        %get3A_408 = arith.constant 32 : index
        %get3A_409 = tpu.vector_load %arg11[%get3A_407, %get3A_408] {strides = array<i32>} : memref<864x64xf32, #tpu.memory_space<vmem>>, vector<16xf32>,
        %add3A_410 = arith.constant 32 : i32
        %add3A_411 = vector.broadcast %add3A_410 : i32 to vector<16xi32>
        %add3A_412 = arith.addi %add3A_411, %iota3A : vector<16xi32>
        tpu.vector_store_idx %arg12[%gather3A_392, %add3A_412], %get3A_409 : memref<832x64xf32, #tpu.memory_space<vmem>>[vector<16xi32>, vector<16xi32>], vector<16xf32>,
        %get3A_413 = arith.index_cast %add3A_394 : i32 to index
        %get3A_414 = arith.constant 48 : index
        %get3A_415 = tpu.vector_load %arg11[%get3A_413, %get3A_414] {strides = array<i32>} : memref<864x64xf32, #tpu.memory_space<vmem>>, vector<16xf32>,
        %add3A_416 = arith.constant 48 : i32
        %add3A_417 = vector.broadcast %add3A_416 : i32 to vector<16xi32>
        %add3A_418 = arith.addi %add3A_417, %iota3A : vector<16xi32>
        tpu.vector_store_idx %arg12[%gather3A_392, %add3A_418], %get3A_415 : memref<832x64xf32, #tpu.memory_space<vmem>>[vector<16xi32>, vector<16xi32>], vector<16xf32>,
        %mul3A_419 = arith.constant 16 : i32
        %mul3A_420 = arith.muli %while3A_101, %mul3A_419 : i32
        %add3A_421 = arith.constant 10 : i32
        %add3A_422 = arith.addi %mul3A_420, %add3A_421 : i32
        %broadcast_in_dim3A_423 = vector.broadcast %add3A_422 : i32 to vector<16xi32>
        %gather3A_424 = tpu.vector_load_idx %arg8[%broadcast_in_dim3A_423] : memref<864xi32, #tpu.memory_space<vmem>>[vector<16xi32>], vector<16xi32>,
        %add3A_425 = arith.constant 0 : i32
        %add3A_426 = arith.addi %add3A_425, %add3A_422 : i32
        %get3A_427 = arith.index_cast %add3A_426 : i32 to index
        %get3A_428 = arith.constant 0 : index
        %get3A_429 = tpu.vector_load %arg11[%get3A_427, %get3A_428] {strides = array<i32>} : memref<864x64xf32, #tpu.memory_space<vmem>>, vector<16xf32>,
        %add3A_430 = arith.constant 0 : i32
        %add3A_431 = vector.broadcast %add3A_430 : i32 to vector<16xi32>
        %add3A_432 = arith.addi %add3A_431, %iota3A : vector<16xi32>
        tpu.vector_store_idx %arg12[%gather3A_424, %add3A_432], %get3A_429 : memref<832x64xf32, #tpu.memory_space<vmem>>[vector<16xi32>, vector<16xi32>], vector<16xf32>,
        %get3A_433 = arith.index_cast %add3A_426 : i32 to index
        %get3A_434 = arith.constant 16 : index
        %get3A_435 = tpu.vector_load %arg11[%get3A_433, %get3A_434] {strides = array<i32>} : memref<864x64xf32, #tpu.memory_space<vmem>>, vector<16xf32>,
        %add3A_436 = arith.constant 16 : i32
        %add3A_437 = vector.broadcast %add3A_436 : i32 to vector<16xi32>
        %add3A_438 = arith.addi %add3A_437, %iota3A : vector<16xi32>
        tpu.vector_store_idx %arg12[%gather3A_424, %add3A_438], %get3A_435 : memref<832x64xf32, #tpu.memory_space<vmem>>[vector<16xi32>, vector<16xi32>], vector<16xf32>,
        %get3A_439 = arith.index_cast %add3A_426 : i32 to index
        %get3A_440 = arith.constant 32 : index
        %get3A_441 = tpu.vector_load %arg11[%get3A_439, %get3A_440] {strides = array<i32>} : memref<864x64xf32, #tpu.memory_space<vmem>>, vector<16xf32>,
        %add3A_442 = arith.constant 32 : i32
        %add3A_443 = vector.broadcast %add3A_442 : i32 to vector<16xi32>
        %add3A_444 = arith.addi %add3A_443, %iota3A : vector<16xi32>
        tpu.vector_store_idx %arg12[%gather3A_424, %add3A_444], %get3A_441 : memref<832x64xf32, #tpu.memory_space<vmem>>[vector<16xi32>, vector<16xi32>], vector<16xf32>,
        %get3A_445 = arith.index_cast %add3A_426 : i32 to index
        %get3A_446 = arith.constant 48 : index
        %get3A_447 = tpu.vector_load %arg11[%get3A_445, %get3A_446] {strides = array<i32>} : memref<864x64xf32, #tpu.memory_space<vmem>>, vector<16xf32>,
        %add3A_448 = arith.constant 48 : i32
        %add3A_449 = vector.broadcast %add3A_448 : i32 to vector<16xi32>
        %add3A_450 = arith.addi %add3A_449, %iota3A : vector<16xi32>
        tpu.vector_store_idx %arg12[%gather3A_424, %add3A_450], %get3A_447 : memref<832x64xf32, #tpu.memory_space<vmem>>[vector<16xi32>, vector<16xi32>], vector<16xf32>,
        %mul3A_451 = arith.constant 16 : i32
        %mul3A_452 = arith.muli %while3A_101, %mul3A_451 : i32
        %add3A_453 = arith.constant 11 : i32
        %add3A_454 = arith.addi %mul3A_452, %add3A_453 : i32
        %broadcast_in_dim3A_455 = vector.broadcast %add3A_454 : i32 to vector<16xi32>
        %gather3A_456 = tpu.vector_load_idx %arg8[%broadcast_in_dim3A_455] : memref<864xi32, #tpu.memory_space<vmem>>[vector<16xi32>], vector<16xi32>,
        %add3A_457 = arith.constant 0 : i32
        %add3A_458 = arith.addi %add3A_457, %add3A_454 : i32
        %get3A_459 = arith.index_cast %add3A_458 : i32 to index
        %get3A_460 = arith.constant 0 : index
        %get3A_461 = tpu.vector_load %arg11[%get3A_459, %get3A_460] {strides = array<i32>} : memref<864x64xf32, #tpu.memory_space<vmem>>, vector<16xf32>,
        %add3A_462 = arith.constant 0 : i32
        %add3A_463 = vector.broadcast %add3A_462 : i32 to vector<16xi32>
        %add3A_464 = arith.addi %add3A_463, %iota3A : vector<16xi32>
        tpu.vector_store_idx %arg12[%gather3A_456, %add3A_464], %get3A_461 : memref<832x64xf32, #tpu.memory_space<vmem>>[vector<16xi32>, vector<16xi32>], vector<16xf32>,
        %get3A_465 = arith.index_cast %add3A_458 : i32 to index
        %get3A_466 = arith.constant 16 : index
        %get3A_467 = tpu.vector_load %arg11[%get3A_465, %get3A_466] {strides = array<i32>} : memref<864x64xf32, #tpu.memory_space<vmem>>, vector<16xf32>,
        %add3A_468 = arith.constant 16 : i32
        %add3A_469 = vector.broadcast %add3A_468 : i32 to vector<16xi32>
        %add3A_470 = arith.addi %add3A_469, %iota3A : vector<16xi32>
        tpu.vector_store_idx %arg12[%gather3A_456, %add3A_470], %get3A_467 : memref<832x64xf32, #tpu.memory_space<vmem>>[vector<16xi32>, vector<16xi32>], vector<16xf32>,
        %get3A_471 = arith.index_cast %add3A_458 : i32 to index
        %get3A_472 = arith.constant 32 : index
        %get3A_473 = tpu.vector_load %arg11[%get3A_471, %get3A_472] {strides = array<i32>} : memref<864x64xf32, #tpu.memory_space<vmem>>, vector<16xf32>,
        %add3A_474 = arith.constant 32 : i32
        %add3A_475 = vector.broadcast %add3A_474 : i32 to vector<16xi32>
        %add3A_476 = arith.addi %add3A_475, %iota3A : vector<16xi32>
        tpu.vector_store_idx %arg12[%gather3A_456, %add3A_476], %get3A_473 : memref<832x64xf32, #tpu.memory_space<vmem>>[vector<16xi32>, vector<16xi32>], vector<16xf32>,
        %get3A_477 = arith.index_cast %add3A_458 : i32 to index
        %get3A_478 = arith.constant 48 : index
        %get3A_479 = tpu.vector_load %arg11[%get3A_477, %get3A_478] {strides = array<i32>} : memref<864x64xf32, #tpu.memory_space<vmem>>, vector<16xf32>,
        %add3A_480 = arith.constant 48 : i32
        %add3A_481 = vector.broadcast %add3A_480 : i32 to vector<16xi32>
        %add3A_482 = arith.addi %add3A_481, %iota3A : vector<16xi32>
        tpu.vector_store_idx %arg12[%gather3A_456, %add3A_482], %get3A_479 : memref<832x64xf32, #tpu.memory_space<vmem>>[vector<16xi32>, vector<16xi32>], vector<16xf32>,
        %mul3A_483 = arith.constant 16 : i32
        %mul3A_484 = arith.muli %while3A_101, %mul3A_483 : i32
        %add3A_485 = arith.constant 12 : i32
        %add3A_486 = arith.addi %mul3A_484, %add3A_485 : i32
        %broadcast_in_dim3A_487 = vector.broadcast %add3A_486 : i32 to vector<16xi32>
        %gather3A_488 = tpu.vector_load_idx %arg8[%broadcast_in_dim3A_487] : memref<864xi32, #tpu.memory_space<vmem>>[vector<16xi32>], vector<16xi32>,
        %add3A_489 = arith.constant 0 : i32
        %add3A_490 = arith.addi %add3A_489, %add3A_486 : i32
        %get3A_491 = arith.index_cast %add3A_490 : i32 to index
        %get3A_492 = arith.constant 0 : index
        %get3A_493 = tpu.vector_load %arg11[%get3A_491, %get3A_492] {strides = array<i32>} : memref<864x64xf32, #tpu.memory_space<vmem>>, vector<16xf32>,
        %add3A_494 = arith.constant 0 : i32
        %add3A_495 = vector.broadcast %add3A_494 : i32 to vector<16xi32>
        %add3A_496 = arith.addi %add3A_495, %iota3A : vector<16xi32>
        tpu.vector_store_idx %arg12[%gather3A_488, %add3A_496], %get3A_493 : memref<832x64xf32, #tpu.memory_space<vmem>>[vector<16xi32>, vector<16xi32>], vector<16xf32>,
        %get3A_497 = arith.index_cast %add3A_490 : i32 to index
        %get3A_498 = arith.constant 16 : index
        %get3A_499 = tpu.vector_load %arg11[%get3A_497, %get3A_498] {strides = array<i32>} : memref<864x64xf32, #tpu.memory_space<vmem>>, vector<16xf32>,
        %add3A_500 = arith.constant 16 : i32
        %add3A_501 = vector.broadcast %add3A_500 : i32 to vector<16xi32>
        %add3A_502 = arith.addi %add3A_501, %iota3A : vector<16xi32>
        tpu.vector_store_idx %arg12[%gather3A_488, %add3A_502], %get3A_499 : memref<832x64xf32, #tpu.memory_space<vmem>>[vector<16xi32>, vector<16xi32>], vector<16xf32>,
        %get3A_503 = arith.index_cast %add3A_490 : i32 to index
        %get3A_504 = arith.constant 32 : index
        %get3A_505 = tpu.vector_load %arg11[%get3A_503, %get3A_504] {strides = array<i32>} : memref<864x64xf32, #tpu.memory_space<vmem>>, vector<16xf32>,
        %add3A_506 = arith.constant 32 : i32
        %add3A_507 = vector.broadcast %add3A_506 : i32 to vector<16xi32>
        %add3A_508 = arith.addi %add3A_507, %iota3A : vector<16xi32>
        tpu.vector_store_idx %arg12[%gather3A_488, %add3A_508], %get3A_505 : memref<832x64xf32, #tpu.memory_space<vmem>>[vector<16xi32>, vector<16xi32>], vector<16xf32>,
        %get3A_509 = arith.index_cast %add3A_490 : i32 to index
        %get3A_510 = arith.constant 48 : index
        %get3A_511 = tpu.vector_load %arg11[%get3A_509, %get3A_510] {strides = array<i32>} : memref<864x64xf32, #tpu.memory_space<vmem>>, vector<16xf32>,
        %add3A_512 = arith.constant 48 : i32
        %add3A_513 = vector.broadcast %add3A_512 : i32 to vector<16xi32>
        %add3A_514 = arith.addi %add3A_513, %iota3A : vector<16xi32>
        tpu.vector_store_idx %arg12[%gather3A_488, %add3A_514], %get3A_511 : memref<832x64xf32, #tpu.memory_space<vmem>>[vector<16xi32>, vector<16xi32>], vector<16xf32>,
        %mul3A_515 = arith.constant 16 : i32
        %mul3A_516 = arith.muli %while3A_101, %mul3A_515 : i32
        %add3A_517 = arith.constant 13 : i32
        %add3A_518 = arith.addi %mul3A_516, %add3A_517 : i32
        %broadcast_in_dim3A_519 = vector.broadcast %add3A_518 : i32 to vector<16xi32>
        %gather3A_520 = tpu.vector_load_idx %arg8[%broadcast_in_dim3A_519] : memref<864xi32, #tpu.memory_space<vmem>>[vector<16xi32>], vector<16xi32>,
        %add3A_521 = arith.constant 0 : i32
        %add3A_522 = arith.addi %add3A_521, %add3A_518 : i32
        %get3A_523 = arith.index_cast %add3A_522 : i32 to index
        %get3A_524 = arith.constant 0 : index
        %get3A_525 = tpu.vector_load %arg11[%get3A_523, %get3A_524] {strides = array<i32>} : memref<864x64xf32, #tpu.memory_space<vmem>>, vector<16xf32>,
        %add3A_526 = arith.constant 0 : i32
        %add3A_527 = vector.broadcast %add3A_526 : i32 to vector<16xi32>
        %add3A_528 = arith.addi %add3A_527, %iota3A : vector<16xi32>
        tpu.vector_store_idx %arg12[%gather3A_520, %add3A_528], %get3A_525 : memref<832x64xf32, #tpu.memory_space<vmem>>[vector<16xi32>, vector<16xi32>], vector<16xf32>,
        %get3A_529 = arith.index_cast %add3A_522 : i32 to index
        %get3A_530 = arith.constant 16 : index
        %get3A_531 = tpu.vector_load %arg11[%get3A_529, %get3A_530] {strides = array<i32>} : memref<864x64xf32, #tpu.memory_space<vmem>>, vector<16xf32>,
        %add3A_532 = arith.constant 16 : i32
        %add3A_533 = vector.broadcast %add3A_532 : i32 to vector<16xi32>
        %add3A_534 = arith.addi %add3A_533, %iota3A : vector<16xi32>
        tpu.vector_store_idx %arg12[%gather3A_520, %add3A_534], %get3A_531 : memref<832x64xf32, #tpu.memory_space<vmem>>[vector<16xi32>, vector<16xi32>], vector<16xf32>,
        %get3A_535 = arith.index_cast %add3A_522 : i32 to index
        %get3A_536 = arith.constant 32 : index
        %get3A_537 = tpu.vector_load %arg11[%get3A_535, %get3A_536] {strides = array<i32>} : memref<864x64xf32, #tpu.memory_space<vmem>>, vector<16xf32>,
        %add3A_538 = arith.constant 32 : i32
        %add3A_539 = vector.broadcast %add3A_538 : i32 to vector<16xi32>
        %add3A_540 = arith.addi %add3A_539, %iota3A : vector<16xi32>
        tpu.vector_store_idx %arg12[%gather3A_520, %add3A_540], %get3A_537 : memref<832x64xf32, #tpu.memory_space<vmem>>[vector<16xi32>, vector<16xi32>], vector<16xf32>,
        %get3A_541 = arith.index_cast %add3A_522 : i32 to index
        %get3A_542 = arith.constant 48 : index
        %get3A_543 = tpu.vector_load %arg11[%get3A_541, %get3A_542] {strides = array<i32>} : memref<864x64xf32, #tpu.memory_space<vmem>>, vector<16xf32>,
        %add3A_544 = arith.constant 48 : i32
        %add3A_545 = vector.broadcast %add3A_544 : i32 to vector<16xi32>
        %add3A_546 = arith.addi %add3A_545, %iota3A : vector<16xi32>
        tpu.vector_store_idx %arg12[%gather3A_520, %add3A_546], %get3A_543 : memref<832x64xf32, #tpu.memory_space<vmem>>[vector<16xi32>, vector<16xi32>], vector<16xf32>,
        %mul3A_547 = arith.constant 16 : i32
        %mul3A_548 = arith.muli %while3A_101, %mul3A_547 : i32
        %add3A_549 = arith.constant 14 : i32
        %add3A_550 = arith.addi %mul3A_548, %add3A_549 : i32
        %broadcast_in_dim3A_551 = vector.broadcast %add3A_550 : i32 to vector<16xi32>
        %gather3A_552 = tpu.vector_load_idx %arg8[%broadcast_in_dim3A_551] : memref<864xi32, #tpu.memory_space<vmem>>[vector<16xi32>], vector<16xi32>,
        %add3A_553 = arith.constant 0 : i32
        %add3A_554 = arith.addi %add3A_553, %add3A_550 : i32
        %get3A_555 = arith.index_cast %add3A_554 : i32 to index
        %get3A_556 = arith.constant 0 : index
        %get3A_557 = tpu.vector_load %arg11[%get3A_555, %get3A_556] {strides = array<i32>} : memref<864x64xf32, #tpu.memory_space<vmem>>, vector<16xf32>,
        %add3A_558 = arith.constant 0 : i32
        %add3A_559 = vector.broadcast %add3A_558 : i32 to vector<16xi32>
        %add3A_560 = arith.addi %add3A_559, %iota3A : vector<16xi32>
        tpu.vector_store_idx %arg12[%gather3A_552, %add3A_560], %get3A_557 : memref<832x64xf32, #tpu.memory_space<vmem>>[vector<16xi32>, vector<16xi32>], vector<16xf32>,
        %get3A_561 = arith.index_cast %add3A_554 : i32 to index
        %get3A_562 = arith.constant 16 : index
        %get3A_563 = tpu.vector_load %arg11[%get3A_561, %get3A_562] {strides = array<i32>} : memref<864x64xf32, #tpu.memory_space<vmem>>, vector<16xf32>,
        %add3A_564 = arith.constant 16 : i32
        %add3A_565 = vector.broadcast %add3A_564 : i32 to vector<16xi32>
        %add3A_566 = arith.addi %add3A_565, %iota3A : vector<16xi32>
        tpu.vector_store_idx %arg12[%gather3A_552, %add3A_566], %get3A_563 : memref<832x64xf32, #tpu.memory_space<vmem>>[vector<16xi32>, vector<16xi32>], vector<16xf32>,
        %get3A_567 = arith.index_cast %add3A_554 : i32 to index
        %get3A_568 = arith.constant 32 : index
        %get3A_569 = tpu.vector_load %arg11[%get3A_567, %get3A_568] {strides = array<i32>} : memref<864x64xf32, #tpu.memory_space<vmem>>, vector<16xf32>,
        %add3A_570 = arith.constant 32 : i32
        %add3A_571 = vector.broadcast %add3A_570 : i32 to vector<16xi32>
        %add3A_572 = arith.addi %add3A_571, %iota3A : vector<16xi32>
        tpu.vector_store_idx %arg12[%gather3A_552, %add3A_572], %get3A_569 : memref<832x64xf32, #tpu.memory_space<vmem>>[vector<16xi32>, vector<16xi32>], vector<16xf32>,
        %get3A_573 = arith.index_cast %add3A_554 : i32 to index
        %get3A_574 = arith.constant 48 : index
        %get3A_575 = tpu.vector_load %arg11[%get3A_573, %get3A_574] {strides = array<i32>} : memref<864x64xf32, #tpu.memory_space<vmem>>, vector<16xf32>,
        %add3A_576 = arith.constant 48 : i32
        %add3A_577 = vector.broadcast %add3A_576 : i32 to vector<16xi32>
        %add3A_578 = arith.addi %add3A_577, %iota3A : vector<16xi32>
        tpu.vector_store_idx %arg12[%gather3A_552, %add3A_578], %get3A_575 : memref<832x64xf32, #tpu.memory_space<vmem>>[vector<16xi32>, vector<16xi32>], vector<16xf32>,
        %mul3A_579 = arith.constant 16 : i32
        %mul3A_580 = arith.muli %while3A_101, %mul3A_579 : i32
        %add3A_581 = arith.constant 15 : i32
        %add3A_582 = arith.addi %mul3A_580, %add3A_581 : i32
        %broadcast_in_dim3A_583 = vector.broadcast %add3A_582 : i32 to vector<16xi32>
        %gather3A_584 = tpu.vector_load_idx %arg8[%broadcast_in_dim3A_583] : memref<864xi32, #tpu.memory_space<vmem>>[vector<16xi32>], vector<16xi32>,
        %add3A_585 = arith.constant 0 : i32
        %add3A_586 = arith.addi %add3A_585, %add3A_582 : i32
        %get3A_587 = arith.index_cast %add3A_586 : i32 to index
        %get3A_588 = arith.constant 0 : index
        %get3A_589 = tpu.vector_load %arg11[%get3A_587, %get3A_588] {strides = array<i32>} : memref<864x64xf32, #tpu.memory_space<vmem>>, vector<16xf32>,
        %add3A_590 = arith.constant 0 : i32
        %add3A_591 = vector.broadcast %add3A_590 : i32 to vector<16xi32>
        %add3A_592 = arith.addi %add3A_591, %iota3A : vector<16xi32>
        tpu.vector_store_idx %arg12[%gather3A_584, %add3A_592], %get3A_589 : memref<832x64xf32, #tpu.memory_space<vmem>>[vector<16xi32>, vector<16xi32>], vector<16xf32>,
        %get3A_593 = arith.index_cast %add3A_586 : i32 to index
        %get3A_594 = arith.constant 16 : index
        %get3A_595 = tpu.vector_load %arg11[%get3A_593, %get3A_594] {strides = array<i32>} : memref<864x64xf32, #tpu.memory_space<vmem>>, vector<16xf32>,
        %add3A_596 = arith.constant 16 : i32
        %add3A_597 = vector.broadcast %add3A_596 : i32 to vector<16xi32>
        %add3A_598 = arith.addi %add3A_597, %iota3A : vector<16xi32>
        tpu.vector_store_idx %arg12[%gather3A_584, %add3A_598], %get3A_595 : memref<832x64xf32, #tpu.memory_space<vmem>>[vector<16xi32>, vector<16xi32>], vector<16xf32>,
        %get3A_599 = arith.index_cast %add3A_586 : i32 to index
        %get3A_600 = arith.constant 32 : index
        %get3A_601 = tpu.vector_load %arg11[%get3A_599, %get3A_600] {strides = array<i32>} : memref<864x64xf32, #tpu.memory_space<vmem>>, vector<16xf32>,
        %add3A_602 = arith.constant 32 : i32
        %add3A_603 = vector.broadcast %add3A_602 : i32 to vector<16xi32>
        %add3A_604 = arith.addi %add3A_603, %iota3A : vector<16xi32>
        tpu.vector_store_idx %arg12[%gather3A_584, %add3A_604], %get3A_601 : memref<832x64xf32, #tpu.memory_space<vmem>>[vector<16xi32>, vector<16xi32>], vector<16xf32>,
        %get3A_605 = arith.index_cast %add3A_586 : i32 to index
        %get3A_606 = arith.constant 48 : index
        %get3A_607 = tpu.vector_load %arg11[%get3A_605, %get3A_606] {strides = array<i32>} : memref<864x64xf32, #tpu.memory_space<vmem>>, vector<16xf32>,
        %add3A_608 = arith.constant 48 : i32
        %add3A_609 = vector.broadcast %add3A_608 : i32 to vector<16xi32>
        %add3A_610 = arith.addi %add3A_609, %iota3A : vector<16xi32>
        tpu.vector_store_idx %arg12[%gather3A_584, %add3A_610], %get3A_607 : memref<832x64xf32, #tpu.memory_space<vmem>>[vector<16xi32>, vector<16xi32>], vector<16xf32>,
      }
      %while3A_88 = arith.constant 0 : i32
      %while3A_89 = arith.constant 0 : i32
      %while3A_90 = arith.subi %div3A_41, %while3A_89 : i32
      %while3A_91 = arith.addi %while3A_89, %while3A_90 : i32
      %while3A_92 = arith.constant 1 : i32
      %while3A_93 = arith.divsi %while3A_90, %while3A_92 : i32
      %while3A_94 = arith.muli %while3A_93, %while3A_92 : i32
      %while3A_95 = arith.addi %while3A_89, %while3A_94 : i32
      %while3A_96 = arith.constant 1 : i32
      scf.for %while3A_101 = %while3A_89 to %while3A_95 step %while3A_96  : i32 {
        %mul3A_102 = arith.constant 16 : i32
        %mul3A_103 = arith.muli %while3A_101, %mul3A_102 : i32
        %add3A_104 = arith.constant 0 : i32
        %add3A_105 = arith.addi %mul3A_103, %add3A_104 : i32
        %broadcast_in_dim3A = vector.broadcast %add3A_105 : i32 to vector<16xi32>
        %gather3A = tpu.vector_load_idx %arg10[%broadcast_in_dim3A] : memref<864xi32, #tpu.memory_space<vmem>>[vector<16xi32>], vector<16xi32>,
        %add3A_106 = arith.addi %mul3A_43, %add3A_105 : i32
        %get3A = arith.index_cast %add3A_106 : i32 to index
        %get3A_107 = arith.constant 0 : index
        %get3A_108 = tpu.vector_load %arg11[%get3A, %get3A_107] {strides = array<i32>} : memref<864x64xf32, #tpu.memory_space<vmem>>, vector<16xf32>,
        %add3A_109 = arith.constant 0 : i32
        %add3A_110 = vector.broadcast %add3A_109 : i32 to vector<16xi32>
        %add3A_111 = arith.addi %add3A_110, %iota3A : vector<16xi32>
        tpu.vector_store_idx %arg12[%gather3A, %add3A_111], %get3A_108 : memref<832x64xf32, #tpu.memory_space<vmem>>[vector<16xi32>, vector<16xi32>], vector<16xf32>,
        %get3A_112 = arith.index_cast %add3A_106 : i32 to index
        %get3A_113 = arith.constant 16 : index
        %get3A_114 = tpu.vector_load %arg11[%get3A_112, %get3A_113] {strides = array<i32>} : memref<864x64xf32, #tpu.memory_space<vmem>>, vector<16xf32>,
        %add3A_115 = arith.constant 16 : i32
        %add3A_116 = vector.broadcast %add3A_115 : i32 to vector<16xi32>
        %add3A_117 = arith.addi %add3A_116, %iota3A : vector<16xi32>
        tpu.vector_store_idx %arg12[%gather3A, %add3A_117], %get3A_114 : memref<832x64xf32, #tpu.memory_space<vmem>>[vector<16xi32>, vector<16xi32>], vector<16xf32>,
        %get3A_118 = arith.index_cast %add3A_106 : i32 to index
        %get3A_119 = arith.constant 32 : index
        %get3A_120 = tpu.vector_load %arg11[%get3A_118, %get3A_119] {strides = array<i32>} : memref<864x64xf32, #tpu.memory_space<vmem>>, vector<16xf32>,
        %add3A_121 = arith.constant 32 : i32
        %add3A_122 = vector.broadcast %add3A_121 : i32 to vector<16xi32>
        %add3A_123 = arith.addi %add3A_122, %iota3A : vector<16xi32>
        tpu.vector_store_idx %arg12[%gather3A, %add3A_123], %get3A_120 : memref<832x64xf32, #tpu.memory_space<vmem>>[vector<16xi32>, vector<16xi32>], vector<16xf32>,
        %get3A_124 = arith.index_cast %add3A_106 : i32 to index
        %get3A_125 = arith.constant 48 : index
        %get3A_126 = tpu.vector_load %arg11[%get3A_124, %get3A_125] {strides = array<i32>} : memref<864x64xf32, #tpu.memory_space<vmem>>, vector<16xf32>,
        %add3A_127 = arith.constant 48 : i32
        %add3A_128 = vector.broadcast %add3A_127 : i32 to vector<16xi32>
        %add3A_129 = arith.addi %add3A_128, %iota3A : vector<16xi32>
        tpu.vector_store_idx %arg12[%gather3A, %add3A_129], %get3A_126 : memref<832x64xf32, #tpu.memory_space<vmem>>[vector<16xi32>, vector<16xi32>], vector<16xf32>,
        %mul3A_130 = arith.constant 16 : i32
        %mul3A_131 = arith.muli %while3A_101, %mul3A_130 : i32
        %add3A_132 = arith.constant 1 : i32
        %add3A_133 = arith.addi %mul3A_131, %add3A_132 : i32
        %broadcast_in_dim3A_134 = vector.broadcast %add3A_133 : i32 to vector<16xi32>
        %gather3A_135 = tpu.vector_load_idx %arg10[%broadcast_in_dim3A_134] : memref<864xi32, #tpu.memory_space<vmem>>[vector<16xi32>], vector<16xi32>,
        %add3A_136 = arith.addi %mul3A_43, %add3A_133 : i32
        %get3A_137 = arith.index_cast %add3A_136 : i32 to index
        %get3A_138 = arith.constant 0 : index
        %get3A_139 = tpu.vector_load %arg11[%get3A_137, %get3A_138] {strides = array<i32>} : memref<864x64xf32, #tpu.memory_space<vmem>>, vector<16xf32>,
        %add3A_140 = arith.constant 0 : i32
        %add3A_141 = vector.broadcast %add3A_140 : i32 to vector<16xi32>
        %add3A_142 = arith.addi %add3A_141, %iota3A : vector<16xi32>
        tpu.vector_store_idx %arg12[%gather3A_135, %add3A_142], %get3A_139 : memref<832x64xf32, #tpu.memory_space<vmem>>[vector<16xi32>, vector<16xi32>], vector<16xf32>,
        %get3A_143 = arith.index_cast %add3A_136 : i32 to index
        %get3A_144 = arith.constant 16 : index
        %get3A_145 = tpu.vector_load %arg11[%get3A_143, %get3A_144] {strides = array<i32>} : memref<864x64xf32, #tpu.memory_space<vmem>>, vector<16xf32>,
        %add3A_146 = arith.constant 16 : i32
        %add3A_147 = vector.broadcast %add3A_146 : i32 to vector<16xi32>
        %add3A_148 = arith.addi %add3A_147, %iota3A : vector<16xi32>
        tpu.vector_store_idx %arg12[%gather3A_135, %add3A_148], %get3A_145 : memref<832x64xf32, #tpu.memory_space<vmem>>[vector<16xi32>, vector<16xi32>], vector<16xf32>,
        %get3A_149 = arith.index_cast %add3A_136 : i32 to index
        %get3A_150 = arith.constant 32 : index
        %get3A_151 = tpu.vector_load %arg11[%get3A_149, %get3A_150] {strides = array<i32>} : memref<864x64xf32, #tpu.memory_space<vmem>>, vector<16xf32>,
        %add3A_152 = arith.constant 32 : i32
        %add3A_153 = vector.broadcast %add3A_152 : i32 to vector<16xi32>
        %add3A_154 = arith.addi %add3A_153, %iota3A : vector<16xi32>
        tpu.vector_store_idx %arg12[%gather3A_135, %add3A_154], %get3A_151 : memref<832x64xf32, #tpu.memory_space<vmem>>[vector<16xi32>, vector<16xi32>], vector<16xf32>,
        %get3A_155 = arith.index_cast %add3A_136 : i32 to index
        %get3A_156 = arith.constant 48 : index
        %get3A_157 = tpu.vector_load %arg11[%get3A_155, %get3A_156] {strides = array<i32>} : memref<864x64xf32, #tpu.memory_space<vmem>>, vector<16xf32>,
        %add3A_158 = arith.constant 48 : i32
        %add3A_159 = vector.broadcast %add3A_158 : i32 to vector<16xi32>
        %add3A_160 = arith.addi %add3A_159, %iota3A : vector<16xi32>
        tpu.vector_store_idx %arg12[%gather3A_135, %add3A_160], %get3A_157 : memref<832x64xf32, #tpu.memory_space<vmem>>[vector<16xi32>, vector<16xi32>], vector<16xf32>,
        %mul3A_161 = arith.constant 16 : i32
        %mul3A_162 = arith.muli %while3A_101, %mul3A_161 : i32
        %add3A_163 = arith.constant 2 : i32
        %add3A_164 = arith.addi %mul3A_162, %add3A_163 : i32
        %broadcast_in_dim3A_165 = vector.broadcast %add3A_164 : i32 to vector<16xi32>
        %gather3A_166 = tpu.vector_load_idx %arg10[%broadcast_in_dim3A_165] : memref<864xi32, #tpu.memory_space<vmem>>[vector<16xi32>], vector<16xi32>,
        %add3A_167 = arith.addi %mul3A_43, %add3A_164 : i32
        %get3A_168 = arith.index_cast %add3A_167 : i32 to index
        %get3A_169 = arith.constant 0 : index
        %get3A_170 = tpu.vector_load %arg11[%get3A_168, %get3A_169] {strides = array<i32>} : memref<864x64xf32, #tpu.memory_space<vmem>>, vector<16xf32>,
        %add3A_171 = arith.constant 0 : i32
        %add3A_172 = vector.broadcast %add3A_171 : i32 to vector<16xi32>
        %add3A_173 = arith.addi %add3A_172, %iota3A : vector<16xi32>
        tpu.vector_store_idx %arg12[%gather3A_166, %add3A_173], %get3A_170 : memref<832x64xf32, #tpu.memory_space<vmem>>[vector<16xi32>, vector<16xi32>], vector<16xf32>,
        %get3A_174 = arith.index_cast %add3A_167 : i32 to index
        %get3A_175 = arith.constant 16 : index
        %get3A_176 = tpu.vector_load %arg11[%get3A_174, %get3A_175] {strides = array<i32>} : memref<864x64xf32, #tpu.memory_space<vmem>>, vector<16xf32>,
        %add3A_177 = arith.constant 16 : i32
        %add3A_178 = vector.broadcast %add3A_177 : i32 to vector<16xi32>
        %add3A_179 = arith.addi %add3A_178, %iota3A : vector<16xi32>
        tpu.vector_store_idx %arg12[%gather3A_166, %add3A_179], %get3A_176 : memref<832x64xf32, #tpu.memory_space<vmem>>[vector<16xi32>, vector<16xi32>], vector<16xf32>,
        %get3A_180 = arith.index_cast %add3A_167 : i32 to index
        %get3A_181 = arith.constant 32 : index
        %get3A_182 = tpu.vector_load %arg11[%get3A_180, %get3A_181] {strides = array<i32>} : memref<864x64xf32, #tpu.memory_space<vmem>>, vector<16xf32>,
        %add3A_183 = arith.constant 32 : i32
        %add3A_184 = vector.broadcast %add3A_183 : i32 to vector<16xi32>
        %add3A_185 = arith.addi %add3A_184, %iota3A : vector<16xi32>
        tpu.vector_store_idx %arg12[%gather3A_166, %add3A_185], %get3A_182 : memref<832x64xf32, #tpu.memory_space<vmem>>[vector<16xi32>, vector<16xi32>], vector<16xf32>,
        %get3A_186 = arith.index_cast %add3A_167 : i32 to index
        %get3A_187 = arith.constant 48 : index
        %get3A_188 = tpu.vector_load %arg11[%get3A_186, %get3A_187] {strides = array<i32>} : memref<864x64xf32, #tpu.memory_space<vmem>>, vector<16xf32>,
        %add3A_189 = arith.constant 48 : i32
        %add3A_190 = vector.broadcast %add3A_189 : i32 to vector<16xi32>
        %add3A_191 = arith.addi %add3A_190, %iota3A : vector<16xi32>
        tpu.vector_store_idx %arg12[%gather3A_166, %add3A_191], %get3A_188 : memref<832x64xf32, #tpu.memory_space<vmem>>[vector<16xi32>, vector<16xi32>], vector<16xf32>,
        %mul3A_192 = arith.constant 16 : i32
        %mul3A_193 = arith.muli %while3A_101, %mul3A_192 : i32
        %add3A_194 = arith.constant 3 : i32
        %add3A_195 = arith.addi %mul3A_193, %add3A_194 : i32
        %broadcast_in_dim3A_196 = vector.broadcast %add3A_195 : i32 to vector<16xi32>
        %gather3A_197 = tpu.vector_load_idx %arg10[%broadcast_in_dim3A_196] : memref<864xi32, #tpu.memory_space<vmem>>[vector<16xi32>], vector<16xi32>,
        %add3A_198 = arith.addi %mul3A_43, %add3A_195 : i32
        %get3A_199 = arith.index_cast %add3A_198 : i32 to index
        %get3A_200 = arith.constant 0 : index
        %get3A_201 = tpu.vector_load %arg11[%get3A_199, %get3A_200] {strides = array<i32>} : memref<864x64xf32, #tpu.memory_space<vmem>>, vector<16xf32>,
        %add3A_202 = arith.constant 0 : i32
        %add3A_203 = vector.broadcast %add3A_202 : i32 to vector<16xi32>
        %add3A_204 = arith.addi %add3A_203, %iota3A : vector<16xi32>
        tpu.vector_store_idx %arg12[%gather3A_197, %add3A_204], %get3A_201 : memref<832x64xf32, #tpu.memory_space<vmem>>[vector<16xi32>, vector<16xi32>], vector<16xf32>,
        %get3A_205 = arith.index_cast %add3A_198 : i32 to index
        %get3A_206 = arith.constant 16 : index
        %get3A_207 = tpu.vector_load %arg11[%get3A_205, %get3A_206] {strides = array<i32>} : memref<864x64xf32, #tpu.memory_space<vmem>>, vector<16xf32>,
        %add3A_208 = arith.constant 16 : i32
        %add3A_209 = vector.broadcast %add3A_208 : i32 to vector<16xi32>
        %add3A_210 = arith.addi %add3A_209, %iota3A : vector<16xi32>
        tpu.vector_store_idx %arg12[%gather3A_197, %add3A_210], %get3A_207 : memref<832x64xf32, #tpu.memory_space<vmem>>[vector<16xi32>, vector<16xi32>], vector<16xf32>,
        %get3A_211 = arith.index_cast %add3A_198 : i32 to index
        %get3A_212 = arith.constant 32 : index
        %get3A_213 = tpu.vector_load %arg11[%get3A_211, %get3A_212] {strides = array<i32>} : memref<864x64xf32, #tpu.memory_space<vmem>>, vector<16xf32>,
        %add3A_214 = arith.constant 32 : i32
        %add3A_215 = vector.broadcast %add3A_214 : i32 to vector<16xi32>
        %add3A_216 = arith.addi %add3A_215, %iota3A : vector<16xi32>
        tpu.vector_store_idx %arg12[%gather3A_197, %add3A_216], %get3A_213 : memref<832x64xf32, #tpu.memory_space<vmem>>[vector<16xi32>, vector<16xi32>], vector<16xf32>,
        %get3A_217 = arith.index_cast %add3A_198 : i32 to index
        %get3A_218 = arith.constant 48 : index
        %get3A_219 = tpu.vector_load %arg11[%get3A_217, %get3A_218] {strides = array<i32>} : memref<864x64xf32, #tpu.memory_space<vmem>>, vector<16xf32>,
        %add3A_220 = arith.constant 48 : i32
        %add3A_221 = vector.broadcast %add3A_220 : i32 to vector<16xi32>
        %add3A_222 = arith.addi %add3A_221, %iota3A : vector<16xi32>
        tpu.vector_store_idx %arg12[%gather3A_197, %add3A_222], %get3A_219 : memref<832x64xf32, #tpu.memory_space<vmem>>[vector<16xi32>, vector<16xi32>], vector<16xf32>,
        %mul3A_223 = arith.constant 16 : i32
        %mul3A_224 = arith.muli %while3A_101, %mul3A_223 : i32
        %add3A_225 = arith.constant 4 : i32
        %add3A_226 = arith.addi %mul3A_224, %add3A_225 : i32
        %broadcast_in_dim3A_227 = vector.broadcast %add3A_226 : i32 to vector<16xi32>
        %gather3A_228 = tpu.vector_load_idx %arg10[%broadcast_in_dim3A_227] : memref<864xi32, #tpu.memory_space<vmem>>[vector<16xi32>], vector<16xi32>,
        %add3A_229 = arith.addi %mul3A_43, %add3A_226 : i32
        %get3A_230 = arith.index_cast %add3A_229 : i32 to index
        %get3A_231 = arith.constant 0 : index
        %get3A_232 = tpu.vector_load %arg11[%get3A_230, %get3A_231] {strides = array<i32>} : memref<864x64xf32, #tpu.memory_space<vmem>>, vector<16xf32>,
        %add3A_233 = arith.constant 0 : i32
        %add3A_234 = vector.broadcast %add3A_233 : i32 to vector<16xi32>
        %add3A_235 = arith.addi %add3A_234, %iota3A : vector<16xi32>
        tpu.vector_store_idx %arg12[%gather3A_228, %add3A_235], %get3A_232 : memref<832x64xf32, #tpu.memory_space<vmem>>[vector<16xi32>, vector<16xi32>], vector<16xf32>,
        %get3A_236 = arith.index_cast %add3A_229 : i32 to index
        %get3A_237 = arith.constant 16 : index
        %get3A_238 = tpu.vector_load %arg11[%get3A_236, %get3A_237] {strides = array<i32>} : memref<864x64xf32, #tpu.memory_space<vmem>>, vector<16xf32>,
        %add3A_239 = arith.constant 16 : i32
        %add3A_240 = vector.broadcast %add3A_239 : i32 to vector<16xi32>
        %add3A_241 = arith.addi %add3A_240, %iota3A : vector<16xi32>
        tpu.vector_store_idx %arg12[%gather3A_228, %add3A_241], %get3A_238 : memref<832x64xf32, #tpu.memory_space<vmem>>[vector<16xi32>, vector<16xi32>], vector<16xf32>,
        %get3A_242 = arith.index_cast %add3A_229 : i32 to index
        %get3A_243 = arith.constant 32 : index
        %get3A_244 = tpu.vector_load %arg11[%get3A_242, %get3A_243] {strides = array<i32>} : memref<864x64xf32, #tpu.memory_space<vmem>>, vector<16xf32>,
        %add3A_245 = arith.constant 32 : i32
        %add3A_246 = vector.broadcast %add3A_245 : i32 to vector<16xi32>
        %add3A_247 = arith.addi %add3A_246, %iota3A : vector<16xi32>
        tpu.vector_store_idx %arg12[%gather3A_228, %add3A_247], %get3A_244 : memref<832x64xf32, #tpu.memory_space<vmem>>[vector<16xi32>, vector<16xi32>], vector<16xf32>,
        %get3A_248 = arith.index_cast %add3A_229 : i32 to index
        %get3A_249 = arith.constant 48 : index
        %get3A_250 = tpu.vector_load %arg11[%get3A_248, %get3A_249] {strides = array<i32>} : memref<864x64xf32, #tpu.memory_space<vmem>>, vector<16xf32>,
        %add3A_251 = arith.constant 48 : i32
        %add3A_252 = vector.broadcast %add3A_251 : i32 to vector<16xi32>
        %add3A_253 = arith.addi %add3A_252, %iota3A : vector<16xi32>
        tpu.vector_store_idx %arg12[%gather3A_228, %add3A_253], %get3A_250 : memref<832x64xf32, #tpu.memory_space<vmem>>[vector<16xi32>, vector<16xi32>], vector<16xf32>,
        %mul3A_254 = arith.constant 16 : i32
        %mul3A_255 = arith.muli %while3A_101, %mul3A_254 : i32
        %add3A_256 = arith.constant 5 : i32
        %add3A_257 = arith.addi %mul3A_255, %add3A_256 : i32
        %broadcast_in_dim3A_258 = vector.broadcast %add3A_257 : i32 to vector<16xi32>
        %gather3A_259 = tpu.vector_load_idx %arg10[%broadcast_in_dim3A_258] : memref<864xi32, #tpu.memory_space<vmem>>[vector<16xi32>], vector<16xi32>,
        %add3A_260 = arith.addi %mul3A_43, %add3A_257 : i32
        %get3A_261 = arith.index_cast %add3A_260 : i32 to index
        %get3A_262 = arith.constant 0 : index
        %get3A_263 = tpu.vector_load %arg11[%get3A_261, %get3A_262] {strides = array<i32>} : memref<864x64xf32, #tpu.memory_space<vmem>>, vector<16xf32>,
        %add3A_264 = arith.constant 0 : i32
        %add3A_265 = vector.broadcast %add3A_264 : i32 to vector<16xi32>
        %add3A_266 = arith.addi %add3A_265, %iota3A : vector<16xi32>
        tpu.vector_store_idx %arg12[%gather3A_259, %add3A_266], %get3A_263 : memref<832x64xf32, #tpu.memory_space<vmem>>[vector<16xi32>, vector<16xi32>], vector<16xf32>,
        %get3A_267 = arith.index_cast %add3A_260 : i32 to index
        %get3A_268 = arith.constant 16 : index
        %get3A_269 = tpu.vector_load %arg11[%get3A_267, %get3A_268] {strides = array<i32>} : memref<864x64xf32, #tpu.memory_space<vmem>>, vector<16xf32>,
        %add3A_270 = arith.constant 16 : i32
        %add3A_271 = vector.broadcast %add3A_270 : i32 to vector<16xi32>
        %add3A_272 = arith.addi %add3A_271, %iota3A : vector<16xi32>
        tpu.vector_store_idx %arg12[%gather3A_259, %add3A_272], %get3A_269 : memref<832x64xf32, #tpu.memory_space<vmem>>[vector<16xi32>, vector<16xi32>], vector<16xf32>,
        %get3A_273 = arith.index_cast %add3A_260 : i32 to index
        %get3A_274 = arith.constant 32 : index
        %get3A_275 = tpu.vector_load %arg11[%get3A_273, %get3A_274] {strides = array<i32>} : memref<864x64xf32, #tpu.memory_space<vmem>>, vector<16xf32>,
        %add3A_276 = arith.constant 32 : i32
        %add3A_277 = vector.broadcast %add3A_276 : i32 to vector<16xi32>
        %add3A_278 = arith.addi %add3A_277, %iota3A : vector<16xi32>
        tpu.vector_store_idx %arg12[%gather3A_259, %add3A_278], %get3A_275 : memref<832x64xf32, #tpu.memory_space<vmem>>[vector<16xi32>, vector<16xi32>], vector<16xf32>,
        %get3A_279 = arith.index_cast %add3A_260 : i32 to index
        %get3A_280 = arith.constant 48 : index
        %get3A_281 = tpu.vector_load %arg11[%get3A_279, %get3A_280] {strides = array<i32>} : memref<864x64xf32, #tpu.memory_space<vmem>>, vector<16xf32>,
        %add3A_282 = arith.constant 48 : i32
        %add3A_283 = vector.broadcast %add3A_282 : i32 to vector<16xi32>
        %add3A_284 = arith.addi %add3A_283, %iota3A : vector<16xi32>
        tpu.vector_store_idx %arg12[%gather3A_259, %add3A_284], %get3A_281 : memref<832x64xf32, #tpu.memory_space<vmem>>[vector<16xi32>, vector<16xi32>], vector<16xf32>,
        %mul3A_285 = arith.constant 16 : i32
        %mul3A_286 = arith.muli %while3A_101, %mul3A_285 : i32
        %add3A_287 = arith.constant 6 : i32
        %add3A_288 = arith.addi %mul3A_286, %add3A_287 : i32
        %broadcast_in_dim3A_289 = vector.broadcast %add3A_288 : i32 to vector<16xi32>
        %gather3A_290 = tpu.vector_load_idx %arg10[%broadcast_in_dim3A_289] : memref<864xi32, #tpu.memory_space<vmem>>[vector<16xi32>], vector<16xi32>,
        %add3A_291 = arith.addi %mul3A_43, %add3A_288 : i32
        %get3A_292 = arith.index_cast %add3A_291 : i32 to index
        %get3A_293 = arith.constant 0 : index
        %get3A_294 = tpu.vector_load %arg11[%get3A_292, %get3A_293] {strides = array<i32>} : memref<864x64xf32, #tpu.memory_space<vmem>>, vector<16xf32>,
        %add3A_295 = arith.constant 0 : i32
        %add3A_296 = vector.broadcast %add3A_295 : i32 to vector<16xi32>
        %add3A_297 = arith.addi %add3A_296, %iota3A : vector<16xi32>
        tpu.vector_store_idx %arg12[%gather3A_290, %add3A_297], %get3A_294 : memref<832x64xf32, #tpu.memory_space<vmem>>[vector<16xi32>, vector<16xi32>], vector<16xf32>,
        %get3A_298 = arith.index_cast %add3A_291 : i32 to index
        %get3A_299 = arith.constant 16 : index
        %get3A_300 = tpu.vector_load %arg11[%get3A_298, %get3A_299] {strides = array<i32>} : memref<864x64xf32, #tpu.memory_space<vmem>>, vector<16xf32>,
        %add3A_301 = arith.constant 16 : i32
        %add3A_302 = vector.broadcast %add3A_301 : i32 to vector<16xi32>
        %add3A_303 = arith.addi %add3A_302, %iota3A : vector<16xi32>
        tpu.vector_store_idx %arg12[%gather3A_290, %add3A_303], %get3A_300 : memref<832x64xf32, #tpu.memory_space<vmem>>[vector<16xi32>, vector<16xi32>], vector<16xf32>,
        %get3A_304 = arith.index_cast %add3A_291 : i32 to index
        %get3A_305 = arith.constant 32 : index
        %get3A_306 = tpu.vector_load %arg11[%get3A_304, %get3A_305] {strides = array<i32>} : memref<864x64xf32, #tpu.memory_space<vmem>>, vector<16xf32>,
        %add3A_307 = arith.constant 32 : i32
        %add3A_308 = vector.broadcast %add3A_307 : i32 to vector<16xi32>
        %add3A_309 = arith.addi %add3A_308, %iota3A : vector<16xi32>
        tpu.vector_store_idx %arg12[%gather3A_290, %add3A_309], %get3A_306 : memref<832x64xf32, #tpu.memory_space<vmem>>[vector<16xi32>, vector<16xi32>], vector<16xf32>,
        %get3A_310 = arith.index_cast %add3A_291 : i32 to index
        %get3A_311 = arith.constant 48 : index
        %get3A_312 = tpu.vector_load %arg11[%get3A_310, %get3A_311] {strides = array<i32>} : memref<864x64xf32, #tpu.memory_space<vmem>>, vector<16xf32>,
        %add3A_313 = arith.constant 48 : i32
        %add3A_314 = vector.broadcast %add3A_313 : i32 to vector<16xi32>
        %add3A_315 = arith.addi %add3A_314, %iota3A : vector<16xi32>
        tpu.vector_store_idx %arg12[%gather3A_290, %add3A_315], %get3A_312 : memref<832x64xf32, #tpu.memory_space<vmem>>[vector<16xi32>, vector<16xi32>], vector<16xf32>,
        %mul3A_316 = arith.constant 16 : i32
        %mul3A_317 = arith.muli %while3A_101, %mul3A_316 : i32
        %add3A_318 = arith.constant 7 : i32
        %add3A_319 = arith.addi %mul3A_317, %add3A_318 : i32
        %broadcast_in_dim3A_320 = vector.broadcast %add3A_319 : i32 to vector<16xi32>
        %gather3A_321 = tpu.vector_load_idx %arg10[%broadcast_in_dim3A_320] : memref<864xi32, #tpu.memory_space<vmem>>[vector<16xi32>], vector<16xi32>,
        %add3A_322 = arith.addi %mul3A_43, %add3A_319 : i32
        %get3A_323 = arith.index_cast %add3A_322 : i32 to index
        %get3A_324 = arith.constant 0 : index
        %get3A_325 = tpu.vector_load %arg11[%get3A_323, %get3A_324] {strides = array<i32>} : memref<864x64xf32, #tpu.memory_space<vmem>>, vector<16xf32>,
        %add3A_326 = arith.constant 0 : i32
        %add3A_327 = vector.broadcast %add3A_326 : i32 to vector<16xi32>
        %add3A_328 = arith.addi %add3A_327, %iota3A : vector<16xi32>
        tpu.vector_store_idx %arg12[%gather3A_321, %add3A_328], %get3A_325 : memref<832x64xf32, #tpu.memory_space<vmem>>[vector<16xi32>, vector<16xi32>], vector<16xf32>,
        %get3A_329 = arith.index_cast %add3A_322 : i32 to index
        %get3A_330 = arith.constant 16 : index
        %get3A_331 = tpu.vector_load %arg11[%get3A_329, %get3A_330] {strides = array<i32>} : memref<864x64xf32, #tpu.memory_space<vmem>>, vector<16xf32>,
        %add3A_332 = arith.constant 16 : i32
        %add3A_333 = vector.broadcast %add3A_332 : i32 to vector<16xi32>
        %add3A_334 = arith.addi %add3A_333, %iota3A : vector<16xi32>
        tpu.vector_store_idx %arg12[%gather3A_321, %add3A_334], %get3A_331 : memref<832x64xf32, #tpu.memory_space<vmem>>[vector<16xi32>, vector<16xi32>], vector<16xf32>,
        %get3A_335 = arith.index_cast %add3A_322 : i32 to index
        %get3A_336 = arith.constant 32 : index
        %get3A_337 = tpu.vector_load %arg11[%get3A_335, %get3A_336] {strides = array<i32>} : memref<864x64xf32, #tpu.memory_space<vmem>>, vector<16xf32>,
        %add3A_338 = arith.constant 32 : i32
        %add3A_339 = vector.broadcast %add3A_338 : i32 to vector<16xi32>
        %add3A_340 = arith.addi %add3A_339, %iota3A : vector<16xi32>
        tpu.vector_store_idx %arg12[%gather3A_321, %add3A_340], %get3A_337 : memref<832x64xf32, #tpu.memory_space<vmem>>[vector<16xi32>, vector<16xi32>], vector<16xf32>,
        %get3A_341 = arith.index_cast %add3A_322 : i32 to index
        %get3A_342 = arith.constant 48 : index
        %get3A_343 = tpu.vector_load %arg11[%get3A_341, %get3A_342] {strides = array<i32>} : memref<864x64xf32, #tpu.memory_space<vmem>>, vector<16xf32>,
        %add3A_344 = arith.constant 48 : i32
        %add3A_345 = vector.broadcast %add3A_344 : i32 to vector<16xi32>
        %add3A_346 = arith.addi %add3A_345, %iota3A : vector<16xi32>
        tpu.vector_store_idx %arg12[%gather3A_321, %add3A_346], %get3A_343 : memref<832x64xf32, #tpu.memory_space<vmem>>[vector<16xi32>, vector<16xi32>], vector<16xf32>,
        %mul3A_347 = arith.constant 16 : i32
        %mul3A_348 = arith.muli %while3A_101, %mul3A_347 : i32
        %add3A_349 = arith.constant 8 : i32
        %add3A_350 = arith.addi %mul3A_348, %add3A_349 : i32
        %broadcast_in_dim3A_351 = vector.broadcast %add3A_350 : i32 to vector<16xi32>
        %gather3A_352 = tpu.vector_load_idx %arg10[%broadcast_in_dim3A_351] : memref<864xi32, #tpu.memory_space<vmem>>[vector<16xi32>], vector<16xi32>,
        %add3A_353 = arith.addi %mul3A_43, %add3A_350 : i32
        %get3A_354 = arith.index_cast %add3A_353 : i32 to index
        %get3A_355 = arith.constant 0 : index
        %get3A_356 = tpu.vector_load %arg11[%get3A_354, %get3A_355] {strides = array<i32>} : memref<864x64xf32, #tpu.memory_space<vmem>>, vector<16xf32>,
        %add3A_357 = arith.constant 0 : i32
        %add3A_358 = vector.broadcast %add3A_357 : i32 to vector<16xi32>
        %add3A_359 = arith.addi %add3A_358, %iota3A : vector<16xi32>
        tpu.vector_store_idx %arg12[%gather3A_352, %add3A_359], %get3A_356 : memref<832x64xf32, #tpu.memory_space<vmem>>[vector<16xi32>, vector<16xi32>], vector<16xf32>,
        %get3A_360 = arith.index_cast %add3A_353 : i32 to index
        %get3A_361 = arith.constant 16 : index
        %get3A_362 = tpu.vector_load %arg11[%get3A_360, %get3A_361] {strides = array<i32>} : memref<864x64xf32, #tpu.memory_space<vmem>>, vector<16xf32>,
        %add3A_363 = arith.constant 16 : i32
        %add3A_364 = vector.broadcast %add3A_363 : i32 to vector<16xi32>
        %add3A_365 = arith.addi %add3A_364, %iota3A : vector<16xi32>
        tpu.vector_store_idx %arg12[%gather3A_352, %add3A_365], %get3A_362 : memref<832x64xf32, #tpu.memory_space<vmem>>[vector<16xi32>, vector<16xi32>], vector<16xf32>,
        %get3A_366 = arith.index_cast %add3A_353 : i32 to index
        %get3A_367 = arith.constant 32 : index
        %get3A_368 = tpu.vector_load %arg11[%get3A_366, %get3A_367] {strides = array<i32>} : memref<864x64xf32, #tpu.memory_space<vmem>>, vector<16xf32>,
        %add3A_369 = arith.constant 32 : i32
        %add3A_370 = vector.broadcast %add3A_369 : i32 to vector<16xi32>
        %add3A_371 = arith.addi %add3A_370, %iota3A : vector<16xi32>
        tpu.vector_store_idx %arg12[%gather3A_352, %add3A_371], %get3A_368 : memref<832x64xf32, #tpu.memory_space<vmem>>[vector<16xi32>, vector<16xi32>], vector<16xf32>,
        %get3A_372 = arith.index_cast %add3A_353 : i32 to index
        %get3A_373 = arith.constant 48 : index
        %get3A_374 = tpu.vector_load %arg11[%get3A_372, %get3A_373] {strides = array<i32>} : memref<864x64xf32, #tpu.memory_space<vmem>>, vector<16xf32>,
        %add3A_375 = arith.constant 48 : i32
        %add3A_376 = vector.broadcast %add3A_375 : i32 to vector<16xi32>
        %add3A_377 = arith.addi %add3A_376, %iota3A : vector<16xi32>
        tpu.vector_store_idx %arg12[%gather3A_352, %add3A_377], %get3A_374 : memref<832x64xf32, #tpu.memory_space<vmem>>[vector<16xi32>, vector<16xi32>], vector<16xf32>,
        %mul3A_378 = arith.constant 16 : i32
        %mul3A_379 = arith.muli %while3A_101, %mul3A_378 : i32
        %add3A_380 = arith.constant 9 : i32
        %add3A_381 = arith.addi %mul3A_379, %add3A_380 : i32
        %broadcast_in_dim3A_382 = vector.broadcast %add3A_381 : i32 to vector<16xi32>
        %gather3A_383 = tpu.vector_load_idx %arg10[%broadcast_in_dim3A_382] : memref<864xi32, #tpu.memory_space<vmem>>[vector<16xi32>], vector<16xi32>,
        %add3A_384 = arith.addi %mul3A_43, %add3A_381 : i32
        %get3A_385 = arith.index_cast %add3A_384 : i32 to index
        %get3A_386 = arith.constant 0 : index
        %get3A_387 = tpu.vector_load %arg11[%get3A_385, %get3A_386] {strides = array<i32>} : memref<864x64xf32, #tpu.memory_space<vmem>>, vector<16xf32>,
        %add3A_388 = arith.constant 0 : i32
        %add3A_389 = vector.broadcast %add3A_388 : i32 to vector<16xi32>
        %add3A_390 = arith.addi %add3A_389, %iota3A : vector<16xi32>
        tpu.vector_store_idx %arg12[%gather3A_383, %add3A_390], %get3A_387 : memref<832x64xf32, #tpu.memory_space<vmem>>[vector<16xi32>, vector<16xi32>], vector<16xf32>,
        %get3A_391 = arith.index_cast %add3A_384 : i32 to index
        %get3A_392 = arith.constant 16 : index
        %get3A_393 = tpu.vector_load %arg11[%get3A_391, %get3A_392] {strides = array<i32>} : memref<864x64xf32, #tpu.memory_space<vmem>>, vector<16xf32>,
        %add3A_394 = arith.constant 16 : i32
        %add3A_395 = vector.broadcast %add3A_394 : i32 to vector<16xi32>
        %add3A_396 = arith.addi %add3A_395, %iota3A : vector<16xi32>
        tpu.vector_store_idx %arg12[%gather3A_383, %add3A_396], %get3A_393 : memref<832x64xf32, #tpu.memory_space<vmem>>[vector<16xi32>, vector<16xi32>], vector<16xf32>,
        %get3A_397 = arith.index_cast %add3A_384 : i32 to index
        %get3A_398 = arith.constant 32 : index
        %get3A_399 = tpu.vector_load %arg11[%get3A_397, %get3A_398] {strides = array<i32>} : memref<864x64xf32, #tpu.memory_space<vmem>>, vector<16xf32>,
        %add3A_400 = arith.constant 32 : i32
        %add3A_401 = vector.broadcast %add3A_400 : i32 to vector<16xi32>
        %add3A_402 = arith.addi %add3A_401, %iota3A : vector<16xi32>
        tpu.vector_store_idx %arg12[%gather3A_383, %add3A_402], %get3A_399 : memref<832x64xf32, #tpu.memory_space<vmem>>[vector<16xi32>, vector<16xi32>], vector<16xf32>,
        %get3A_403 = arith.index_cast %add3A_384 : i32 to index
        %get3A_404 = arith.constant 48 : index
        %get3A_405 = tpu.vector_load %arg11[%get3A_403, %get3A_404] {strides = array<i32>} : memref<864x64xf32, #tpu.memory_space<vmem>>, vector<16xf32>,
        %add3A_406 = arith.constant 48 : i32
        %add3A_407 = vector.broadcast %add3A_406 : i32 to vector<16xi32>
        %add3A_408 = arith.addi %add3A_407, %iota3A : vector<16xi32>
        tpu.vector_store_idx %arg12[%gather3A_383, %add3A_408], %get3A_405 : memref<832x64xf32, #tpu.memory_space<vmem>>[vector<16xi32>, vector<16xi32>], vector<16xf32>,
        %mul3A_409 = arith.constant 16 : i32
        %mul3A_410 = arith.muli %while3A_101, %mul3A_409 : i32
        %add3A_411 = arith.constant 10 : i32
        %add3A_412 = arith.addi %mul3A_410, %add3A_411 : i32
        %broadcast_in_dim3A_413 = vector.broadcast %add3A_412 : i32 to vector<16xi32>
        %gather3A_414 = tpu.vector_load_idx %arg10[%broadcast_in_dim3A_413] : memref<864xi32, #tpu.memory_space<vmem>>[vector<16xi32>], vector<16xi32>,
        %add3A_415 = arith.addi %mul3A_43, %add3A_412 : i32
        %get3A_416 = arith.index_cast %add3A_415 : i32 to index
        %get3A_417 = arith.constant 0 : index
        %get3A_418 = tpu.vector_load %arg11[%get3A_416, %get3A_417] {strides = array<i32>} : memref<864x64xf32, #tpu.memory_space<vmem>>, vector<16xf32>,
        %add3A_419 = arith.constant 0 : i32
        %add3A_420 = vector.broadcast %add3A_419 : i32 to vector<16xi32>
        %add3A_421 = arith.addi %add3A_420, %iota3A : vector<16xi32>
        tpu.vector_store_idx %arg12[%gather3A_414, %add3A_421], %get3A_418 : memref<832x64xf32, #tpu.memory_space<vmem>>[vector<16xi32>, vector<16xi32>], vector<16xf32>,
        %get3A_422 = arith.index_cast %add3A_415 : i32 to index
        %get3A_423 = arith.constant 16 : index
        %get3A_424 = tpu.vector_load %arg11[%get3A_422, %get3A_423] {strides = array<i32>} : memref<864x64xf32, #tpu.memory_space<vmem>>, vector<16xf32>,
        %add3A_425 = arith.constant 16 : i32
        %add3A_426 = vector.broadcast %add3A_425 : i32 to vector<16xi32>
        %add3A_427 = arith.addi %add3A_426, %iota3A : vector<16xi32>
        tpu.vector_store_idx %arg12[%gather3A_414, %add3A_427], %get3A_424 : memref<832x64xf32, #tpu.memory_space<vmem>>[vector<16xi32>, vector<16xi32>], vector<16xf32>,
        %get3A_428 = arith.index_cast %add3A_415 : i32 to index
        %get3A_429 = arith.constant 32 : index
        %get3A_430 = tpu.vector_load %arg11[%get3A_428, %get3A_429] {strides = array<i32>} : memref<864x64xf32, #tpu.memory_space<vmem>>, vector<16xf32>,
        %add3A_431 = arith.constant 32 : i32
        %add3A_432 = vector.broadcast %add3A_431 : i32 to vector<16xi32>
        %add3A_433 = arith.addi %add3A_432, %iota3A : vector<16xi32>
        tpu.vector_store_idx %arg12[%gather3A_414, %add3A_433], %get3A_430 : memref<832x64xf32, #tpu.memory_space<vmem>>[vector<16xi32>, vector<16xi32>], vector<16xf32>,
        %get3A_434 = arith.index_cast %add3A_415 : i32 to index
        %get3A_435 = arith.constant 48 : index
        %get3A_436 = tpu.vector_load %arg11[%get3A_434, %get3A_435] {strides = array<i32>} : memref<864x64xf32, #tpu.memory_space<vmem>>, vector<16xf32>,
        %add3A_437 = arith.constant 48 : i32
        %add3A_438 = vector.broadcast %add3A_437 : i32 to vector<16xi32>
        %add3A_439 = arith.addi %add3A_438, %iota3A : vector<16xi32>
        tpu.vector_store_idx %arg12[%gather3A_414, %add3A_439], %get3A_436 : memref<832x64xf32, #tpu.memory_space<vmem>>[vector<16xi32>, vector<16xi32>], vector<16xf32>,
        %mul3A_440 = arith.constant 16 : i32
        %mul3A_441 = arith.muli %while3A_101, %mul3A_440 : i32
        %add3A_442 = arith.constant 11 : i32
        %add3A_443 = arith.addi %mul3A_441, %add3A_442 : i32
        %broadcast_in_dim3A_444 = vector.broadcast %add3A_443 : i32 to vector<16xi32>
        %gather3A_445 = tpu.vector_load_idx %arg10[%broadcast_in_dim3A_444] : memref<864xi32, #tpu.memory_space<vmem>>[vector<16xi32>], vector<16xi32>,
        %add3A_446 = arith.addi %mul3A_43, %add3A_443 : i32
        %get3A_447 = arith.index_cast %add3A_446 : i32 to index
        %get3A_448 = arith.constant 0 : index
        %get3A_449 = tpu.vector_load %arg11[%get3A_447, %get3A_448] {strides = array<i32>} : memref<864x64xf32, #tpu.memory_space<vmem>>, vector<16xf32>,
        %add3A_450 = arith.constant 0 : i32
        %add3A_451 = vector.broadcast %add3A_450 : i32 to vector<16xi32>
        %add3A_452 = arith.addi %add3A_451, %iota3A : vector<16xi32>
        tpu.vector_store_idx %arg12[%gather3A_445, %add3A_452], %get3A_449 : memref<832x64xf32, #tpu.memory_space<vmem>>[vector<16xi32>, vector<16xi32>], vector<16xf32>,
        %get3A_453 = arith.index_cast %add3A_446 : i32 to index
        %get3A_454 = arith.constant 16 : index
        %get3A_455 = tpu.vector_load %arg11[%get3A_453, %get3A_454] {strides = array<i32>} : memref<864x64xf32, #tpu.memory_space<vmem>>, vector<16xf32>,
        %add3A_456 = arith.constant 16 : i32
        %add3A_457 = vector.broadcast %add3A_456 : i32 to vector<16xi32>
        %add3A_458 = arith.addi %add3A_457, %iota3A : vector<16xi32>
        tpu.vector_store_idx %arg12[%gather3A_445, %add3A_458], %get3A_455 : memref<832x64xf32, #tpu.memory_space<vmem>>[vector<16xi32>, vector<16xi32>], vector<16xf32>,
        %get3A_459 = arith.index_cast %add3A_446 : i32 to index
        %get3A_460 = arith.constant 32 : index
        %get3A_461 = tpu.vector_load %arg11[%get3A_459, %get3A_460] {strides = array<i32>} : memref<864x64xf32, #tpu.memory_space<vmem>>, vector<16xf32>,
        %add3A_462 = arith.constant 32 : i32
        %add3A_463 = vector.broadcast %add3A_462 : i32 to vector<16xi32>
        %add3A_464 = arith.addi %add3A_463, %iota3A : vector<16xi32>
        tpu.vector_store_idx %arg12[%gather3A_445, %add3A_464], %get3A_461 : memref<832x64xf32, #tpu.memory_space<vmem>>[vector<16xi32>, vector<16xi32>], vector<16xf32>,
        %get3A_465 = arith.index_cast %add3A_446 : i32 to index
        %get3A_466 = arith.constant 48 : index
        %get3A_467 = tpu.vector_load %arg11[%get3A_465, %get3A_466] {strides = array<i32>} : memref<864x64xf32, #tpu.memory_space<vmem>>, vector<16xf32>,
        %add3A_468 = arith.constant 48 : i32
        %add3A_469 = vector.broadcast %add3A_468 : i32 to vector<16xi32>
        %add3A_470 = arith.addi %add3A_469, %iota3A : vector<16xi32>
        tpu.vector_store_idx %arg12[%gather3A_445, %add3A_470], %get3A_467 : memref<832x64xf32, #tpu.memory_space<vmem>>[vector<16xi32>, vector<16xi32>], vector<16xf32>,
        %mul3A_471 = arith.constant 16 : i32
        %mul3A_472 = arith.muli %while3A_101, %mul3A_471 : i32
        %add3A_473 = arith.constant 12 : i32
        %add3A_474 = arith.addi %mul3A_472, %add3A_473 : i32
        %broadcast_in_dim3A_475 = vector.broadcast %add3A_474 : i32 to vector<16xi32>
        %gather3A_476 = tpu.vector_load_idx %arg10[%broadcast_in_dim3A_475] : memref<864xi32, #tpu.memory_space<vmem>>[vector<16xi32>], vector<16xi32>,
        %add3A_477 = arith.addi %mul3A_43, %add3A_474 : i32
        %get3A_478 = arith.index_cast %add3A_477 : i32 to index
        %get3A_479 = arith.constant 0 : index
        %get3A_480 = tpu.vector_load %arg11[%get3A_478, %get3A_479] {strides = array<i32>} : memref<864x64xf32, #tpu.memory_space<vmem>>, vector<16xf32>,
        %add3A_481 = arith.constant 0 : i32
        %add3A_482 = vector.broadcast %add3A_481 : i32 to vector<16xi32>
        %add3A_483 = arith.addi %add3A_482, %iota3A : vector<16xi32>
        tpu.vector_store_idx %arg12[%gather3A_476, %add3A_483], %get3A_480 : memref<832x64xf32, #tpu.memory_space<vmem>>[vector<16xi32>, vector<16xi32>], vector<16xf32>,
        %get3A_484 = arith.index_cast %add3A_477 : i32 to index
        %get3A_485 = arith.constant 16 : index
        %get3A_486 = tpu.vector_load %arg11[%get3A_484, %get3A_485] {strides = array<i32>} : memref<864x64xf32, #tpu.memory_space<vmem>>, vector<16xf32>,
        %add3A_487 = arith.constant 16 : i32
        %add3A_488 = vector.broadcast %add3A_487 : i32 to vector<16xi32>
        %add3A_489 = arith.addi %add3A_488, %iota3A : vector<16xi32>
        tpu.vector_store_idx %arg12[%gather3A_476, %add3A_489], %get3A_486 : memref<832x64xf32, #tpu.memory_space<vmem>>[vector<16xi32>, vector<16xi32>], vector<16xf32>,
        %get3A_490 = arith.index_cast %add3A_477 : i32 to index
        %get3A_491 = arith.constant 32 : index
        %get3A_492 = tpu.vector_load %arg11[%get3A_490, %get3A_491] {strides = array<i32>} : memref<864x64xf32, #tpu.memory_space<vmem>>, vector<16xf32>,
        %add3A_493 = arith.constant 32 : i32
        %add3A_494 = vector.broadcast %add3A_493 : i32 to vector<16xi32>
        %add3A_495 = arith.addi %add3A_494, %iota3A : vector<16xi32>
        tpu.vector_store_idx %arg12[%gather3A_476, %add3A_495], %get3A_492 : memref<832x64xf32, #tpu.memory_space<vmem>>[vector<16xi32>, vector<16xi32>], vector<16xf32>,
        %get3A_496 = arith.index_cast %add3A_477 : i32 to index
        %get3A_497 = arith.constant 48 : index
        %get3A_498 = tpu.vector_load %arg11[%get3A_496, %get3A_497] {strides = array<i32>} : memref<864x64xf32, #tpu.memory_space<vmem>>, vector<16xf32>,
        %add3A_499 = arith.constant 48 : i32
        %add3A_500 = vector.broadcast %add3A_499 : i32 to vector<16xi32>
        %add3A_501 = arith.addi %add3A_500, %iota3A : vector<16xi32>
        tpu.vector_store_idx %arg12[%gather3A_476, %add3A_501], %get3A_498 : memref<832x64xf32, #tpu.memory_space<vmem>>[vector<16xi32>, vector<16xi32>], vector<16xf32>,
        %mul3A_502 = arith.constant 16 : i32
        %mul3A_503 = arith.muli %while3A_101, %mul3A_502 : i32
        %add3A_504 = arith.constant 13 : i32
        %add3A_505 = arith.addi %mul3A_503, %add3A_504 : i32
        %broadcast_in_dim3A_506 = vector.broadcast %add3A_505 : i32 to vector<16xi32>
        %gather3A_507 = tpu.vector_load_idx %arg10[%broadcast_in_dim3A_506] : memref<864xi32, #tpu.memory_space<vmem>>[vector<16xi32>], vector<16xi32>,
        %add3A_508 = arith.addi %mul3A_43, %add3A_505 : i32
        %get3A_509 = arith.index_cast %add3A_508 : i32 to index
        %get3A_510 = arith.constant 0 : index
        %get3A_511 = tpu.vector_load %arg11[%get3A_509, %get3A_510] {strides = array<i32>} : memref<864x64xf32, #tpu.memory_space<vmem>>, vector<16xf32>,
        %add3A_512 = arith.constant 0 : i32
        %add3A_513 = vector.broadcast %add3A_512 : i32 to vector<16xi32>
        %add3A_514 = arith.addi %add3A_513, %iota3A : vector<16xi32>
        tpu.vector_store_idx %arg12[%gather3A_507, %add3A_514], %get3A_511 : memref<832x64xf32, #tpu.memory_space<vmem>>[vector<16xi32>, vector<16xi32>], vector<16xf32>,
        %get3A_515 = arith.index_cast %add3A_508 : i32 to index
        %get3A_516 = arith.constant 16 : index
        %get3A_517 = tpu.vector_load %arg11[%get3A_515, %get3A_516] {strides = array<i32>} : memref<864x64xf32, #tpu.memory_space<vmem>>, vector<16xf32>,
        %add3A_518 = arith.constant 16 : i32
        %add3A_519 = vector.broadcast %add3A_518 : i32 to vector<16xi32>
        %add3A_520 = arith.addi %add3A_519, %iota3A : vector<16xi32>
        tpu.vector_store_idx %arg12[%gather3A_507, %add3A_520], %get3A_517 : memref<832x64xf32, #tpu.memory_space<vmem>>[vector<16xi32>, vector<16xi32>], vector<16xf32>,
        %get3A_521 = arith.index_cast %add3A_508 : i32 to index
        %get3A_522 = arith.constant 32 : index
        %get3A_523 = tpu.vector_load %arg11[%get3A_521, %get3A_522] {strides = array<i32>} : memref<864x64xf32, #tpu.memory_space<vmem>>, vector<16xf32>,
        %add3A_524 = arith.constant 32 : i32
        %add3A_525 = vector.broadcast %add3A_524 : i32 to vector<16xi32>
        %add3A_526 = arith.addi %add3A_525, %iota3A : vector<16xi32>
        tpu.vector_store_idx %arg12[%gather3A_507, %add3A_526], %get3A_523 : memref<832x64xf32, #tpu.memory_space<vmem>>[vector<16xi32>, vector<16xi32>], vector<16xf32>,
        %get3A_527 = arith.index_cast %add3A_508 : i32 to index
        %get3A_528 = arith.constant 48 : index
        %get3A_529 = tpu.vector_load %arg11[%get3A_527, %get3A_528] {strides = array<i32>} : memref<864x64xf32, #tpu.memory_space<vmem>>, vector<16xf32>,
        %add3A_530 = arith.constant 48 : i32
        %add3A_531 = vector.broadcast %add3A_530 : i32 to vector<16xi32>
        %add3A_532 = arith.addi %add3A_531, %iota3A : vector<16xi32>
        tpu.vector_store_idx %arg12[%gather3A_507, %add3A_532], %get3A_529 : memref<832x64xf32, #tpu.memory_space<vmem>>[vector<16xi32>, vector<16xi32>], vector<16xf32>,
        %mul3A_533 = arith.constant 16 : i32
        %mul3A_534 = arith.muli %while3A_101, %mul3A_533 : i32
        %add3A_535 = arith.constant 14 : i32
        %add3A_536 = arith.addi %mul3A_534, %add3A_535 : i32
        %broadcast_in_dim3A_537 = vector.broadcast %add3A_536 : i32 to vector<16xi32>
        %gather3A_538 = tpu.vector_load_idx %arg10[%broadcast_in_dim3A_537] : memref<864xi32, #tpu.memory_space<vmem>>[vector<16xi32>], vector<16xi32>,
        %add3A_539 = arith.addi %mul3A_43, %add3A_536 : i32
        %get3A_540 = arith.index_cast %add3A_539 : i32 to index
        %get3A_541 = arith.constant 0 : index
        %get3A_542 = tpu.vector_load %arg11[%get3A_540, %get3A_541] {strides = array<i32>} : memref<864x64xf32, #tpu.memory_space<vmem>>, vector<16xf32>,
        %add3A_543 = arith.constant 0 : i32
        %add3A_544 = vector.broadcast %add3A_543 : i32 to vector<16xi32>
        %add3A_545 = arith.addi %add3A_544, %iota3A : vector<16xi32>
        tpu.vector_store_idx %arg12[%gather3A_538, %add3A_545], %get3A_542 : memref<832x64xf32, #tpu.memory_space<vmem>>[vector<16xi32>, vector<16xi32>], vector<16xf32>,
        %get3A_546 = arith.index_cast %add3A_539 : i32 to index
        %get3A_547 = arith.constant 16 : index
        %get3A_548 = tpu.vector_load %arg11[%get3A_546, %get3A_547] {strides = array<i32>} : memref<864x64xf32, #tpu.memory_space<vmem>>, vector<16xf32>,
        %add3A_549 = arith.constant 16 : i32
        %add3A_550 = vector.broadcast %add3A_549 : i32 to vector<16xi32>
        %add3A_551 = arith.addi %add3A_550, %iota3A : vector<16xi32>
        tpu.vector_store_idx %arg12[%gather3A_538, %add3A_551], %get3A_548 : memref<832x64xf32, #tpu.memory_space<vmem>>[vector<16xi32>, vector<16xi32>], vector<16xf32>,
        %get3A_552 = arith.index_cast %add3A_539 : i32 to index
        %get3A_553 = arith.constant 32 : index
        %get3A_554 = tpu.vector_load %arg11[%get3A_552, %get3A_553] {strides = array<i32>} : memref<864x64xf32, #tpu.memory_space<vmem>>, vector<16xf32>,
        %add3A_555 = arith.constant 32 : i32
        %add3A_556 = vector.broadcast %add3A_555 : i32 to vector<16xi32>
        %add3A_557 = arith.addi %add3A_556, %iota3A : vector<16xi32>
        tpu.vector_store_idx %arg12[%gather3A_538, %add3A_557], %get3A_554 : memref<832x64xf32, #tpu.memory_space<vmem>>[vector<16xi32>, vector<16xi32>], vector<16xf32>,
        %get3A_558 = arith.index_cast %add3A_539 : i32 to index
        %get3A_559 = arith.constant 48 : index
        %get3A_560 = tpu.vector_load %arg11[%get3A_558, %get3A_559] {strides = array<i32>} : memref<864x64xf32, #tpu.memory_space<vmem>>, vector<16xf32>,
        %add3A_561 = arith.constant 48 : i32
        %add3A_562 = vector.broadcast %add3A_561 : i32 to vector<16xi32>
        %add3A_563 = arith.addi %add3A_562, %iota3A : vector<16xi32>
        tpu.vector_store_idx %arg12[%gather3A_538, %add3A_563], %get3A_560 : memref<832x64xf32, #tpu.memory_space<vmem>>[vector<16xi32>, vector<16xi32>], vector<16xf32>,
        %mul3A_564 = arith.constant 16 : i32
        %mul3A_565 = arith.muli %while3A_101, %mul3A_564 : i32
        %add3A_566 = arith.constant 15 : i32
        %add3A_567 = arith.addi %mul3A_565, %add3A_566 : i32
        %broadcast_in_dim3A_568 = vector.broadcast %add3A_567 : i32 to vector<16xi32>
        %gather3A_569 = tpu.vector_load_idx %arg10[%broadcast_in_dim3A_568] : memref<864xi32, #tpu.memory_space<vmem>>[vector<16xi32>], vector<16xi32>,
        %add3A_570 = arith.addi %mul3A_43, %add3A_567 : i32
        %get3A_571 = arith.index_cast %add3A_570 : i32 to index
        %get3A_572 = arith.constant 0 : index
        %get3A_573 = tpu.vector_load %arg11[%get3A_571, %get3A_572] {strides = array<i32>} : memref<864x64xf32, #tpu.memory_space<vmem>>, vector<16xf32>,
        %add3A_574 = arith.constant 0 : i32
        %add3A_575 = vector.broadcast %add3A_574 : i32 to vector<16xi32>
        %add3A_576 = arith.addi %add3A_575, %iota3A : vector<16xi32>
        tpu.vector_store_idx %arg12[%gather3A_569, %add3A_576], %get3A_573 : memref<832x64xf32, #tpu.memory_space<vmem>>[vector<16xi32>, vector<16xi32>], vector<16xf32>,
        %get3A_577 = arith.index_cast %add3A_570 : i32 to index
        %get3A_578 = arith.constant 16 : index
        %get3A_579 = tpu.vector_load %arg11[%get3A_577, %get3A_578] {strides = array<i32>} : memref<864x64xf32, #tpu.memory_space<vmem>>, vector<16xf32>,
        %add3A_580 = arith.constant 16 : i32
        %add3A_581 = vector.broadcast %add3A_580 : i32 to vector<16xi32>
        %add3A_582 = arith.addi %add3A_581, %iota3A : vector<16xi32>
        tpu.vector_store_idx %arg12[%gather3A_569, %add3A_582], %get3A_579 : memref<832x64xf32, #tpu.memory_space<vmem>>[vector<16xi32>, vector<16xi32>], vector<16xf32>,
        %get3A_583 = arith.index_cast %add3A_570 : i32 to index
        %get3A_584 = arith.constant 32 : index
        %get3A_585 = tpu.vector_load %arg11[%get3A_583, %get3A_584] {strides = array<i32>} : memref<864x64xf32, #tpu.memory_space<vmem>>, vector<16xf32>,
        %add3A_586 = arith.constant 32 : i32
        %add3A_587 = vector.broadcast %add3A_586 : i32 to vector<16xi32>
        %add3A_588 = arith.addi %add3A_587, %iota3A : vector<16xi32>
        tpu.vector_store_idx %arg12[%gather3A_569, %add3A_588], %get3A_585 : memref<832x64xf32, #tpu.memory_space<vmem>>[vector<16xi32>, vector<16xi32>], vector<16xf32>,
        %get3A_589 = arith.index_cast %add3A_570 : i32 to index
        %get3A_590 = arith.constant 48 : index
        %get3A_591 = tpu.vector_load %arg11[%get3A_589, %get3A_590] {strides = array<i32>} : memref<864x64xf32, #tpu.memory_space<vmem>>, vector<16xf32>,
        %add3A_592 = arith.constant 48 : i32
        %add3A_593 = vector.broadcast %add3A_592 : i32 to vector<16xi32>
        %add3A_594 = arith.addi %add3A_593, %iota3A : vector<16xi32>
        tpu.vector_store_idx %arg12[%gather3A_569, %add3A_594], %get3A_591 : memref<832x64xf32, #tpu.memory_space<vmem>>[vector<16xi32>, vector<16xi32>], vector<16xf32>,
      }
      %while3A_97 = arith.constant 1 : i32
      scf.for %while3A_101 = %while3A_95 to %while3A_91 step %while3A_97  : i32 {
        %mul3A_102 = arith.constant 16 : i32
        %mul3A_103 = arith.muli %while3A_101, %mul3A_102 : i32
        %add3A_104 = arith.constant 0 : i32
        %add3A_105 = arith.addi %mul3A_103, %add3A_104 : i32
        %broadcast_in_dim3A = vector.broadcast %add3A_105 : i32 to vector<16xi32>
        %gather3A = tpu.vector_load_idx %arg10[%broadcast_in_dim3A] : memref<864xi32, #tpu.memory_space<vmem>>[vector<16xi32>], vector<16xi32>,
        %add3A_106 = arith.addi %mul3A_43, %add3A_105 : i32
        %get3A = arith.index_cast %add3A_106 : i32 to index
        %get3A_107 = arith.constant 0 : index
        %get3A_108 = tpu.vector_load %arg11[%get3A, %get3A_107] {strides = array<i32>} : memref<864x64xf32, #tpu.memory_space<vmem>>, vector<16xf32>,
        %add3A_109 = arith.constant 0 : i32
        %add3A_110 = vector.broadcast %add3A_109 : i32 to vector<16xi32>
        %add3A_111 = arith.addi %add3A_110, %iota3A : vector<16xi32>
        tpu.vector_store_idx %arg12[%gather3A, %add3A_111], %get3A_108 : memref<832x64xf32, #tpu.memory_space<vmem>>[vector<16xi32>, vector<16xi32>], vector<16xf32>,
        %get3A_112 = arith.index_cast %add3A_106 : i32 to index
        %get3A_113 = arith.constant 16 : index
        %get3A_114 = tpu.vector_load %arg11[%get3A_112, %get3A_113] {strides = array<i32>} : memref<864x64xf32, #tpu.memory_space<vmem>>, vector<16xf32>,
        %add3A_115 = arith.constant 16 : i32
        %add3A_116 = vector.broadcast %add3A_115 : i32 to vector<16xi32>
        %add3A_117 = arith.addi %add3A_116, %iota3A : vector<16xi32>
        tpu.vector_store_idx %arg12[%gather3A, %add3A_117], %get3A_114 : memref<832x64xf32, #tpu.memory_space<vmem>>[vector<16xi32>, vector<16xi32>], vector<16xf32>,
        %get3A_118 = arith.index_cast %add3A_106 : i32 to index
        %get3A_119 = arith.constant 32 : index
        %get3A_120 = tpu.vector_load %arg11[%get3A_118, %get3A_119] {strides = array<i32>} : memref<864x64xf32, #tpu.memory_space<vmem>>, vector<16xf32>,
        %add3A_121 = arith.constant 32 : i32
        %add3A_122 = vector.broadcast %add3A_121 : i32 to vector<16xi32>
        %add3A_123 = arith.addi %add3A_122, %iota3A : vector<16xi32>
        tpu.vector_store_idx %arg12[%gather3A, %add3A_123], %get3A_120 : memref<832x64xf32, #tpu.memory_space<vmem>>[vector<16xi32>, vector<16xi32>], vector<16xf32>,
        %get3A_124 = arith.index_cast %add3A_106 : i32 to index
        %get3A_125 = arith.constant 48 : index
        %get3A_126 = tpu.vector_load %arg11[%get3A_124, %get3A_125] {strides = array<i32>} : memref<864x64xf32, #tpu.memory_space<vmem>>, vector<16xf32>,
        %add3A_127 = arith.constant 48 : i32
        %add3A_128 = vector.broadcast %add3A_127 : i32 to vector<16xi32>
        %add3A_129 = arith.addi %add3A_128, %iota3A : vector<16xi32>
        tpu.vector_store_idx %arg12[%gather3A, %add3A_129], %get3A_126 : memref<832x64xf32, #tpu.memory_space<vmem>>[vector<16xi32>, vector<16xi32>], vector<16xf32>,
        %mul3A_130 = arith.constant 16 : i32
        %mul3A_131 = arith.muli %while3A_101, %mul3A_130 : i32
        %add3A_132 = arith.constant 1 : i32
        %add3A_133 = arith.addi %mul3A_131, %add3A_132 : i32
        %broadcast_in_dim3A_134 = vector.broadcast %add3A_133 : i32 to vector<16xi32>
        %gather3A_135 = tpu.vector_load_idx %arg10[%broadcast_in_dim3A_134] : memref<864xi32, #tpu.memory_space<vmem>>[vector<16xi32>], vector<16xi32>,
        %add3A_136 = arith.addi %mul3A_43, %add3A_133 : i32
        %get3A_137 = arith.index_cast %add3A_136 : i32 to index
        %get3A_138 = arith.constant 0 : index
        %get3A_139 = tpu.vector_load %arg11[%get3A_137, %get3A_138] {strides = array<i32>} : memref<864x64xf32, #tpu.memory_space<vmem>>, vector<16xf32>,
        %add3A_140 = arith.constant 0 : i32
        %add3A_141 = vector.broadcast %add3A_140 : i32 to vector<16xi32>
        %add3A_142 = arith.addi %add3A_141, %iota3A : vector<16xi32>
        tpu.vector_store_idx %arg12[%gather3A_135, %add3A_142], %get3A_139 : memref<832x64xf32, #tpu.memory_space<vmem>>[vector<16xi32>, vector<16xi32>], vector<16xf32>,
        %get3A_143 = arith.index_cast %add3A_136 : i32 to index
        %get3A_144 = arith.constant 16 : index
        %get3A_145 = tpu.vector_load %arg11[%get3A_143, %get3A_144] {strides = array<i32>} : memref<864x64xf32, #tpu.memory_space<vmem>>, vector<16xf32>,
        %add3A_146 = arith.constant 16 : i32
        %add3A_147 = vector.broadcast %add3A_146 : i32 to vector<16xi32>
        %add3A_148 = arith.addi %add3A_147, %iota3A : vector<16xi32>
        tpu.vector_store_idx %arg12[%gather3A_135, %add3A_148], %get3A_145 : memref<832x64xf32, #tpu.memory_space<vmem>>[vector<16xi32>, vector<16xi32>], vector<16xf32>,
        %get3A_149 = arith.index_cast %add3A_136 : i32 to index
        %get3A_150 = arith.constant 32 : index
        %get3A_151 = tpu.vector_load %arg11[%get3A_149, %get3A_150] {strides = array<i32>} : memref<864x64xf32, #tpu.memory_space<vmem>>, vector<16xf32>,
        %add3A_152 = arith.constant 32 : i32
        %add3A_153 = vector.broadcast %add3A_152 : i32 to vector<16xi32>
        %add3A_154 = arith.addi %add3A_153, %iota3A : vector<16xi32>
        tpu.vector_store_idx %arg12[%gather3A_135, %add3A_154], %get3A_151 : memref<832x64xf32, #tpu.memory_space<vmem>>[vector<16xi32>, vector<16xi32>], vector<16xf32>,
        %get3A_155 = arith.index_cast %add3A_136 : i32 to index
        %get3A_156 = arith.constant 48 : index
        %get3A_157 = tpu.vector_load %arg11[%get3A_155, %get3A_156] {strides = array<i32>} : memref<864x64xf32, #tpu.memory_space<vmem>>, vector<16xf32>,
        %add3A_158 = arith.constant 48 : i32
        %add3A_159 = vector.broadcast %add3A_158 : i32 to vector<16xi32>
        %add3A_160 = arith.addi %add3A_159, %iota3A : vector<16xi32>
        tpu.vector_store_idx %arg12[%gather3A_135, %add3A_160], %get3A_157 : memref<832x64xf32, #tpu.memory_space<vmem>>[vector<16xi32>, vector<16xi32>], vector<16xf32>,
        %mul3A_161 = arith.constant 16 : i32
        %mul3A_162 = arith.muli %while3A_101, %mul3A_161 : i32
        %add3A_163 = arith.constant 2 : i32
        %add3A_164 = arith.addi %mul3A_162, %add3A_163 : i32
        %broadcast_in_dim3A_165 = vector.broadcast %add3A_164 : i32 to vector<16xi32>
        %gather3A_166 = tpu.vector_load_idx %arg10[%broadcast_in_dim3A_165] : memref<864xi32, #tpu.memory_space<vmem>>[vector<16xi32>], vector<16xi32>,
        %add3A_167 = arith.addi %mul3A_43, %add3A_164 : i32
        %get3A_168 = arith.index_cast %add3A_167 : i32 to index
        %get3A_169 = arith.constant 0 : index
        %get3A_170 = tpu.vector_load %arg11[%get3A_168, %get3A_169] {strides = array<i32>} : memref<864x64xf32, #tpu.memory_space<vmem>>, vector<16xf32>,
        %add3A_171 = arith.constant 0 : i32
        %add3A_172 = vector.broadcast %add3A_171 : i32 to vector<16xi32>
        %add3A_173 = arith.addi %add3A_172, %iota3A : vector<16xi32>
        tpu.vector_store_idx %arg12[%gather3A_166, %add3A_173], %get3A_170 : memref<832x64xf32, #tpu.memory_space<vmem>>[vector<16xi32>, vector<16xi32>], vector<16xf32>,
        %get3A_174 = arith.index_cast %add3A_167 : i32 to index
        %get3A_175 = arith.constant 16 : index
        %get3A_176 = tpu.vector_load %arg11[%get3A_174, %get3A_175] {strides = array<i32>} : memref<864x64xf32, #tpu.memory_space<vmem>>, vector<16xf32>,
        %add3A_177 = arith.constant 16 : i32
        %add3A_178 = vector.broadcast %add3A_177 : i32 to vector<16xi32>
        %add3A_179 = arith.addi %add3A_178, %iota3A : vector<16xi32>
        tpu.vector_store_idx %arg12[%gather3A_166, %add3A_179], %get3A_176 : memref<832x64xf32, #tpu.memory_space<vmem>>[vector<16xi32>, vector<16xi32>], vector<16xf32>,
        %get3A_180 = arith.index_cast %add3A_167 : i32 to index
        %get3A_181 = arith.constant 32 : index
        %get3A_182 = tpu.vector_load %arg11[%get3A_180, %get3A_181] {strides = array<i32>} : memref<864x64xf32, #tpu.memory_space<vmem>>, vector<16xf32>,
        %add3A_183 = arith.constant 32 : i32
        %add3A_184 = vector.broadcast %add3A_183 : i32 to vector<16xi32>
        %add3A_185 = arith.addi %add3A_184, %iota3A : vector<16xi32>
        tpu.vector_store_idx %arg12[%gather3A_166, %add3A_185], %get3A_182 : memref<832x64xf32, #tpu.memory_space<vmem>>[vector<16xi32>, vector<16xi32>], vector<16xf32>,
        %get3A_186 = arith.index_cast %add3A_167 : i32 to index
        %get3A_187 = arith.constant 48 : index
        %get3A_188 = tpu.vector_load %arg11[%get3A_186, %get3A_187] {strides = array<i32>} : memref<864x64xf32, #tpu.memory_space<vmem>>, vector<16xf32>,
        %add3A_189 = arith.constant 48 : i32
        %add3A_190 = vector.broadcast %add3A_189 : i32 to vector<16xi32>
        %add3A_191 = arith.addi %add3A_190, %iota3A : vector<16xi32>
        tpu.vector_store_idx %arg12[%gather3A_166, %add3A_191], %get3A_188 : memref<832x64xf32, #tpu.memory_space<vmem>>[vector<16xi32>, vector<16xi32>], vector<16xf32>,
        %mul3A_192 = arith.constant 16 : i32
        %mul3A_193 = arith.muli %while3A_101, %mul3A_192 : i32
        %add3A_194 = arith.constant 3 : i32
        %add3A_195 = arith.addi %mul3A_193, %add3A_194 : i32
        %broadcast_in_dim3A_196 = vector.broadcast %add3A_195 : i32 to vector<16xi32>
        %gather3A_197 = tpu.vector_load_idx %arg10[%broadcast_in_dim3A_196] : memref<864xi32, #tpu.memory_space<vmem>>[vector<16xi32>], vector<16xi32>,
        %add3A_198 = arith.addi %mul3A_43, %add3A_195 : i32
        %get3A_199 = arith.index_cast %add3A_198 : i32 to index
        %get3A_200 = arith.constant 0 : index
        %get3A_201 = tpu.vector_load %arg11[%get3A_199, %get3A_200] {strides = array<i32>} : memref<864x64xf32, #tpu.memory_space<vmem>>, vector<16xf32>,
        %add3A_202 = arith.constant 0 : i32
        %add3A_203 = vector.broadcast %add3A_202 : i32 to vector<16xi32>
        %add3A_204 = arith.addi %add3A_203, %iota3A : vector<16xi32>
        tpu.vector_store_idx %arg12[%gather3A_197, %add3A_204], %get3A_201 : memref<832x64xf32, #tpu.memory_space<vmem>>[vector<16xi32>, vector<16xi32>], vector<16xf32>,
        %get3A_205 = arith.index_cast %add3A_198 : i32 to index
        %get3A_206 = arith.constant 16 : index
        %get3A_207 = tpu.vector_load %arg11[%get3A_205, %get3A_206] {strides = array<i32>} : memref<864x64xf32, #tpu.memory_space<vmem>>, vector<16xf32>,
        %add3A_208 = arith.constant 16 : i32
        %add3A_209 = vector.broadcast %add3A_208 : i32 to vector<16xi32>
        %add3A_210 = arith.addi %add3A_209, %iota3A : vector<16xi32>
        tpu.vector_store_idx %arg12[%gather3A_197, %add3A_210], %get3A_207 : memref<832x64xf32, #tpu.memory_space<vmem>>[vector<16xi32>, vector<16xi32>], vector<16xf32>,
        %get3A_211 = arith.index_cast %add3A_198 : i32 to index
        %get3A_212 = arith.constant 32 : index
        %get3A_213 = tpu.vector_load %arg11[%get3A_211, %get3A_212] {strides = array<i32>} : memref<864x64xf32, #tpu.memory_space<vmem>>, vector<16xf32>,
        %add3A_214 = arith.constant 32 : i32
        %add3A_215 = vector.broadcast %add3A_214 : i32 to vector<16xi32>
        %add3A_216 = arith.addi %add3A_215, %iota3A : vector<16xi32>
        tpu.vector_store_idx %arg12[%gather3A_197, %add3A_216], %get3A_213 : memref<832x64xf32, #tpu.memory_space<vmem>>[vector<16xi32>, vector<16xi32>], vector<16xf32>,
        %get3A_217 = arith.index_cast %add3A_198 : i32 to index
        %get3A_218 = arith.constant 48 : index
        %get3A_219 = tpu.vector_load %arg11[%get3A_217, %get3A_218] {strides = array<i32>} : memref<864x64xf32, #tpu.memory_space<vmem>>, vector<16xf32>,
        %add3A_220 = arith.constant 48 : i32
        %add3A_221 = vector.broadcast %add3A_220 : i32 to vector<16xi32>
        %add3A_222 = arith.addi %add3A_221, %iota3A : vector<16xi32>
        tpu.vector_store_idx %arg12[%gather3A_197, %add3A_222], %get3A_219 : memref<832x64xf32, #tpu.memory_space<vmem>>[vector<16xi32>, vector<16xi32>], vector<16xf32>,
        %mul3A_223 = arith.constant 16 : i32
        %mul3A_224 = arith.muli %while3A_101, %mul3A_223 : i32
        %add3A_225 = arith.constant 4 : i32
        %add3A_226 = arith.addi %mul3A_224, %add3A_225 : i32
        %broadcast_in_dim3A_227 = vector.broadcast %add3A_226 : i32 to vector<16xi32>
        %gather3A_228 = tpu.vector_load_idx %arg10[%broadcast_in_dim3A_227] : memref<864xi32, #tpu.memory_space<vmem>>[vector<16xi32>], vector<16xi32>,
        %add3A_229 = arith.addi %mul3A_43, %add3A_226 : i32
        %get3A_230 = arith.index_cast %add3A_229 : i32 to index
        %get3A_231 = arith.constant 0 : index
        %get3A_232 = tpu.vector_load %arg11[%get3A_230, %get3A_231] {strides = array<i32>} : memref<864x64xf32, #tpu.memory_space<vmem>>, vector<16xf32>,
        %add3A_233 = arith.constant 0 : i32
        %add3A_234 = vector.broadcast %add3A_233 : i32 to vector<16xi32>
        %add3A_235 = arith.addi %add3A_234, %iota3A : vector<16xi32>
        tpu.vector_store_idx %arg12[%gather3A_228, %add3A_235], %get3A_232 : memref<832x64xf32, #tpu.memory_space<vmem>>[vector<16xi32>, vector<16xi32>], vector<16xf32>,
        %get3A_236 = arith.index_cast %add3A_229 : i32 to index
        %get3A_237 = arith.constant 16 : index
        %get3A_238 = tpu.vector_load %arg11[%get3A_236, %get3A_237] {strides = array<i32>} : memref<864x64xf32, #tpu.memory_space<vmem>>, vector<16xf32>,
        %add3A_239 = arith.constant 16 : i32
        %add3A_240 = vector.broadcast %add3A_239 : i32 to vector<16xi32>
        %add3A_241 = arith.addi %add3A_240, %iota3A : vector<16xi32>
        tpu.vector_store_idx %arg12[%gather3A_228, %add3A_241], %get3A_238 : memref<832x64xf32, #tpu.memory_space<vmem>>[vector<16xi32>, vector<16xi32>], vector<16xf32>,
        %get3A_242 = arith.index_cast %add3A_229 : i32 to index
        %get3A_243 = arith.constant 32 : index
        %get3A_244 = tpu.vector_load %arg11[%get3A_242, %get3A_243] {strides = array<i32>} : memref<864x64xf32, #tpu.memory_space<vmem>>, vector<16xf32>,
        %add3A_245 = arith.constant 32 : i32
        %add3A_246 = vector.broadcast %add3A_245 : i32 to vector<16xi32>
        %add3A_247 = arith.addi %add3A_246, %iota3A : vector<16xi32>
        tpu.vector_store_idx %arg12[%gather3A_228, %add3A_247], %get3A_244 : memref<832x64xf32, #tpu.memory_space<vmem>>[vector<16xi32>, vector<16xi32>], vector<16xf32>,
        %get3A_248 = arith.index_cast %add3A_229 : i32 to index
        %get3A_249 = arith.constant 48 : index
        %get3A_250 = tpu.vector_load %arg11[%get3A_248, %get3A_249] {strides = array<i32>} : memref<864x64xf32, #tpu.memory_space<vmem>>, vector<16xf32>,
        %add3A_251 = arith.constant 48 : i32
        %add3A_252 = vector.broadcast %add3A_251 : i32 to vector<16xi32>
        %add3A_253 = arith.addi %add3A_252, %iota3A : vector<16xi32>
        tpu.vector_store_idx %arg12[%gather3A_228, %add3A_253], %get3A_250 : memref<832x64xf32, #tpu.memory_space<vmem>>[vector<16xi32>, vector<16xi32>], vector<16xf32>,
        %mul3A_254 = arith.constant 16 : i32
        %mul3A_255 = arith.muli %while3A_101, %mul3A_254 : i32
        %add3A_256 = arith.constant 5 : i32
        %add3A_257 = arith.addi %mul3A_255, %add3A_256 : i32
        %broadcast_in_dim3A_258 = vector.broadcast %add3A_257 : i32 to vector<16xi32>
        %gather3A_259 = tpu.vector_load_idx %arg10[%broadcast_in_dim3A_258] : memref<864xi32, #tpu.memory_space<vmem>>[vector<16xi32>], vector<16xi32>,
        %add3A_260 = arith.addi %mul3A_43, %add3A_257 : i32
        %get3A_261 = arith.index_cast %add3A_260 : i32 to index
        %get3A_262 = arith.constant 0 : index
        %get3A_263 = tpu.vector_load %arg11[%get3A_261, %get3A_262] {strides = array<i32>} : memref<864x64xf32, #tpu.memory_space<vmem>>, vector<16xf32>,
        %add3A_264 = arith.constant 0 : i32
        %add3A_265 = vector.broadcast %add3A_264 : i32 to vector<16xi32>
        %add3A_266 = arith.addi %add3A_265, %iota3A : vector<16xi32>
        tpu.vector_store_idx %arg12[%gather3A_259, %add3A_266], %get3A_263 : memref<832x64xf32, #tpu.memory_space<vmem>>[vector<16xi32>, vector<16xi32>], vector<16xf32>,
        %get3A_267 = arith.index_cast %add3A_260 : i32 to index
        %get3A_268 = arith.constant 16 : index
        %get3A_269 = tpu.vector_load %arg11[%get3A_267, %get3A_268] {strides = array<i32>} : memref<864x64xf32, #tpu.memory_space<vmem>>, vector<16xf32>,
        %add3A_270 = arith.constant 16 : i32
        %add3A_271 = vector.broadcast %add3A_270 : i32 to vector<16xi32>
        %add3A_272 = arith.addi %add3A_271, %iota3A : vector<16xi32>
        tpu.vector_store_idx %arg12[%gather3A_259, %add3A_272], %get3A_269 : memref<832x64xf32, #tpu.memory_space<vmem>>[vector<16xi32>, vector<16xi32>], vector<16xf32>,
        %get3A_273 = arith.index_cast %add3A_260 : i32 to index
        %get3A_274 = arith.constant 32 : index
        %get3A_275 = tpu.vector_load %arg11[%get3A_273, %get3A_274] {strides = array<i32>} : memref<864x64xf32, #tpu.memory_space<vmem>>, vector<16xf32>,
        %add3A_276 = arith.constant 32 : i32
        %add3A_277 = vector.broadcast %add3A_276 : i32 to vector<16xi32>
        %add3A_278 = arith.addi %add3A_277, %iota3A : vector<16xi32>
        tpu.vector_store_idx %arg12[%gather3A_259, %add3A_278], %get3A_275 : memref<832x64xf32, #tpu.memory_space<vmem>>[vector<16xi32>, vector<16xi32>], vector<16xf32>,
        %get3A_279 = arith.index_cast %add3A_260 : i32 to index
        %get3A_280 = arith.constant 48 : index
        %get3A_281 = tpu.vector_load %arg11[%get3A_279, %get3A_280] {strides = array<i32>} : memref<864x64xf32, #tpu.memory_space<vmem>>, vector<16xf32>,
        %add3A_282 = arith.constant 48 : i32
        %add3A_283 = vector.broadcast %add3A_282 : i32 to vector<16xi32>
        %add3A_284 = arith.addi %add3A_283, %iota3A : vector<16xi32>
        tpu.vector_store_idx %arg12[%gather3A_259, %add3A_284], %get3A_281 : memref<832x64xf32, #tpu.memory_space<vmem>>[vector<16xi32>, vector<16xi32>], vector<16xf32>,
        %mul3A_285 = arith.constant 16 : i32
        %mul3A_286 = arith.muli %while3A_101, %mul3A_285 : i32
        %add3A_287 = arith.constant 6 : i32
        %add3A_288 = arith.addi %mul3A_286, %add3A_287 : i32
        %broadcast_in_dim3A_289 = vector.broadcast %add3A_288 : i32 to vector<16xi32>
        %gather3A_290 = tpu.vector_load_idx %arg10[%broadcast_in_dim3A_289] : memref<864xi32, #tpu.memory_space<vmem>>[vector<16xi32>], vector<16xi32>,
        %add3A_291 = arith.addi %mul3A_43, %add3A_288 : i32
        %get3A_292 = arith.index_cast %add3A_291 : i32 to index
        %get3A_293 = arith.constant 0 : index
        %get3A_294 = tpu.vector_load %arg11[%get3A_292, %get3A_293] {strides = array<i32>} : memref<864x64xf32, #tpu.memory_space<vmem>>, vector<16xf32>,
        %add3A_295 = arith.constant 0 : i32
        %add3A_296 = vector.broadcast %add3A_295 : i32 to vector<16xi32>
        %add3A_297 = arith.addi %add3A_296, %iota3A : vector<16xi32>
        tpu.vector_store_idx %arg12[%gather3A_290, %add3A_297], %get3A_294 : memref<832x64xf32, #tpu.memory_space<vmem>>[vector<16xi32>, vector<16xi32>], vector<16xf32>,
        %get3A_298 = arith.index_cast %add3A_291 : i32 to index
        %get3A_299 = arith.constant 16 : index
        %get3A_300 = tpu.vector_load %arg11[%get3A_298, %get3A_299] {strides = array<i32>} : memref<864x64xf32, #tpu.memory_space<vmem>>, vector<16xf32>,
        %add3A_301 = arith.constant 16 : i32
        %add3A_302 = vector.broadcast %add3A_301 : i32 to vector<16xi32>
        %add3A_303 = arith.addi %add3A_302, %iota3A : vector<16xi32>
        tpu.vector_store_idx %arg12[%gather3A_290, %add3A_303], %get3A_300 : memref<832x64xf32, #tpu.memory_space<vmem>>[vector<16xi32>, vector<16xi32>], vector<16xf32>,
        %get3A_304 = arith.index_cast %add3A_291 : i32 to index
        %get3A_305 = arith.constant 32 : index
        %get3A_306 = tpu.vector_load %arg11[%get3A_304, %get3A_305] {strides = array<i32>} : memref<864x64xf32, #tpu.memory_space<vmem>>, vector<16xf32>,
        %add3A_307 = arith.constant 32 : i32
        %add3A_308 = vector.broadcast %add3A_307 : i32 to vector<16xi32>
        %add3A_309 = arith.addi %add3A_308, %iota3A : vector<16xi32>
        tpu.vector_store_idx %arg12[%gather3A_290, %add3A_309], %get3A_306 : memref<832x64xf32, #tpu.memory_space<vmem>>[vector<16xi32>, vector<16xi32>], vector<16xf32>,
        %get3A_310 = arith.index_cast %add3A_291 : i32 to index
        %get3A_311 = arith.constant 48 : index
        %get3A_312 = tpu.vector_load %arg11[%get3A_310, %get3A_311] {strides = array<i32>} : memref<864x64xf32, #tpu.memory_space<vmem>>, vector<16xf32>,
        %add3A_313 = arith.constant 48 : i32
        %add3A_314 = vector.broadcast %add3A_313 : i32 to vector<16xi32>
        %add3A_315 = arith.addi %add3A_314, %iota3A : vector<16xi32>
        tpu.vector_store_idx %arg12[%gather3A_290, %add3A_315], %get3A_312 : memref<832x64xf32, #tpu.memory_space<vmem>>[vector<16xi32>, vector<16xi32>], vector<16xf32>,
        %mul3A_316 = arith.constant 16 : i32
        %mul3A_317 = arith.muli %while3A_101, %mul3A_316 : i32
        %add3A_318 = arith.constant 7 : i32
        %add3A_319 = arith.addi %mul3A_317, %add3A_318 : i32
        %broadcast_in_dim3A_320 = vector.broadcast %add3A_319 : i32 to vector<16xi32>
        %gather3A_321 = tpu.vector_load_idx %arg10[%broadcast_in_dim3A_320] : memref<864xi32, #tpu.memory_space<vmem>>[vector<16xi32>], vector<16xi32>,
        %add3A_322 = arith.addi %mul3A_43, %add3A_319 : i32
        %get3A_323 = arith.index_cast %add3A_322 : i32 to index
        %get3A_324 = arith.constant 0 : index
        %get3A_325 = tpu.vector_load %arg11[%get3A_323, %get3A_324] {strides = array<i32>} : memref<864x64xf32, #tpu.memory_space<vmem>>, vector<16xf32>,
        %add3A_326 = arith.constant 0 : i32
        %add3A_327 = vector.broadcast %add3A_326 : i32 to vector<16xi32>
        %add3A_328 = arith.addi %add3A_327, %iota3A : vector<16xi32>
        tpu.vector_store_idx %arg12[%gather3A_321, %add3A_328], %get3A_325 : memref<832x64xf32, #tpu.memory_space<vmem>>[vector<16xi32>, vector<16xi32>], vector<16xf32>,
        %get3A_329 = arith.index_cast %add3A_322 : i32 to index
        %get3A_330 = arith.constant 16 : index
        %get3A_331 = tpu.vector_load %arg11[%get3A_329, %get3A_330] {strides = array<i32>} : memref<864x64xf32, #tpu.memory_space<vmem>>, vector<16xf32>,
        %add3A_332 = arith.constant 16 : i32
        %add3A_333 = vector.broadcast %add3A_332 : i32 to vector<16xi32>
        %add3A_334 = arith.addi %add3A_333, %iota3A : vector<16xi32>
        tpu.vector_store_idx %arg12[%gather3A_321, %add3A_334], %get3A_331 : memref<832x64xf32, #tpu.memory_space<vmem>>[vector<16xi32>, vector<16xi32>], vector<16xf32>,
        %get3A_335 = arith.index_cast %add3A_322 : i32 to index
        %get3A_336 = arith.constant 32 : index
        %get3A_337 = tpu.vector_load %arg11[%get3A_335, %get3A_336] {strides = array<i32>} : memref<864x64xf32, #tpu.memory_space<vmem>>, vector<16xf32>,
        %add3A_338 = arith.constant 32 : i32
        %add3A_339 = vector.broadcast %add3A_338 : i32 to vector<16xi32>
        %add3A_340 = arith.addi %add3A_339, %iota3A : vector<16xi32>
        tpu.vector_store_idx %arg12[%gather3A_321, %add3A_340], %get3A_337 : memref<832x64xf32, #tpu.memory_space<vmem>>[vector<16xi32>, vector<16xi32>], vector<16xf32>,
        %get3A_341 = arith.index_cast %add3A_322 : i32 to index
        %get3A_342 = arith.constant 48 : index
        %get3A_343 = tpu.vector_load %arg11[%get3A_341, %get3A_342] {strides = array<i32>} : memref<864x64xf32, #tpu.memory_space<vmem>>, vector<16xf32>,
        %add3A_344 = arith.constant 48 : i32
        %add3A_345 = vector.broadcast %add3A_344 : i32 to vector<16xi32>
        %add3A_346 = arith.addi %add3A_345, %iota3A : vector<16xi32>
        tpu.vector_store_idx %arg12[%gather3A_321, %add3A_346], %get3A_343 : memref<832x64xf32, #tpu.memory_space<vmem>>[vector<16xi32>, vector<16xi32>], vector<16xf32>,
        %mul3A_347 = arith.constant 16 : i32
        %mul3A_348 = arith.muli %while3A_101, %mul3A_347 : i32
        %add3A_349 = arith.constant 8 : i32
        %add3A_350 = arith.addi %mul3A_348, %add3A_349 : i32
        %broadcast_in_dim3A_351 = vector.broadcast %add3A_350 : i32 to vector<16xi32>
        %gather3A_352 = tpu.vector_load_idx %arg10[%broadcast_in_dim3A_351] : memref<864xi32, #tpu.memory_space<vmem>>[vector<16xi32>], vector<16xi32>,
        %add3A_353 = arith.addi %mul3A_43, %add3A_350 : i32
        %get3A_354 = arith.index_cast %add3A_353 : i32 to index
        %get3A_355 = arith.constant 0 : index
        %get3A_356 = tpu.vector_load %arg11[%get3A_354, %get3A_355] {strides = array<i32>} : memref<864x64xf32, #tpu.memory_space<vmem>>, vector<16xf32>,
        %add3A_357 = arith.constant 0 : i32
        %add3A_358 = vector.broadcast %add3A_357 : i32 to vector<16xi32>
        %add3A_359 = arith.addi %add3A_358, %iota3A : vector<16xi32>
        tpu.vector_store_idx %arg12[%gather3A_352, %add3A_359], %get3A_356 : memref<832x64xf32, #tpu.memory_space<vmem>>[vector<16xi32>, vector<16xi32>], vector<16xf32>,
        %get3A_360 = arith.index_cast %add3A_353 : i32 to index
        %get3A_361 = arith.constant 16 : index
        %get3A_362 = tpu.vector_load %arg11[%get3A_360, %get3A_361] {strides = array<i32>} : memref<864x64xf32, #tpu.memory_space<vmem>>, vector<16xf32>,
        %add3A_363 = arith.constant 16 : i32
        %add3A_364 = vector.broadcast %add3A_363 : i32 to vector<16xi32>
        %add3A_365 = arith.addi %add3A_364, %iota3A : vector<16xi32>
        tpu.vector_store_idx %arg12[%gather3A_352, %add3A_365], %get3A_362 : memref<832x64xf32, #tpu.memory_space<vmem>>[vector<16xi32>, vector<16xi32>], vector<16xf32>,
        %get3A_366 = arith.index_cast %add3A_353 : i32 to index
        %get3A_367 = arith.constant 32 : index
        %get3A_368 = tpu.vector_load %arg11[%get3A_366, %get3A_367] {strides = array<i32>} : memref<864x64xf32, #tpu.memory_space<vmem>>, vector<16xf32>,
        %add3A_369 = arith.constant 32 : i32
        %add3A_370 = vector.broadcast %add3A_369 : i32 to vector<16xi32>
        %add3A_371 = arith.addi %add3A_370, %iota3A : vector<16xi32>
        tpu.vector_store_idx %arg12[%gather3A_352, %add3A_371], %get3A_368 : memref<832x64xf32, #tpu.memory_space<vmem>>[vector<16xi32>, vector<16xi32>], vector<16xf32>,
        %get3A_372 = arith.index_cast %add3A_353 : i32 to index
        %get3A_373 = arith.constant 48 : index
        %get3A_374 = tpu.vector_load %arg11[%get3A_372, %get3A_373] {strides = array<i32>} : memref<864x64xf32, #tpu.memory_space<vmem>>, vector<16xf32>,
        %add3A_375 = arith.constant 48 : i32
        %add3A_376 = vector.broadcast %add3A_375 : i32 to vector<16xi32>
        %add3A_377 = arith.addi %add3A_376, %iota3A : vector<16xi32>
        tpu.vector_store_idx %arg12[%gather3A_352, %add3A_377], %get3A_374 : memref<832x64xf32, #tpu.memory_space<vmem>>[vector<16xi32>, vector<16xi32>], vector<16xf32>,
        %mul3A_378 = arith.constant 16 : i32
        %mul3A_379 = arith.muli %while3A_101, %mul3A_378 : i32
        %add3A_380 = arith.constant 9 : i32
        %add3A_381 = arith.addi %mul3A_379, %add3A_380 : i32
        %broadcast_in_dim3A_382 = vector.broadcast %add3A_381 : i32 to vector<16xi32>
        %gather3A_383 = tpu.vector_load_idx %arg10[%broadcast_in_dim3A_382] : memref<864xi32, #tpu.memory_space<vmem>>[vector<16xi32>], vector<16xi32>,
        %add3A_384 = arith.addi %mul3A_43, %add3A_381 : i32
        %get3A_385 = arith.index_cast %add3A_384 : i32 to index
        %get3A_386 = arith.constant 0 : index
        %get3A_387 = tpu.vector_load %arg11[%get3A_385, %get3A_386] {strides = array<i32>} : memref<864x64xf32, #tpu.memory_space<vmem>>, vector<16xf32>,
        %add3A_388 = arith.constant 0 : i32
        %add3A_389 = vector.broadcast %add3A_388 : i32 to vector<16xi32>
        %add3A_390 = arith.addi %add3A_389, %iota3A : vector<16xi32>
        tpu.vector_store_idx %arg12[%gather3A_383, %add3A_390], %get3A_387 : memref<832x64xf32, #tpu.memory_space<vmem>>[vector<16xi32>, vector<16xi32>], vector<16xf32>,
        %get3A_391 = arith.index_cast %add3A_384 : i32 to index
        %get3A_392 = arith.constant 16 : index
        %get3A_393 = tpu.vector_load %arg11[%get3A_391, %get3A_392] {strides = array<i32>} : memref<864x64xf32, #tpu.memory_space<vmem>>, vector<16xf32>,
        %add3A_394 = arith.constant 16 : i32
        %add3A_395 = vector.broadcast %add3A_394 : i32 to vector<16xi32>
        %add3A_396 = arith.addi %add3A_395, %iota3A : vector<16xi32>
        tpu.vector_store_idx %arg12[%gather3A_383, %add3A_396], %get3A_393 : memref<832x64xf32, #tpu.memory_space<vmem>>[vector<16xi32>, vector<16xi32>], vector<16xf32>,
        %get3A_397 = arith.index_cast %add3A_384 : i32 to index
        %get3A_398 = arith.constant 32 : index
        %get3A_399 = tpu.vector_load %arg11[%get3A_397, %get3A_398] {strides = array<i32>} : memref<864x64xf32, #tpu.memory_space<vmem>>, vector<16xf32>,
        %add3A_400 = arith.constant 32 : i32
        %add3A_401 = vector.broadcast %add3A_400 : i32 to vector<16xi32>
        %add3A_402 = arith.addi %add3A_401, %iota3A : vector<16xi32>
        tpu.vector_store_idx %arg12[%gather3A_383, %add3A_402], %get3A_399 : memref<832x64xf32, #tpu.memory_space<vmem>>[vector<16xi32>, vector<16xi32>], vector<16xf32>,
        %get3A_403 = arith.index_cast %add3A_384 : i32 to index
        %get3A_404 = arith.constant 48 : index
        %get3A_405 = tpu.vector_load %arg11[%get3A_403, %get3A_404] {strides = array<i32>} : memref<864x64xf32, #tpu.memory_space<vmem>>, vector<16xf32>,
        %add3A_406 = arith.constant 48 : i32
        %add3A_407 = vector.broadcast %add3A_406 : i32 to vector<16xi32>
        %add3A_408 = arith.addi %add3A_407, %iota3A : vector<16xi32>
        tpu.vector_store_idx %arg12[%gather3A_383, %add3A_408], %get3A_405 : memref<832x64xf32, #tpu.memory_space<vmem>>[vector<16xi32>, vector<16xi32>], vector<16xf32>,
        %mul3A_409 = arith.constant 16 : i32
        %mul3A_410 = arith.muli %while3A_101, %mul3A_409 : i32
        %add3A_411 = arith.constant 10 : i32
        %add3A_412 = arith.addi %mul3A_410, %add3A_411 : i32
        %broadcast_in_dim3A_413 = vector.broadcast %add3A_412 : i32 to vector<16xi32>
        %gather3A_414 = tpu.vector_load_idx %arg10[%broadcast_in_dim3A_413] : memref<864xi32, #tpu.memory_space<vmem>>[vector<16xi32>], vector<16xi32>,
        %add3A_415 = arith.addi %mul3A_43, %add3A_412 : i32
        %get3A_416 = arith.index_cast %add3A_415 : i32 to index
        %get3A_417 = arith.constant 0 : index
        %get3A_418 = tpu.vector_load %arg11[%get3A_416, %get3A_417] {strides = array<i32>} : memref<864x64xf32, #tpu.memory_space<vmem>>, vector<16xf32>,
        %add3A_419 = arith.constant 0 : i32
        %add3A_420 = vector.broadcast %add3A_419 : i32 to vector<16xi32>
        %add3A_421 = arith.addi %add3A_420, %iota3A : vector<16xi32>
        tpu.vector_store_idx %arg12[%gather3A_414, %add3A_421], %get3A_418 : memref<832x64xf32, #tpu.memory_space<vmem>>[vector<16xi32>, vector<16xi32>], vector<16xf32>,
        %get3A_422 = arith.index_cast %add3A_415 : i32 to index
        %get3A_423 = arith.constant 16 : index
        %get3A_424 = tpu.vector_load %arg11[%get3A_422, %get3A_423] {strides = array<i32>} : memref<864x64xf32, #tpu.memory_space<vmem>>, vector<16xf32>,
        %add3A_425 = arith.constant 16 : i32
        %add3A_426 = vector.broadcast %add3A_425 : i32 to vector<16xi32>
        %add3A_427 = arith.addi %add3A_426, %iota3A : vector<16xi32>
        tpu.vector_store_idx %arg12[%gather3A_414, %add3A_427], %get3A_424 : memref<832x64xf32, #tpu.memory_space<vmem>>[vector<16xi32>, vector<16xi32>], vector<16xf32>,
        %get3A_428 = arith.index_cast %add3A_415 : i32 to index
        %get3A_429 = arith.constant 32 : index
        %get3A_430 = tpu.vector_load %arg11[%get3A_428, %get3A_429] {strides = array<i32>} : memref<864x64xf32, #tpu.memory_space<vmem>>, vector<16xf32>,
        %add3A_431 = arith.constant 32 : i32
        %add3A_432 = vector.broadcast %add3A_431 : i32 to vector<16xi32>
        %add3A_433 = arith.addi %add3A_432, %iota3A : vector<16xi32>
        tpu.vector_store_idx %arg12[%gather3A_414, %add3A_433], %get3A_430 : memref<832x64xf32, #tpu.memory_space<vmem>>[vector<16xi32>, vector<16xi32>], vector<16xf32>,
        %get3A_434 = arith.index_cast %add3A_415 : i32 to index
        %get3A_435 = arith.constant 48 : index
        %get3A_436 = tpu.vector_load %arg11[%get3A_434, %get3A_435] {strides = array<i32>} : memref<864x64xf32, #tpu.memory_space<vmem>>, vector<16xf32>,
        %add3A_437 = arith.constant 48 : i32
        %add3A_438 = vector.broadcast %add3A_437 : i32 to vector<16xi32>
        %add3A_439 = arith.addi %add3A_438, %iota3A : vector<16xi32>
        tpu.vector_store_idx %arg12[%gather3A_414, %add3A_439], %get3A_436 : memref<832x64xf32, #tpu.memory_space<vmem>>[vector<16xi32>, vector<16xi32>], vector<16xf32>,
        %mul3A_440 = arith.constant 16 : i32
        %mul3A_441 = arith.muli %while3A_101, %mul3A_440 : i32
        %add3A_442 = arith.constant 11 : i32
        %add3A_443 = arith.addi %mul3A_441, %add3A_442 : i32
        %broadcast_in_dim3A_444 = vector.broadcast %add3A_443 : i32 to vector<16xi32>
        %gather3A_445 = tpu.vector_load_idx %arg10[%broadcast_in_dim3A_444] : memref<864xi32, #tpu.memory_space<vmem>>[vector<16xi32>], vector<16xi32>,
        %add3A_446 = arith.addi %mul3A_43, %add3A_443 : i32
        %get3A_447 = arith.index_cast %add3A_446 : i32 to index
        %get3A_448 = arith.constant 0 : index
        %get3A_449 = tpu.vector_load %arg11[%get3A_447, %get3A_448] {strides = array<i32>} : memref<864x64xf32, #tpu.memory_space<vmem>>, vector<16xf32>,
        %add3A_450 = arith.constant 0 : i32
        %add3A_451 = vector.broadcast %add3A_450 : i32 to vector<16xi32>
        %add3A_452 = arith.addi %add3A_451, %iota3A : vector<16xi32>
        tpu.vector_store_idx %arg12[%gather3A_445, %add3A_452], %get3A_449 : memref<832x64xf32, #tpu.memory_space<vmem>>[vector<16xi32>, vector<16xi32>], vector<16xf32>,
        %get3A_453 = arith.index_cast %add3A_446 : i32 to index
        %get3A_454 = arith.constant 16 : index
        %get3A_455 = tpu.vector_load %arg11[%get3A_453, %get3A_454] {strides = array<i32>} : memref<864x64xf32, #tpu.memory_space<vmem>>, vector<16xf32>,
        %add3A_456 = arith.constant 16 : i32
        %add3A_457 = vector.broadcast %add3A_456 : i32 to vector<16xi32>
        %add3A_458 = arith.addi %add3A_457, %iota3A : vector<16xi32>
        tpu.vector_store_idx %arg12[%gather3A_445, %add3A_458], %get3A_455 : memref<832x64xf32, #tpu.memory_space<vmem>>[vector<16xi32>, vector<16xi32>], vector<16xf32>,
        %get3A_459 = arith.index_cast %add3A_446 : i32 to index
        %get3A_460 = arith.constant 32 : index
        %get3A_461 = tpu.vector_load %arg11[%get3A_459, %get3A_460] {strides = array<i32>} : memref<864x64xf32, #tpu.memory_space<vmem>>, vector<16xf32>,
        %add3A_462 = arith.constant 32 : i32
        %add3A_463 = vector.broadcast %add3A_462 : i32 to vector<16xi32>
        %add3A_464 = arith.addi %add3A_463, %iota3A : vector<16xi32>
        tpu.vector_store_idx %arg12[%gather3A_445, %add3A_464], %get3A_461 : memref<832x64xf32, #tpu.memory_space<vmem>>[vector<16xi32>, vector<16xi32>], vector<16xf32>,
        %get3A_465 = arith.index_cast %add3A_446 : i32 to index
        %get3A_466 = arith.constant 48 : index
        %get3A_467 = tpu.vector_load %arg11[%get3A_465, %get3A_466] {strides = array<i32>} : memref<864x64xf32, #tpu.memory_space<vmem>>, vector<16xf32>,
        %add3A_468 = arith.constant 48 : i32
        %add3A_469 = vector.broadcast %add3A_468 : i32 to vector<16xi32>
        %add3A_470 = arith.addi %add3A_469, %iota3A : vector<16xi32>
        tpu.vector_store_idx %arg12[%gather3A_445, %add3A_470], %get3A_467 : memref<832x64xf32, #tpu.memory_space<vmem>>[vector<16xi32>, vector<16xi32>], vector<16xf32>,
        %mul3A_471 = arith.constant 16 : i32
        %mul3A_472 = arith.muli %while3A_101, %mul3A_471 : i32
        %add3A_473 = arith.constant 12 : i32
        %add3A_474 = arith.addi %mul3A_472, %add3A_473 : i32
        %broadcast_in_dim3A_475 = vector.broadcast %add3A_474 : i32 to vector<16xi32>
        %gather3A_476 = tpu.vector_load_idx %arg10[%broadcast_in_dim3A_475] : memref<864xi32, #tpu.memory_space<vmem>>[vector<16xi32>], vector<16xi32>,
        %add3A_477 = arith.addi %mul3A_43, %add3A_474 : i32
        %get3A_478 = arith.index_cast %add3A_477 : i32 to index
        %get3A_479 = arith.constant 0 : index
        %get3A_480 = tpu.vector_load %arg11[%get3A_478, %get3A_479] {strides = array<i32>} : memref<864x64xf32, #tpu.memory_space<vmem>>, vector<16xf32>,
        %add3A_481 = arith.constant 0 : i32
        %add3A_482 = vector.broadcast %add3A_481 : i32 to vector<16xi32>
        %add3A_483 = arith.addi %add3A_482, %iota3A : vector<16xi32>
        tpu.vector_store_idx %arg12[%gather3A_476, %add3A_483], %get3A_480 : memref<832x64xf32, #tpu.memory_space<vmem>>[vector<16xi32>, vector<16xi32>], vector<16xf32>,
        %get3A_484 = arith.index_cast %add3A_477 : i32 to index
        %get3A_485 = arith.constant 16 : index
        %get3A_486 = tpu.vector_load %arg11[%get3A_484, %get3A_485] {strides = array<i32>} : memref<864x64xf32, #tpu.memory_space<vmem>>, vector<16xf32>,
        %add3A_487 = arith.constant 16 : i32
        %add3A_488 = vector.broadcast %add3A_487 : i32 to vector<16xi32>
        %add3A_489 = arith.addi %add3A_488, %iota3A : vector<16xi32>
        tpu.vector_store_idx %arg12[%gather3A_476, %add3A_489], %get3A_486 : memref<832x64xf32, #tpu.memory_space<vmem>>[vector<16xi32>, vector<16xi32>], vector<16xf32>,
        %get3A_490 = arith.index_cast %add3A_477 : i32 to index
        %get3A_491 = arith.constant 32 : index
        %get3A_492 = tpu.vector_load %arg11[%get3A_490, %get3A_491] {strides = array<i32>} : memref<864x64xf32, #tpu.memory_space<vmem>>, vector<16xf32>,
        %add3A_493 = arith.constant 32 : i32
        %add3A_494 = vector.broadcast %add3A_493 : i32 to vector<16xi32>
        %add3A_495 = arith.addi %add3A_494, %iota3A : vector<16xi32>
        tpu.vector_store_idx %arg12[%gather3A_476, %add3A_495], %get3A_492 : memref<832x64xf32, #tpu.memory_space<vmem>>[vector<16xi32>, vector<16xi32>], vector<16xf32>,
        %get3A_496 = arith.index_cast %add3A_477 : i32 to index
        %get3A_497 = arith.constant 48 : index
        %get3A_498 = tpu.vector_load %arg11[%get3A_496, %get3A_497] {strides = array<i32>} : memref<864x64xf32, #tpu.memory_space<vmem>>, vector<16xf32>,
        %add3A_499 = arith.constant 48 : i32
        %add3A_500 = vector.broadcast %add3A_499 : i32 to vector<16xi32>
        %add3A_501 = arith.addi %add3A_500, %iota3A : vector<16xi32>
        tpu.vector_store_idx %arg12[%gather3A_476, %add3A_501], %get3A_498 : memref<832x64xf32, #tpu.memory_space<vmem>>[vector<16xi32>, vector<16xi32>], vector<16xf32>,
        %mul3A_502 = arith.constant 16 : i32
        %mul3A_503 = arith.muli %while3A_101, %mul3A_502 : i32
        %add3A_504 = arith.constant 13 : i32
        %add3A_505 = arith.addi %mul3A_503, %add3A_504 : i32
        %broadcast_in_dim3A_506 = vector.broadcast %add3A_505 : i32 to vector<16xi32>
        %gather3A_507 = tpu.vector_load_idx %arg10[%broadcast_in_dim3A_506] : memref<864xi32, #tpu.memory_space<vmem>>[vector<16xi32>], vector<16xi32>,
        %add3A_508 = arith.addi %mul3A_43, %add3A_505 : i32
        %get3A_509 = arith.index_cast %add3A_508 : i32 to index
        %get3A_510 = arith.constant 0 : index
        %get3A_511 = tpu.vector_load %arg11[%get3A_509, %get3A_510] {strides = array<i32>} : memref<864x64xf32, #tpu.memory_space<vmem>>, vector<16xf32>,
        %add3A_512 = arith.constant 0 : i32
        %add3A_513 = vector.broadcast %add3A_512 : i32 to vector<16xi32>
        %add3A_514 = arith.addi %add3A_513, %iota3A : vector<16xi32>
        tpu.vector_store_idx %arg12[%gather3A_507, %add3A_514], %get3A_511 : memref<832x64xf32, #tpu.memory_space<vmem>>[vector<16xi32>, vector<16xi32>], vector<16xf32>,
        %get3A_515 = arith.index_cast %add3A_508 : i32 to index
        %get3A_516 = arith.constant 16 : index
        %get3A_517 = tpu.vector_load %arg11[%get3A_515, %get3A_516] {strides = array<i32>} : memref<864x64xf32, #tpu.memory_space<vmem>>, vector<16xf32>,
        %add3A_518 = arith.constant 16 : i32
        %add3A_519 = vector.broadcast %add3A_518 : i32 to vector<16xi32>
        %add3A_520 = arith.addi %add3A_519, %iota3A : vector<16xi32>
        tpu.vector_store_idx %arg12[%gather3A_507, %add3A_520], %get3A_517 : memref<832x64xf32, #tpu.memory_space<vmem>>[vector<16xi32>, vector<16xi32>], vector<16xf32>,
        %get3A_521 = arith.index_cast %add3A_508 : i32 to index
        %get3A_522 = arith.constant 32 : index
        %get3A_523 = tpu.vector_load %arg11[%get3A_521, %get3A_522] {strides = array<i32>} : memref<864x64xf32, #tpu.memory_space<vmem>>, vector<16xf32>,
        %add3A_524 = arith.constant 32 : i32
        %add3A_525 = vector.broadcast %add3A_524 : i32 to vector<16xi32>
        %add3A_526 = arith.addi %add3A_525, %iota3A : vector<16xi32>
        tpu.vector_store_idx %arg12[%gather3A_507, %add3A_526], %get3A_523 : memref<832x64xf32, #tpu.memory_space<vmem>>[vector<16xi32>, vector<16xi32>], vector<16xf32>,
        %get3A_527 = arith.index_cast %add3A_508 : i32 to index
        %get3A_528 = arith.constant 48 : index
        %get3A_529 = tpu.vector_load %arg11[%get3A_527, %get3A_528] {strides = array<i32>} : memref<864x64xf32, #tpu.memory_space<vmem>>, vector<16xf32>,
        %add3A_530 = arith.constant 48 : i32
        %add3A_531 = vector.broadcast %add3A_530 : i32 to vector<16xi32>
        %add3A_532 = arith.addi %add3A_531, %iota3A : vector<16xi32>
        tpu.vector_store_idx %arg12[%gather3A_507, %add3A_532], %get3A_529 : memref<832x64xf32, #tpu.memory_space<vmem>>[vector<16xi32>, vector<16xi32>], vector<16xf32>,
        %mul3A_533 = arith.constant 16 : i32
        %mul3A_534 = arith.muli %while3A_101, %mul3A_533 : i32
        %add3A_535 = arith.constant 14 : i32
        %add3A_536 = arith.addi %mul3A_534, %add3A_535 : i32
        %broadcast_in_dim3A_537 = vector.broadcast %add3A_536 : i32 to vector<16xi32>
        %gather3A_538 = tpu.vector_load_idx %arg10[%broadcast_in_dim3A_537] : memref<864xi32, #tpu.memory_space<vmem>>[vector<16xi32>], vector<16xi32>,
        %add3A_539 = arith.addi %mul3A_43, %add3A_536 : i32
        %get3A_540 = arith.index_cast %add3A_539 : i32 to index
        %get3A_541 = arith.constant 0 : index
        %get3A_542 = tpu.vector_load %arg11[%get3A_540, %get3A_541] {strides = array<i32>} : memref<864x64xf32, #tpu.memory_space<vmem>>, vector<16xf32>,
        %add3A_543 = arith.constant 0 : i32
        %add3A_544 = vector.broadcast %add3A_543 : i32 to vector<16xi32>
        %add3A_545 = arith.addi %add3A_544, %iota3A : vector<16xi32>
        tpu.vector_store_idx %arg12[%gather3A_538, %add3A_545], %get3A_542 : memref<832x64xf32, #tpu.memory_space<vmem>>[vector<16xi32>, vector<16xi32>], vector<16xf32>,
        %get3A_546 = arith.index_cast %add3A_539 : i32 to index
        %get3A_547 = arith.constant 16 : index
        %get3A_548 = tpu.vector_load %arg11[%get3A_546, %get3A_547] {strides = array<i32>} : memref<864x64xf32, #tpu.memory_space<vmem>>, vector<16xf32>,
        %add3A_549 = arith.constant 16 : i32
        %add3A_550 = vector.broadcast %add3A_549 : i32 to vector<16xi32>
        %add3A_551 = arith.addi %add3A_550, %iota3A : vector<16xi32>
        tpu.vector_store_idx %arg12[%gather3A_538, %add3A_551], %get3A_548 : memref<832x64xf32, #tpu.memory_space<vmem>>[vector<16xi32>, vector<16xi32>], vector<16xf32>,
        %get3A_552 = arith.index_cast %add3A_539 : i32 to index
        %get3A_553 = arith.constant 32 : index
        %get3A_554 = tpu.vector_load %arg11[%get3A_552, %get3A_553] {strides = array<i32>} : memref<864x64xf32, #tpu.memory_space<vmem>>, vector<16xf32>,
        %add3A_555 = arith.constant 32 : i32
        %add3A_556 = vector.broadcast %add3A_555 : i32 to vector<16xi32>
        %add3A_557 = arith.addi %add3A_556, %iota3A : vector<16xi32>
        tpu.vector_store_idx %arg12[%gather3A_538, %add3A_557], %get3A_554 : memref<832x64xf32, #tpu.memory_space<vmem>>[vector<16xi32>, vector<16xi32>], vector<16xf32>,
        %get3A_558 = arith.index_cast %add3A_539 : i32 to index
        %get3A_559 = arith.constant 48 : index
        %get3A_560 = tpu.vector_load %arg11[%get3A_558, %get3A_559] {strides = array<i32>} : memref<864x64xf32, #tpu.memory_space<vmem>>, vector<16xf32>,
        %add3A_561 = arith.constant 48 : i32
        %add3A_562 = vector.broadcast %add3A_561 : i32 to vector<16xi32>
        %add3A_563 = arith.addi %add3A_562, %iota3A : vector<16xi32>
        tpu.vector_store_idx %arg12[%gather3A_538, %add3A_563], %get3A_560 : memref<832x64xf32, #tpu.memory_space<vmem>>[vector<16xi32>, vector<16xi32>], vector<16xf32>,
        %mul3A_564 = arith.constant 16 : i32
        %mul3A_565 = arith.muli %while3A_101, %mul3A_564 : i32
        %add3A_566 = arith.constant 15 : i32
        %add3A_567 = arith.addi %mul3A_565, %add3A_566 : i32
        %broadcast_in_dim3A_568 = vector.broadcast %add3A_567 : i32 to vector<16xi32>
        %gather3A_569 = tpu.vector_load_idx %arg10[%broadcast_in_dim3A_568] : memref<864xi32, #tpu.memory_space<vmem>>[vector<16xi32>], vector<16xi32>,
        %add3A_570 = arith.addi %mul3A_43, %add3A_567 : i32
        %get3A_571 = arith.index_cast %add3A_570 : i32 to index
        %get3A_572 = arith.constant 0 : index
        %get3A_573 = tpu.vector_load %arg11[%get3A_571, %get3A_572] {strides = array<i32>} : memref<864x64xf32, #tpu.memory_space<vmem>>, vector<16xf32>,
        %add3A_574 = arith.constant 0 : i32
        %add3A_575 = vector.broadcast %add3A_574 : i32 to vector<16xi32>
        %add3A_576 = arith.addi %add3A_575, %iota3A : vector<16xi32>
        tpu.vector_store_idx %arg12[%gather3A_569, %add3A_576], %get3A_573 : memref<832x64xf32, #tpu.memory_space<vmem>>[vector<16xi32>, vector<16xi32>], vector<16xf32>,
        %get3A_577 = arith.index_cast %add3A_570 : i32 to index
        %get3A_578 = arith.constant 16 : index
        %get3A_579 = tpu.vector_load %arg11[%get3A_577, %get3A_578] {strides = array<i32>} : memref<864x64xf32, #tpu.memory_space<vmem>>, vector<16xf32>,
        %add3A_580 = arith.constant 16 : i32
        %add3A_581 = vector.broadcast %add3A_580 : i32 to vector<16xi32>
        %add3A_582 = arith.addi %add3A_581, %iota3A : vector<16xi32>
        tpu.vector_store_idx %arg12[%gather3A_569, %add3A_582], %get3A_579 : memref<832x64xf32, #tpu.memory_space<vmem>>[vector<16xi32>, vector<16xi32>], vector<16xf32>,
        %get3A_583 = arith.index_cast %add3A_570 : i32 to index
        %get3A_584 = arith.constant 32 : index
        %get3A_585 = tpu.vector_load %arg11[%get3A_583, %get3A_584] {strides = array<i32>} : memref<864x64xf32, #tpu.memory_space<vmem>>, vector<16xf32>,
        %add3A_586 = arith.constant 32 : i32
        %add3A_587 = vector.broadcast %add3A_586 : i32 to vector<16xi32>
        %add3A_588 = arith.addi %add3A_587, %iota3A : vector<16xi32>
        tpu.vector_store_idx %arg12[%gather3A_569, %add3A_588], %get3A_585 : memref<832x64xf32, #tpu.memory_space<vmem>>[vector<16xi32>, vector<16xi32>], vector<16xf32>,
        %get3A_589 = arith.index_cast %add3A_570 : i32 to index
        %get3A_590 = arith.constant 48 : index
        %get3A_591 = tpu.vector_load %arg11[%get3A_589, %get3A_590] {strides = array<i32>} : memref<864x64xf32, #tpu.memory_space<vmem>>, vector<16xf32>,
        %add3A_592 = arith.constant 48 : i32
        %add3A_593 = vector.broadcast %add3A_592 : i32 to vector<16xi32>
        %add3A_594 = arith.addi %add3A_593, %iota3A : vector<16xi32>
        tpu.vector_store_idx %arg12[%gather3A_569, %add3A_594], %get3A_591 : memref<832x64xf32, #tpu.memory_space<vmem>>[vector<16xi32>, vector<16xi32>], vector<16xf32>,
      }
      %dma_start3A = arith.constant 0 : i32
      %dma_start3A_98 = tpu.memref_slice %arg5[%add3A_16, %dma_start3A] : memref<425984x64xf32, #tpu.memory_space<hbm>> -> memref<832x64xf32, #tpu.memory_space<hbm>>
      %dma_start3A_99 = arith.constant 0 : i32
      %dma_start3A_100 = tpu.memref_slice %arg5[%add3A_16, %dma_start3A_99] : memref<425984x64xf32, #tpu.memory_space<hbm>> -> memref<832x64xf32, #tpu.memory_space<hbm>>
      tpu.enqueue_dma source(%arg12 : memref<832x64xf32, #tpu.memory_space<vmem>>) target(%dma_start3A_100 : memref<832x64xf32, #tpu.memory_space<hbm>>) target_semaphore(%arg14 : memref<!tpu.dma_semaphore, #tpu.memory_space<semaphore_mem>>)
    }
    %scan3A_7 = arith.constant 16 : i32
    %add3A_8 = arith.constant 12480 : i32
    %add3A_9 = arith.addi %mul3A_2, %add3A_8 : i32
    %dma_wait3A = arith.constant 0 : i32
    %dma_wait3A_10 = tpu.memref_slice %arg5[%add3A_9, %dma_wait3A] : memref<425984x64xf32, #tpu.memory_space<hbm>> -> memref<832x64xf32, #tpu.memory_space<hbm>>
    %dma_wait3A_11 = arith.constant 0 : i32
    %dma_wait3A_12 = tpu.memref_slice %arg5[%add3A_9, %dma_wait3A_11] : memref<425984x64xf32, #tpu.memory_space<hbm>> -> memref<832x64xf32, #tpu.memory_space<hbm>>
    tpu.wait_dma2 semaphore(%arg14 : memref<!tpu.dma_semaphore, #tpu.memory_space<semaphore_mem>>) src(%arg12 : memref<832x64xf32, #tpu.memory_space<vmem>>) dst(%dma_wait3A_12 : memref<832x64xf32, #tpu.memory_space<hbm>>)
    return
  }
}

</mosaic_0001>

<sc_bundles>
// kernel: _emb_call.3.cloned.1.call-start
scs
__scs_entry_jumppad:
0x0: {  	(pc) =	sbr.rel $0x88, $3  }
0x1: {  	(tag) =	ssettag $0x0;
	lr =	simm.s32 $0x1  }
0x2: {  	[smem:$0x3F9E] =	sst lr;
	_ =	strace $0xD0000000  }
0x3: {  	_ = 	snop  }
0x4: {  	_ = 	snop  }
0x5: {  	_ = 	snop  }
0x6: {  	_ = 	snop  }
0x7: {  	_ = 	snop  }
__scs_overlays_trampoline_lowered:
0x8: {  	[smem:$0x3FAD] =	sst s0  }
0x9: {  	[smem:$0x3FAE] =	sst s1  }
0xa: {  	[smem:$0x3FAF] =	sst s2  }
0xb: {  	[smem:$0x3FB0] =	sst s3  }
0xc: {  	[smem:$0x3FB1] =	sst s4  }
0xd: {  	[smem:$0x3FB2] =	sst s5  }
0xe: {  	[smem:$0x3FB3] =	sst s6  }
0xf: {  	[smem:$0x3FB4] =	sst s7  }
0x10: {  	[smem:$0x3FB5] =	sst s8  }
0x11: {  	[smem:$0x3FB6] =	sst s9;
	s0 =	simm.s32 @!p0 $0x0  }
0x12: {  	s1 =	sld [smem:$0x3F9C];
	s0 =	simm.s32 @p0 $0x1  }
0x13: {  	[smem:$0x3FB7] =	sst s0;
	s0 =	simm.s32 @!p1 $0x0  }
0x14: {  	s2 =	sld [smem:$0x3F9B];
	s0 =	simm.s32 @p1 $0x1  }
0x15: {  	[smem:$0x3FB8] =	sst s0;
	s0 =	simm.s32 @!p2 $0x0  }
0x16: {  	s3 =	sld [smem:$0x3FDB];
	s0 =	simm.s32 @p2 $0x1  }
0x17: {  	s4 =	simm.s32 $0x1BF5;
	[smem:$0x3FBA] =	sst s0  }
0x18: {  	s0 =	sld [smem:$0x3F9D];
	_ =	swait.ge [sflag:s4], $0x0  }
0x19: {  	s7 =	sld [smem:$0x3F9E]  }
0x1a: {  	s8 =	sadd.s32 $0xFFFFE003, lr  }
0x1b: {  	s9 =	sadd.s32 $0xFFFFFEF7, lr;
	s5 =	simm.s32 $0xFFFFFFFF;
	p2 =	slt.u32 s8, $0xFFFFF086  }
0x1c: {  	p1 =	slt.u32 s9, $0xF7A;
	s5 =	simm.s32 @!p2 $0x0  }
0x1d: {  	s5 =	simm.s32 @p1 $0x1;
	p0 =	seq.s32 s7, s2  }
0x1e: {  	s7 =	smul.u32 @!p0 $0xF7A, s2;
	p2 =	seq.s32 @!p0 s5, $0x0  }
0x1f: {  	s9 =	smul.u32 $0xF7A, s1;
	s8 =	simm.s32 @!p0 $0x1BF5;
	p2 =	por !p2, p0  }
0x20: {  	[sflag:s8] =	ssyncset.s32 @!p0 $0xFFFFF086;
	s6 =	sadd.s32 @!p0 s3, s7;
	s7 =	simm.s32 @!p0 $0x108  }
0x21: {  	s3 =	sadd.s32 s3, s9;
	s6 =	sadd.s32 @!p0 $0x88, s6;
	s7 =	simm.s32 @p2 $0x1082  }
0x22: {  	[simem:s7], [sflag:s8] =	dma.local @!p0 [hbm:s6], $0xF7A  }
0x23: {  	s9 =	sor.u32 $0xD0000000, s2;
	s6 =	simm.s32 $0x108;
	_ =	swait.ge @!p0 [sflag:s8], $0x0  }
0x24: {  	s3 =	sadd.s32 $0x88, s3;
	s6 =	simm.s32 @!p1 $0x1082;
	[sflag:s4] =	ssyncset.s32 $0xFFFFF086  }
0x25: {  	[simem:s6], [sflag:s4] =	dma.local [hbm:s3], $0xF7A  }
0x26: {  	[smem:$0x3F9E] =	sst s1;
	(tag) =	ssettag s2;
	_ =	strace s9  }
0x27: {  	s1 =	sld [smem:$0x3FAE]  }
0x28: {  	s2 =	sld [smem:$0x3FAF]  }
0x29: {  	s4 =	sld [smem:$0x3FB1]  }
0x2a: {  	p0 =	seq.s32 s5, $0x0;
	s5 =	sld [smem:$0x3FB2]  }
0x2b: {  	s6 =	sld [smem:$0x3FB3]  }
0x2c: {  	s7 =	sld [smem:$0x3FB4]  }
0x2d: {  	s3 =	simm.s32 $0x108;
	s8 =	sld [smem:$0x3FB5]  }
0x2e: {  	s3 =	simm.s32 @!p0 $0x1082;
	s9 =	sld [smem:$0x3FB6]  }
0x2f: {  	lr =	sadd.s32 s0, s3;
	s0 =	sld [smem:$0x3FAD]  }
0x30: {  	s3 =	sld [smem:$0x3FB0]  }
0x31: {  	[smem:$0x3FB9] =	sst s10  }
0x32: {  	s10 =	sld [smem:$0x3FB7];
	_ =	sdelay $0x3  }
0x33: {  	p0 =	seq.s32 s10, $0x1;
	s10 =	sld [smem:$0x3FB9];
	_ =	sdelay $0x3  }
0x34: {  	[smem:$0x3FB9] =	sst s10  }
0x35: {  	s10 =	sld [smem:$0x3FB8];
	_ =	sdelay $0x3  }
0x36: {  	p1 =	seq.s32 s10, $0x1;
	s10 =	sld [smem:$0x3FB9];
	_ =	sdelay $0x3  }
0x37: {  	[smem:$0x3FB9] =	sst s10  }
0x38: {  	s10 =	sld [smem:$0x3FBA]  }
0x39: {  	_ = 	snop;
	(pc) =	sbr.ind lr, $3  }
0x3a: {  	_ = 	snop  }
0x3b: {  	_ = 	snop  }
0x3c: {  	p2 =	seq.s32 s10, $0x1;
	s10 =	sld [smem:$0x3FB9]  }
0x3d: {  	_ =	shalt  }
0x3e: {  	_ =	shalt  }
0x3f: {  	_ =	shalt  }
0x40: {  	_ =	shalt  }
0x41: {  	_ =	shalt  }
0x42: {  	_ =	shalt  }
0x43: {  	_ =	shalt  }
0x44: {  	_ =	shalt  }
0x45: {  	_ =	shalt  }
0x46: {  	_ =	shalt  }
0x47: {  	_ =	shalt  }
0x48: {  	_ =	shalt  }
0x49: {  	_ =	shalt  }
0x4a: {  	_ =	shalt  }
0x4b: {  	_ =	shalt  }
0x4c: {  	_ =	shalt  }
0x4d: {  	_ =	shalt  }
0x4e: {  	_ =	shalt  }
0x4f: {  	_ =	shalt  }
0x50: {  	_ =	shalt  }
0x51: {  	_ =	shalt  }
0x52: {  	_ =	shalt  }
0x53: {  	_ =	shalt  }
0x54: {  	_ =	shalt  }
0x55: {  	_ =	shalt  }
0x56: {  	_ =	shalt  }
0x57: {  	_ =	shalt  }
0x58: {  	_ =	shalt  }
0x59: {  	_ =	shalt  }
0x5a: {  	_ =	shalt  }
0x5b: {  	_ =	shalt  }
0x5c: {  	_ =	shalt  }
0x5d: {  	_ =	shalt  }
0x5e: {  	_ =	shalt  }
0x5f: {  	_ =	shalt  }
0x60: {  	_ =	shalt  }
0x61: {  	_ =	shalt  }
0x62: {  	_ =	shalt  }
0x63: {  	_ =	shalt  }
0x64: {  	_ =	shalt  }
0x65: {  	_ =	shalt  }
0x66: {  	_ =	shalt  }
0x67: {  	_ =	shalt  }
0x68: {  	_ =	shalt  }
0x69: {  	_ =	shalt  }
0x6a: {  	_ =	shalt  }
0x6b: {  	_ =	shalt  }
0x6c: {  	_ =	shalt  }
0x6d: {  	_ =	shalt  }
0x6e: {  	_ =	shalt  }
0x6f: {  	_ =	shalt  }
0x70: {  	_ =	shalt  }
0x71: {  	_ =	shalt  }
0x72: {  	_ =	shalt  }
0x73: {  	_ =	shalt  }
0x74: {  	_ =	shalt  }
0x75: {  	_ =	shalt  }
0x76: {  	_ =	shalt  }
0x77: {  	_ =	shalt  }
0x78: {  	_ =	shalt  }
0x79: {  	_ =	shalt  }
0x7a: {  	_ =	shalt  }
0x7b: {  	_ =	shalt  }
0x7c: {  	_ =	shalt  }
0x7d: {  	_ =	shalt  }
0x7e: {  	_ =	shalt  }
0x7f: {  	_ =	shalt  }
0x80: {  	_ =	shalt  }
0x81: {  	_ =	shalt  }
0x82: {  	_ =	shalt  }
0x83: {  	_ =	shalt  }
0x84: {  	_ =	shalt  }
0x85: {  	_ =	shalt  }
0x86: {  	_ =	shalt  }
0x87: {  	_ =	shalt  }
.Lfunc_end0:
.L_simem_size_0:
called_computation.1_lowered:
.L_overlay_start_0:
0x88: {  	s2 =	sld [smem:$0x3FD9]  }
0x89: {  	s3 =	sld [smem:$0x3FFE];
	_ =	sdelay $0x1  }
0x8a: {  	s1 =	srdreg.scid  }
0x8b: {  	s0 =	sand.u32 $0x1, s1  }
0x8c: {  	s17 =	sshll.u32 s0, $0xA;
	s2 =	sadd.s32 s3, s2  }
0x8d: {  	s2 =	sadd.s32 s2, s17  }
0x8e: {  	[smem:$0x3FC5] =	sst s2  }
0x8f: {  	_ = 	snop  }
0x90: {  	s2 =	sld [smem:$0x3FC9]  }
0x91: {  	s18 =	sld [smem:$0x3FD0];
	(tm) =	ssettm $0x1  }
0x92: {  	s4 =	sld [smem:$0x3FFB];
	_ =	sdelay $0x3  }
0x93: {  	_ =	strace s4  }
0x94: {  	s4 =	sld [smem:$0x3FFC];
	_ =	sdelay $0x3  }
0x95: {  	_ =	strace s4  }
0x96: {  	s4 =	sld [smem:$0x3FFD];
	_ =	sdelay $0x3  }
0x97: {  	_ =	strace s4  }
0x98: {  	_ =	strace $0x8FFFFFFF  }
0x99: {  	s19 =	sld [smem:$0x3FDB];
	_ =	sdelay $0x1  }
0x9a: {  	s5 =	simm.s32 $_scs_section_size  }
0x9b: {  	s6 =	simm.s32 $_size__tile_overlayer_lowered;
	s7 =	simm.s32 $_tile_overlayer_lowered  }
0x9c: {  	s22 =	simm.s32 $0x1BFF;
	s21 =	sshll.u32 s7, $0x1;
	s4 =	sadd.s32 s5, s19  }
0x9d: {  	s8 =	simm.s32 $0x0;
	s20 =	sshll.u32 s6, $0x1;
	s6 =	sadd.s32 s21, s4  }
0x9e: {  	[timem:s8], [sflag:s22] =	dma.local [hbm:s6], s20  }
0x9f: {  	_ =	swait.ge [sflag:s22], s20  }
0xa0: {  	s5 =	ssub.s32 $0x0, s20;
	[sflag:s22] =	ssyncset.done $0x0  }
0xa1: {  	[sflag:s22] =	ssyncadd.s32 s5;
	_ =	sdelay $0x1  }
0xa2: {  	s23 =	simm.s32 $0x1B8B  }
0xa3: {  	_ =	swait.ge [sflag:s23], $0x1  }
0xa4: {  	[sflag:s23] =	ssyncset.done $0x0  }
0xa5: {  	s25 =	simm.s32 $0x1B8E;
	s24 =	sld [smem:$0x3FFE];
	[sflag:s23] =	ssyncadd.s32 $0xFFFFFFFF  }
0xa6: {  	s26 =	simm.s32 $execute0_lowered;
	[smem:$0x3FD2] =	sst s25  }
0xa7: {  	s6 =	sshll.u32 s26, $0x1;
	_ =	strace $0x80000046;
	[dreg:$0x1] =	wrdreg $0xFFFFFFFF  }
0xa8: {  	s28 =	simm.s32 $_size_execute0_lowered;
	s4 =	sadd.s32 s4, s6;
	[dreg:$0x0] =	wrdreg $0x0  }
0xa9: {  	s6 =	sshll.u32 s28, $0x1;
	[dreg:$0x2] =	wrdreg s4  }
0xaa: {  	[dreg:$0x3] =	wrdreg s6  }
0xab: {  	[dreg:$0x4] =	wrdreg $0xC0  }
0xac: {  	_ =	task [dreg:s8], $0x5FFFF  }
0xad: {  	[dreg:$0x1] =	wrdreg $0xFFFFFFFF  }
0xae: {  	[dreg:$0x0] =	wrdreg $0x60  }
0xaf: {  	[dreg:$0x2] =	wrdreg s2  }
0xb0: {  	[dreg:$0x3] =	wrdreg s24  }
0xb1: {  	[dreg:$0x4] =	wrdreg s18  }
0xb2: {  	[dreg:$0x5] =	wrdreg $0x9  }
0xb3: {  	_ =	task.clear_ibuf [dreg:s8], $0x6FFFF;
	_ =	strace $0x90000046  }
0xb4: {  	s29 =	simm.s32 $0x9;
	_ =	strace $0x80000048  }
0xb5: {  	_ =	swait.ge [sflag:s29], $0x1  }
0xb6: {  	[sflag:s29] =	ssyncadd.s32 $0xFFFFFFFF  }
0xb7: {  	_ =	strace $0x90000048  }
0xb8: {  	_ =	sfence  }
0xb9: {  	s30 =	sld [smem:$0x0];
	_ =	sdelay $0x2  }
0xba: {  	s31 =	sshll.u32 s1, $0xD;
	s1 =	sshrl.u32 s1, $0x2  }
0xbb: {  	s3 =	sand.u32 $0x4000, s31;
	s1 =	sadd.s32 s1, s30  }
0xbc: {  	s0 =	sor.u32 s3, s0;
	s1 =	sshll.u32 s1, $0x11  }
0xbd: {  	s0 =	sor.u32 s1, s0  }
0xbe: {  	s0 =	sadd.s32 $0x8F2B, s0  }
0xbf: {  	[sflag:s0] =	ssyncadd.remote.s32 $0x1  }
0xc0: {  	_ =	sfence.sel $0xFFFF  }
0xc1: {  	[dreg:$0x0] =	wrdreg $0xFFFFFFFF;
	(pc) =	sbr.abs _section_cstart, $3  }
0xc2: {  	[dreg:$0x1] =	wrdreg $0xFFFFFFFF  }
0xc3: {  	_ =	task.clear_ibuf [dreg:s8], $0x2FFFF;
	_ =	strace $0x9FFFFFFF  }
0xc4: {  	(tm) =	ssettm $0x7FFFFFFF  }
0xc5: {  	_ =	shalt  }
tec
execute0_lowered:
.L_overlay_start_1:
0x0: {  	(tag) =	ssettag $0x1  }
0x1: {  	s1 =	rddreg [dreg:$0x0]  }
0x2: {  	s6 =	rddreg [dreg:$0x1]  }
0x3: {  	s2 =	rddreg [dreg:$0x2]  }
0x4: {  	s0 =	rddreg [dreg:$0x3]  }
0x5: {  	s4 =	simm.s32 $0x0;
	s5 =	srdreg.scid;
	s3 =	stileid.u32  }
0x6: {  	s11 =	simm.s32 $0x1;
	s12 =	simm.s32 $0x6A0;
	s13 =	simm.s32 $0xE8C0  }
0x7: {  	s14 =	simm.s32 $0xD60;
	s15 =	simm.s32 $0x2;
	s16 =	simm.s32 $0x0  }
.Ltmp0:
0x8: {  	[smem:$0x7FF] =	sst s4;
	s7 =	sand.u32 $0x1, s5;
	(pc) =	sbr.rel .LBB2_1-.Ltmp0, $4  }
0x9: {  	s9 =	sshll.u32 s3, $0x1;
	s5 =	sadd.s32 $0x7A1A00, s6;
	s8 =	ssub.s32 $0x2, s7  }
0xa: {  	v0 =	vimm.s32 $0x0;
	vm0 =	vcmask $0x300;
	s6 =	sadd.s32 $0xB72400, s6;
	_ =	strace $0x80000047;
	s10 =	sshrl.u32 s8, $0x1  }
0xb: {  	v1 =	vlaneseq.u32;
	v2 =	vsel vm0, $0x3, v0;
	s7 =	sor.u32 s7, s9;
	s9 =	simm.s32 $0x3;
	s8 =	ssub.s32 s8, s10  }
0xc: {  	v3 =	vor.u32 $0x10, v1;
	v4 =	vor.u32 $0x20, v1;
	v5 =	vor.u32 $0x30, v1;
	s7 =	smul.u32 $0x3400, s7;
	s10 =	simm.s32 $0x10;
	s8 =	smax.u32 s8, $0x1  }
.LBB2_21:
0xd: {  	s16 =	sadd.s32 $0x1, s16  }
0xe: {  	p0 =	sne.s32 s16, s8  }
.Ltmp1:
0xf: {  	_ = 	snop;
	(pc) =	sbr.rel @!p0 .LBB2_22-.Ltmp1, $4  }
0x10: {  	_ = 	snop  }
0x11: {  	_ =	swait.ge [sflag:s15], $0xD000  }
0x12: {  	[sflag:s15] =	ssyncset.done $0x0  }
0x13: {  	[sflag:s15] =	ssyncadd.s32 $0xFFFF3000  }
.LBB2_1:
.Ltmp2:
0x14: {  	(pc) =	sbr.rel .LBB2_2-.Ltmp2, $2  }
0x15: {  	_ =	sdelay $0x2  }
0x16: {  	s17 =	simm.s32 $0x0  }
.LBB2_20:
0x17: {  	s17 =	sadd.s32 $0x1, s17  }
0x18: {  	p0 =	sne.s32 s17, $0x10  }
.Ltmp3:
0x19: {  	_ = 	snop;
	(pc) =	sbr.rel @!p0 .LBB2_21-.Ltmp3, $4  }
0x1a: {  	_ = 	snop  }
0x1b: {  	s18 =	sshll.u32 s18, $0x3  }
0x1c: {  	s18 =	sadd.s32 s2, s18  }
0x1d: {  	[hbm4b:s18+s4] =	stream.linear.scatter [tilespmem:s13], [sflag:$0x2], $0xD000, $0x38;
	[tilespmem:$0x1B8C0] =	vst v63  }
.LBB2_2:
0x1e: {  	s18 =	smul.u32 $0x340, s17;
	_ =	sdelay $0x1  }
0x1f: {  	s18 =	sadd.s32 s7, s18  }
0x20: {  	s19 =	sshrl.u32 s18, $0x3  }
0x21: {  	s20 =	simm.s32 $0x0;
	s19 =	sadd.s32 s1, s19  }
0x22: {  	[tilespmem:s20], [sflag:$0x3] =	stream.linear.gather [hbm4b:s19+s20], $0x340, $0x38;
	[tilespmem:$0x1B8C0] =	vst v63  }
0x23: {  	_ =	swait.ge [sflag:s9], $0x340  }
0x24: {  	[sflag:s9] =	ssyncset.done $0x0  }
0x25: {  	[sflag:s9] =	ssyncadd.s32 $0xFFFFFCC0  }
0x26: {  	v6 =	vld [tilespmem:s20+$0x0];
	_ =	sdelay $0x4  }
0x27: {  	vm0 =	vlt.s32 v6, $0x7A120  }
0x28: {  	v7 =	vsel vm0, $0x1, v0  }
0x29: {  	(xrf0) =	vadd.scan.msk.s32 $0xffff, v7;
	_ =	sdelay $0x5  }
0x2a: {  	v7, _, _ =	vpop (xrf0)  }
0x2b: {  	(v2sf) =	vpush v7, $0xF  }
0x2c: {  	[tilespmem:s20+$0x340] =	vst.msk vm0, v6;
	v7 =	vor.u32 s20, v1  }
0x2d: {  	vm1 =	vge.s32 v6, $0x7A120;
	v6 =	vadd.s32 $0xFFF85EE0, v6;
	[tilespmem:s20+$0x6A0] =	vst.msk vm0, v7  }
0x2e: {  	[tilespmem:s20+$0xA00] =	vst.msk vm1, v6  }
0x2f: {  	s19 =	simm.s32 $0x10;
	[tilespmem:s20+$0xD60] =	vst.msk vm1, v7  }
0x30: {  	v6 =	vld [tilespmem:s19+$0x0];
	_ =	sdelay $0x4  }
0x31: {  	vm0 =	vlt.s32 v6, $0x7A120  }
0x32: {  	v7 =	vsel vm0, $0x1, v0  }
0x33: {  	(xrf0) =	vadd.scan.msk.s32 $0xffff, v7;
	_ =	sdelay $0x2  }
0x34: {  	s21 =	simm.s32 $0x20;
	s22 =	spop (v2sf)  }
0x35: {  	s20 =	sadd.s32 $0x0, s22;
	s23 =	ssub.s32 $0x0, s22;
	s22 =	simm.s32 $0x10  }
.LBB2_3:
0x36: {  	p0 =	sne.s32 s21, $0x330  }
0x37: {  	v7, _, _ =	vpop (xrf0);
	s23 =	sadd.s32 $0x10, s23;
	s24 =	smov.u32 s21;
	s21 =	sadd.s32 $0x10, s21  }
0x38: {  	v8 =	vor.u32 s19, v1;
	[tilespmem:s20+$0x340] =	vst.msk vm0, v6;
	(v2sf) =	vpush v7, $0xF;
	s19 =	smov.u32 s24  }
0x39: {  	vm1 =	vge.s32 v6, $0x7A120;
	v6 =	vadd.s32 $0xFFF85EE0, v6;
	[tilespmem:s20+$0x6A0] =	vst.msk vm0, v8  }
0x3a: {  	[tilespmem:s23+$0xA00] =	vst.msk vm1, v6  }
0x3b: {  	s22 =	sadd.s32 $0x10, s22;
	[tilespmem:s23+$0xD60] =	vst.msk vm1, v8  }
0x3c: {  	v6 =	vld [tilespmem:s22+$0x0];
	_ =	sdelay $0x4  }
0x3d: {  	vm0 =	vlt.s32 v6, $0x7A120  }
0x3e: {  	v7 =	vsel vm0, $0x1, v0  }
0x3f: {  	(xrf0) =	vadd.scan.msk.s32 $0xffff, v7  }
.Ltmp4:
0x40: {  	(pc) =	sbr.rel @p0 .LBB2_3-.Ltmp4, $3  }
0x41: {  	_ =	sdelay $0x1  }
0x42: {  	s24 =	spop (v2sf)  }
0x43: {  	s20 =	sadd.s32 s20, s24;
	s23 =	ssub.s32 s23, s24  }
0x44: {  	v7, _, _ =	vpop (xrf0)  }
0x45: {  	(v2sf) =	vpush v7, $0xF;
	_ =	sdelay $0xe  }
0x46: {  	s21 =	spop (v2sf)  }
0x47: {  	s22 =	sadd.s32 s20, s21  }
0x48: {  	s24 =	sand.u32 $0xF, s22  }
0x49: {  	p0 =	seq.s32 s24, $0x0  }
0x4a: {  	[tilespmem:s20+$0x340] =	vst.msk vm0, v6;
	v7 =	vor.u32 s19, v1;
	s19 =	sadd.s32 @!p0 $0xFFFFFFF0, s22  }
0x4b: {  	s26 =	sadd.s32 $0x10, s23;
	vm15 =	vge.s32 v6, $0x7A120;
	v6 =	vadd.s32 $0xFFF85EE0, v6;
	[tilespmem:s20+$0x6A0] =	vst.msk vm0, v7;
	p1 =	sgt.s32 @!p0 s19, $0x0  }
0x4c: {  	[tilespmem:s26+$0xA00] =	vst.msk vm15, v6;
	p1 =	por !p1, p0  }
0x4d: {  	[tilespmem:s26+$0xD60] =	vst.msk vm15, v7;
	s19 =	simm.s32 @p1 $0x0  }
0x4e: {  	v6 =	vld @!p0 [tilespmem:s19+$0x340]  }
0x4f: {  	v7 =	vld @!p0 [tilespmem:s19+$0x6A0];
	s19 =	sxor.u32 @!p0 $0xFFFFFFFF, s19  }
0x50: {  	s19 =	sadd.s32 @!p0 s19, s22  }
0x51: {  	v9 =	vlaneseq.u32 @!p0;
	v8 =	vmov @!p0 s19  }
0x52: {  	vm0 =	veq.s32 @!p0 v8, v9  }
0x53: {  	v6 =	vnsel @!p0 vm0, $0x0, v6  }
0x54: {  	(xrf0) =	vadd.scan.msk.s32 @!p0 $0xffff, v6;
	v6 =	vnsel @!p0 vm0, $0x0, v7  }
0x55: {  	(xrf0) =	vadd.scan.msk.s32 @!p0 $0xffff, v6;
	_ =	sdelay $0x1  }
0x56: {  	s28 =	ssub.s32 s26, s21  }
0x57: {  	s19 =	sadd.s32 $0x10, s28  }
0x58: {  	s29 =	sand.u32 $0xF, s19  }
0x59: {  	p2 =	seq.s32 s29, $0x0;
	v6, _, _ =	vpop @!p0 (xrf0)  }
0x5a: {  	s20 =	sadd.s32 @!p2 $0xFFFFFFF0, s19;
	v7, _, _ =	vpop @!p0 (xrf0);
	v6 =	vbroadcast @!p0 v6, $0xF  }
0x5b: {  	p1 =	sgt.s32 @!p2 s20, $0x0;
	v7 =	vbroadcast @!p0 v7, $0xF  }
0x5c: {  	p1 =	por !p1, p2;
	[tilespmem:s22+$0x340] =	vst @!p0 v6  }
0x5d: {  	s20 =	simm.s32 @p1 $0x0;
	[tilespmem:s22+$0x6A0] =	vst @!p0 v7  }
0x5e: {  	v6 =	vld @!p2 [tilespmem:s20+$0xA00]  }
0x5f: {  	s21 =	sxor.u32 @!p2 $0xFFFFFFFF, s20;
	v7 =	vld @!p2 [tilespmem:s20+$0xD60]  }
0x60: {  	s20 =	sadd.s32 @!p2 s21, s19  }
0x61: {  	v9 =	vlaneseq.u32 @!p2;
	v8 =	vmov @!p2 s20  }
0x62: {  	vm0 =	veq.s32 @!p2 v8, v9  }
0x63: {  	v6 =	vnsel @!p2 vm0, $0x0, v6  }
0x64: {  	(xrf0) =	vadd.scan.msk.s32 @!p2 $0xffff, v6;
	v6 =	vnsel @!p2 vm0, $0x0, v7  }
0x65: {  	(xrf0) =	vadd.scan.msk.s32 @!p2 $0xffff, v6;
	_ =	sdelay $0x2  }
0x66: {  	s30 =	sadd.s32 $0xF, s22  }
0x67: {  	p1 =	sgt.s32 s30, $0xF  }
.Ltmp5:
0x68: {  	v6, _, _ =	vpop @!p2 (xrf0);
	(pc) =	sbr.rel @!p1 .LBB2_7-.Ltmp5, $4  }
0x69: {  	s31 =	sshra.s32 s30, $0x1F;
	v7, _, _ =	vpop @!p2 (xrf0);
	v6 =	vbroadcast @!p2 v6, $0xF  }
0x6a: {  	s21 =	sshrl.u32 s31, $0x1C;
	v7 =	vbroadcast @!p2 v7, $0xF  }
0x6b: {  	s21 =	sadd.s32 s21, s30;
	[tilespmem:s19+$0xA00] =	vst @!p2 v6  }
0x6c: {  	s20 =	sshra.s32 s21, $0x4;
	[tilespmem:s19+$0xD60] =	vst @!p2 v7  }
0x6d: {  	p0 =	seq.s32 s20, $0x1  }
.Ltmp6:
0x6e: {  	_ = 	snop;
	(pc) =	sbr.rel @p0 .LBB2_7-.Ltmp6, $3  }
0x6f: {  	_ =	sdelay $0x1  }
0x70: {  	s21 =	simm.s32 $0x340;
	s22 =	simm.s32 $0x10C0;
	s23 =	sadd.s32 $0xFFFFFFFF, s20  }
0x71: {  	[tilespmem:s22], [sflag:$0x1] =	stream.indirect.gather [hbm4b:s5+s10], $0x40, s21, s10, $0xb8;
	[tilespmem:$0x1B8C0] =	vst v63  }
.LBB2_6:
0x72: {  	p0 =	seq.s32 s23, $0x1  }
.Ltmp7:
0x73: {  	_ = 	snop;
	(pc) =	sbr.rel @!p0 .LBB2_6-.Ltmp7, $4  }
0x74: {  	_ = 	snop  }
0x75: {  	s21 =	sadd.s32 $0x10, s21;
	s22 =	sadd.s32 $0x400, s22  }
0x76: {  	s23 =	sadd.s32 $0xFFFFFFFF, s23  }
0x77: {  	[tilespmem:s22], [sflag:$0x1] =	stream.indirect.gather [hbm4b:s5+s10], $0x40, s21, s10, $0xb8;
	[tilespmem:$0x1B8C0] =	vst v63  }
.LBB2_7:
0x78: {  	s19 =	sadd.s32 $0xF, s19  }
0x79: {  	p0 =	slt.s32 s19, $0x10  }
.Ltmp8:
0x7a: {  	_ = 	snop;
	(pc) =	sbr.rel @p0 .LBB2_10-.Ltmp8, $4  }
0x7b: {  	s21 =	sshra.s32 s19, $0x1F  }
0x7c: {  	s21 =	sshrl.u32 s21, $0x1C  }
0x7d: {  	s22 =	sshll.u32 s20, $0xC;
	s21 =	sadd.s32 s21, s19  }
0x7e: {  	s19 =	sshra.s32 s21, $0x4;
	s21 =	sshra.s32 s22, $0x2  }
0x7f: {  	p2 =	sne.s32 s19, $0x1  }
.Ltmp9:
0x80: {  	_ = 	snop;
	(pc) =	sbr.rel @!p2 .LBB2_10-.Ltmp9, $3  }
0x81: {  	_ =	sdelay $0x1  }
0x82: {  	s22 =	sadd.s32 $0x10C0, s21;
	s23 =	simm.s32 $0xA00;
	s24 =	sadd.s32 $0xFFFFFFFF, s19  }
0x83: {  	[tilespmem:s22], [sflag:$0x1] =	stream.indirect.gather [hbm4b:s6+s10], $0x40, s23, s10, $0xb8;
	[tilespmem:$0x1B8C0] =	vst v63  }
.LBB2_9:
0x84: {  	p2 =	sne.s32 s24, $0x1  }
.Ltmp10:
0x85: {  	_ = 	snop;
	(pc) =	sbr.rel @p2 .LBB2_9-.Ltmp10, $4  }
0x86: {  	_ = 	snop  }
0x87: {  	s23 =	sadd.s32 $0x10, s23;
	s22 =	sadd.s32 $0x400, s22  }
0x88: {  	s24 =	sadd.s32 $0xFFFFFFFF, s24  }
0x89: {  	[tilespmem:s22], [sflag:$0x1] =	stream.indirect.gather [hbm4b:s6+s10], $0x40, s23, s10, $0xb8;
	[tilespmem:$0x1B8C0] =	vst v63  }
.LBB2_10:
0x8a: {  	s22 =	sadd.s32 s20, s19  }
0x8b: {  	p2 =	slt.s32 s22, $0x1  }
.Ltmp11:
0x8c: {  	_ = 	snop;
	(pc) =	sbr.rel @p2 .LBB2_14-.Ltmp11, $1  }
0x8d: {  	_ =	sdelay $0x3  }
0x8e: {  	p2 =	sne.s32 s22, $0x1  }
.Ltmp12:
0x8f: {  	_ = 	snop;
	(pc) =	sbr.rel @!p2 .LBB2_13-.Ltmp12, $3  }
0x90: {  	_ =	sdelay $0x1  }
0x91: {  	_ =	swait.ge [sflag:s11], $0x400  }
0x92: {  	s22 =	sadd.s32 $0xFFFFFFFF, s22;
	[sflag:s11] =	ssyncset.done $0x0  }
.LBB2_12:
0x93: {  	p2 =	sne.s32 s22, $0x1;
	s22 =	sadd.s32 $0xFFFFFFFF, s22;
	[sflag:s11] =	ssyncadd.s32 $0xFFFFFC00  }
.Ltmp13:
0x94: {  	(pc) =	sbr.rel @p2 .LBB2_12-.Ltmp13, $3  }
0x95: {  	_ =	sdelay $0x1  }
0x96: {  	_ =	swait.ge [sflag:s11], $0x400  }
0x97: {  	[sflag:s11] =	ssyncset.done $0x0  }
.LBB2_13:
0x98: {  	[sflag:s11] =	ssyncadd.s32 $0xFFFFFC00  }
.LBB2_14:
.Ltmp14:
0x99: {  	p2 =	seq.s32 s17, $0x0;
	(pc) =	sbr.rel @!p1 .LBB2_17-.Ltmp14, $4  }
0x9a: {  	s22 =	simm.s32 @!p2 $0x2  }
0x9b: {  	_ =	swait.ge @!p2 [sflag:s22], $0xD000  }
0x9c: {  	[sflag:s22] =	ssyncset.done @!p2 $0x0  }
0x9d: {  	[sflag:s22] =	ssyncadd.s32 @!p2 $0xFFFF3000  }
0x9e: {  	s22 =	simm.s32 $0xF;
	s23 =	simm.s32 $0x12C0  }
.LBB2_16:
0x9f: {  	s24 =	sadd.s32 $0xFFFFFFF1, s22  }
0xa0: {  	v6 =	vmov s24  }
0xa1: {  	v6 =	vshrl.u32 v6, $0x3  }
0xa2: {  	v6 =	vshll.u32 v6, v2  }
0xa3: {  	v6 =	vbroadcast v6, $0x0;
	_ =	sdelay $0x5  }
0xa4: {  	v6 =	vld.idx.msk [tilespmem:v6+s12+$0x0], $0xffff;
	_ =	sdelay $0x4  }
0xa5: {  	v6 =	vshll.u32 v6, $0x6  }
0xa6: {  	v7 =	vld [tilespmem:s23+$0xFFFFFE00];
	v8 =	vor.u32 v1, v6;
	_ =	sdelay $0x4  }
0xa7: {  	[tilespmem:v8+s13+$0x0] =	vst.idx.msk $0xffff, v7  }
0xa8: {  	v55 =	vor.u32 v3, v6;
	v7 =	vld [tilespmem:s23+$0xFFFFFE10];
	_ =	sdelay $0x4  }
0xa9: {  	[tilespmem:v55+s13+$0x0] =	vst.idx.msk $0xffff, v7  }
0xaa: {  	v56 =	vor.u32 v4, v6;
	v7 =	vld [tilespmem:s23+$0xFFFFFE20]  }
0xab: {  	s30 =	sadd.s32 $0xFFFFFFF2, s22  }
0xac: {  	v9 =	vmov s30  }
0xad: {  	v9 =	vshrl.u32 v9, $0x3  }
0xae: {  	v9 =	vshll.u32 v9, v2  }
0xaf: {  	[tilespmem:v56+s13+$0x0] =	vst.idx.msk $0xffff, v7;
	v7 =	vadd.s32 $0x1, v9  }
0xb0: {  	v6 =	vor.u32 v5, v6;
	v8 =	vld [tilespmem:s23+$0xFFFFFE30];
	v7 =	vbroadcast v7, $0x0;
	_ =	sdelay $0x4  }
0xb1: {  	[tilespmem:v6+s13+$0x0] =	vst.idx.msk $0xffff, v8  }
0xb2: {  	v6 =	vld.idx.msk [tilespmem:v7+s12+$0x0], $0xffff;
	_ =	sdelay $0x4  }
0xb3: {  	v6 =	vshll.u32 v6, $0x6  }
0xb4: {  	v7 =	vld [tilespmem:s23+$0xFFFFFE40];
	v57 =	vor.u32 v1, v6;
	_ =	sdelay $0x4  }
0xb5: {  	[tilespmem:v57+s13+$0x0] =	vst.idx.msk $0xffff, v7  }
0xb6: {  	v58 =	vor.u32 v3, v6;
	v7 =	vld [tilespmem:s23+$0xFFFFFE50];
	_ =	sdelay $0x4  }
0xb7: {  	[tilespmem:v58+s13+$0x0] =	vst.idx.msk $0xffff, v7  }
0xb8: {  	v59 =	vor.u32 v4, v6;
	v7 =	vld [tilespmem:s23+$0xFFFFFE60]  }
0xb9: {  	s31 =	sadd.s32 $0xFFFFFFF3, s22  }
0xba: {  	v60 =	vmov s31  }
0xbb: {  	v9 =	vshrl.u32 v60, $0x3  }
0xbc: {  	v9 =	vshll.u32 v9, v2  }
0xbd: {  	[tilespmem:v59+s13+$0x0] =	vst.idx.msk $0xffff, v7;
	v7 =	vadd.s32 $0x2, v9  }
0xbe: {  	v6 =	vor.u32 v5, v6;
	v8 =	vld [tilespmem:s23+$0xFFFFFE70];
	v7 =	vbroadcast v7, $0x0;
	_ =	sdelay $0x4  }
0xbf: {  	[tilespmem:v6+s13+$0x0] =	vst.idx.msk $0xffff, v8  }
0xc0: {  	v6 =	vld.idx.msk [tilespmem:v7+s12+$0x0], $0xffff;
	_ =	sdelay $0x4  }
0xc1: {  	v6 =	vshll.u32 v6, $0x6  }
0xc2: {  	v7 =	vld [tilespmem:s23+$0xFFFFFE80];
	v61 =	vor.u32 v1, v6;
	_ =	sdelay $0x4  }
0xc3: {  	[tilespmem:v61+s13+$0x0] =	vst.idx.msk $0xffff, v7  }
0xc4: {  	v62 =	vor.u32 v3, v6;
	v7 =	vld [tilespmem:s23+$0xFFFFFE90];
	_ =	sdelay $0x4  }
0xc5: {  	[tilespmem:v62+s13+$0x0] =	vst.idx.msk $0xffff, v7  }
0xc6: {  	v63 =	vor.u32 v4, v6;
	v7 =	vld [tilespmem:s23+$0xFFFFFEA0]  }
0xc7: {  	s25 =	sadd.s32 $0xFFFFFFF4, s22  }
0xc8: {  	v12 =	vmov s25  }
0xc9: {  	v9 =	vshrl.u32 v12, $0x3  }
0xca: {  	v9 =	vshll.u32 v9, v2  }
0xcb: {  	[tilespmem:v63+s13+$0x0] =	vst.idx.msk $0xffff, v7;
	v7 =	vadd.s32 $0x3, v9  }
0xcc: {  	v6 =	vor.u32 v5, v6;
	v8 =	vld [tilespmem:s23+$0xFFFFFEB0];
	v7 =	vbroadcast v7, $0x0;
	_ =	sdelay $0x4  }
0xcd: {  	[tilespmem:v6+s13+$0x0] =	vst.idx.msk $0xffff, v8  }
0xce: {  	v6 =	vld.idx.msk [tilespmem:v7+s12+$0x0], $0xffff;
	_ =	sdelay $0x4  }
0xcf: {  	v6 =	vshll.u32 v6, $0x6  }
0xd0: {  	v7 =	vld [tilespmem:s23+$0xFFFFFEC0];
	v13 =	vor.u32 v1, v6;
	_ =	sdelay $0x4  }
0xd1: {  	[tilespmem:v13+s13+$0x0] =	vst.idx.msk $0xffff, v7  }
0xd2: {  	v14 =	vor.u32 v3, v6;
	v7 =	vld [tilespmem:s23+$0xFFFFFED0];
	_ =	sdelay $0x4  }
0xd3: {  	[tilespmem:v14+s13+$0x0] =	vst.idx.msk $0xffff, v7  }
0xd4: {  	v15 =	vor.u32 v4, v6;
	v7 =	vld [tilespmem:s23+$0xFFFFFEE0]  }
0xd5: {  	s26 =	sadd.s32 $0xFFFFFFF5, s22  }
0xd6: {  	v16 =	vmov s26  }
0xd7: {  	v9 =	vshrl.u32 v16, $0x3  }
0xd8: {  	v9 =	vshll.u32 v9, v2  }
0xd9: {  	[tilespmem:v15+s13+$0x0] =	vst.idx.msk $0xffff, v7;
	v7 =	vadd.s32 $0x4, v9  }
0xda: {  	v6 =	vor.u32 v5, v6;
	v8 =	vld [tilespmem:s23+$0xFFFFFEF0];
	v7 =	vbroadcast v7, $0x0;
	_ =	sdelay $0x4  }
0xdb: {  	[tilespmem:v6+s13+$0x0] =	vst.idx.msk $0xffff, v8  }
0xdc: {  	v6 =	vld.idx.msk [tilespmem:v7+s12+$0x0], $0xffff;
	_ =	sdelay $0x4  }
0xdd: {  	v6 =	vshll.u32 v6, $0x6  }
0xde: {  	v7 =	vld [tilespmem:s23+$0xFFFFFF00];
	v17 =	vor.u32 v1, v6;
	_ =	sdelay $0x4  }
0xdf: {  	[tilespmem:v17+s13+$0x0] =	vst.idx.msk $0xffff, v7  }
0xe0: {  	v18 =	vor.u32 v3, v6;
	v7 =	vld [tilespmem:s23+$0xFFFFFF10];
	_ =	sdelay $0x4  }
0xe1: {  	[tilespmem:v18+s13+$0x0] =	vst.idx.msk $0xffff, v7  }
0xe2: {  	v19 =	vor.u32 v4, v6;
	v7 =	vld [tilespmem:s23+$0xFFFFFF20]  }
0xe3: {  	s28 =	sadd.s32 $0xFFFFFFF6, s22  }
0xe4: {  	v20 =	vmov s28  }
0xe5: {  	v9 =	vshrl.u32 v20, $0x3  }
0xe6: {  	v9 =	vshll.u32 v9, v2  }
0xe7: {  	[tilespmem:v19+s13+$0x0] =	vst.idx.msk $0xffff, v7;
	v7 =	vadd.s32 $0x5, v9  }
0xe8: {  	v6 =	vor.u32 v5, v6;
	v8 =	vld [tilespmem:s23+$0xFFFFFF30];
	v7 =	vbroadcast v7, $0x0;
	_ =	sdelay $0x4  }
0xe9: {  	[tilespmem:v6+s13+$0x0] =	vst.idx.msk $0xffff, v8  }
0xea: {  	v6 =	vld.idx.msk [tilespmem:v7+s12+$0x0], $0xffff;
	_ =	sdelay $0x4  }
0xeb: {  	v6 =	vshll.u32 v6, $0x6  }
0xec: {  	v7 =	vld [tilespmem:s23+$0xFFFFFF40];
	v21 =	vor.u32 v1, v6;
	_ =	sdelay $0x4  }
0xed: {  	[tilespmem:v21+s13+$0x0] =	vst.idx.msk $0xffff, v7  }
0xee: {  	v22 =	vor.u32 v3, v6;
	v7 =	vld [tilespmem:s23+$0xFFFFFF50];
	_ =	sdelay $0x4  }
0xef: {  	[tilespmem:v22+s13+$0x0] =	vst.idx.msk $0xffff, v7  }
0xf0: {  	v23 =	vor.u32 v4, v6;
	v7 =	vld [tilespmem:s23+$0xFFFFFF60]  }
0xf1: {  	s29 =	sadd.s32 $0xFFFFFFF7, s22  }
0xf2: {  	v24 =	vmov s29  }
0xf3: {  	v9 =	vshrl.u32 v24, $0x3  }
0xf4: {  	v9 =	vshll.u32 v9, v2  }
0xf5: {  	[tilespmem:v23+s13+$0x0] =	vst.idx.msk $0xffff, v7;
	v7 =	vadd.s32 $0x6, v9  }
0xf6: {  	v6 =	vor.u32 v5, v6;
	v8 =	vld [tilespmem:s23+$0xFFFFFF70];
	v7 =	vbroadcast v7, $0x0;
	_ =	sdelay $0x4  }
0xf7: {  	[tilespmem:v6+s13+$0x0] =	vst.idx.msk $0xffff, v8  }
0xf8: {  	v6 =	vld.idx.msk [tilespmem:v7+s12+$0x0], $0xffff;
	_ =	sdelay $0x4  }
0xf9: {  	v6 =	vshll.u32 v6, $0x6  }
0xfa: {  	v7 =	vld [tilespmem:s23+$0xFFFFFF80];
	v25 =	vor.u32 v1, v6;
	_ =	sdelay $0x4  }
0xfb: {  	[tilespmem:v25+s13+$0x0] =	vst.idx.msk $0xffff, v7  }
0xfc: {  	v26 =	vor.u32 v3, v6;
	v7 =	vld [tilespmem:s23+$0xFFFFFF90];
	_ =	sdelay $0x4  }
0xfd: {  	[tilespmem:v26+s13+$0x0] =	vst.idx.msk $0xffff, v7  }
0xfe: {  	v27 =	vor.u32 v4, v6;
	v7 =	vld [tilespmem:s23+$0xFFFFFFA0]  }
0xff: {  	s30 =	sadd.s32 $0xFFFFFFF8, s22  }
0x100: {  	v28 =	vmov s30  }
0x101: {  	v9 =	vshrl.u32 v28, $0x3  }
0x102: {  	v9 =	vshll.u32 v9, v2  }
0x103: {  	[tilespmem:v27+s13+$0x0] =	vst.idx.msk $0xffff, v7;
	v7 =	vadd.s32 $0x7, v9  }
0x104: {  	v6 =	vor.u32 v5, v6;
	v8 =	vld [tilespmem:s23+$0xFFFFFFB0];
	v7 =	vbroadcast v7, $0x0;
	_ =	sdelay $0x4  }
0x105: {  	[tilespmem:v6+s13+$0x0] =	vst.idx.msk $0xffff, v8  }
0x106: {  	v6 =	vld.idx.msk [tilespmem:v7+s12+$0x0], $0xffff;
	_ =	sdelay $0x4  }
0x107: {  	v6 =	vshll.u32 v6, $0x6  }
0x108: {  	v7 =	vld [tilespmem:s23+$0xFFFFFFC0];
	v29 =	vor.u32 v1, v6;
	_ =	sdelay $0x4  }
0x109: {  	[tilespmem:v29+s13+$0x0] =	vst.idx.msk $0xffff, v7  }
0x10a: {  	v30 =	vor.u32 v3, v6;
	v7 =	vld [tilespmem:s23+$0xFFFFFFD0];
	_ =	sdelay $0x4  }
0x10b: {  	[tilespmem:v30+s13+$0x0] =	vst.idx.msk $0xffff, v7  }
0x10c: {  	v31 =	vor.u32 v4, v6;
	v7 =	vld [tilespmem:s23+$0xFFFFFFE0];
	_ =	sdelay $0x1  }
0x10d: {  	s31 =	sadd.s32 $0xFFFFFFF9, s22  }
0x10e: {  	v32 =	vmov s31  }
0x10f: {  	v9 =	vshrl.u32 v32, $0x3  }
0x110: {  	[tilespmem:v31+s13+$0x0] =	vst.idx.msk $0xffff, v7;
	v7 =	vshll.u32 v9, v2  }
0x111: {  	v6 =	vor.u32 v5, v6;
	v8 =	vld [tilespmem:s23+$0xFFFFFFF0];
	v7 =	vbroadcast v7, $0x0;
	_ =	sdelay $0x4  }
0x112: {  	[tilespmem:v6+s13+$0x0] =	vst.idx.msk $0xffff, v8  }
0x113: {  	v6 =	vld.idx.msk [tilespmem:v7+s12+$0x0], $0xffff;
	_ =	sdelay $0x4  }
0x114: {  	v6 =	vshll.u32 v6, $0x6  }
0x115: {  	v7 =	vld [tilespmem:s23+$0x0];
	v33 =	vor.u32 v1, v6;
	_ =	sdelay $0x4  }
0x116: {  	[tilespmem:v33+s13+$0x0] =	vst.idx.msk $0xffff, v7  }
0x117: {  	v34 =	vor.u32 v3, v6;
	v7 =	vld [tilespmem:s23+$0x10];
	_ =	sdelay $0x4  }
0x118: {  	[tilespmem:v34+s13+$0x0] =	vst.idx.msk $0xffff, v7  }
0x119: {  	v35 =	vor.u32 v4, v6;
	v7 =	vld [tilespmem:s23+$0x20]  }
0x11a: {  	s25 =	sadd.s32 $0xFFFFFFFA, s22  }
0x11b: {  	v36 =	vmov s25  }
0x11c: {  	v9 =	vshrl.u32 v36, $0x3  }
0x11d: {  	v9 =	vshll.u32 v9, v2  }
0x11e: {  	[tilespmem:v35+s13+$0x0] =	vst.idx.msk $0xffff, v7;
	v7 =	vadd.s32 $0x1, v9  }
0x11f: {  	v6 =	vor.u32 v5, v6;
	v8 =	vld [tilespmem:s23+$0x30];
	v7 =	vbroadcast v7, $0x0;
	_ =	sdelay $0x4  }
0x120: {  	[tilespmem:v6+s13+$0x0] =	vst.idx.msk $0xffff, v8  }
0x121: {  	v6 =	vld.idx.msk [tilespmem:v7+s12+$0x0], $0xffff;
	_ =	sdelay $0x4  }
0x122: {  	v6 =	vshll.u32 v6, $0x6  }
0x123: {  	v7 =	vld [tilespmem:s23+$0x40];
	v37 =	vor.u32 v1, v6;
	_ =	sdelay $0x4  }
0x124: {  	[tilespmem:v37+s13+$0x0] =	vst.idx.msk $0xffff, v7  }
0x125: {  	v38 =	vor.u32 v3, v6;
	v7 =	vld [tilespmem:s23+$0x50];
	_ =	sdelay $0x4  }
0x126: {  	[tilespmem:v38+s13+$0x0] =	vst.idx.msk $0xffff, v7  }
0x127: {  	v39 =	vor.u32 v4, v6;
	v7 =	vld [tilespmem:s23+$0x60]  }
0x128: {  	s26 =	sadd.s32 $0xFFFFFFFB, s22  }
0x129: {  	v40 =	vmov s26  }
0x12a: {  	v9 =	vshrl.u32 v40, $0x3  }
0x12b: {  	v9 =	vshll.u32 v9, v2  }
0x12c: {  	[tilespmem:v39+s13+$0x0] =	vst.idx.msk $0xffff, v7;
	v7 =	vadd.s32 $0x2, v9  }
0x12d: {  	v6 =	vor.u32 v5, v6;
	v8 =	vld [tilespmem:s23+$0x70];
	v7 =	vbroadcast v7, $0x0;
	_ =	sdelay $0x4  }
0x12e: {  	[tilespmem:v6+s13+$0x0] =	vst.idx.msk $0xffff, v8  }
0x12f: {  	v6 =	vld.idx.msk [tilespmem:v7+s12+$0x0], $0xffff;
	_ =	sdelay $0x4  }
0x130: {  	v6 =	vshll.u32 v6, $0x6  }
0x131: {  	v7 =	vld [tilespmem:s23+$0x80];
	v41 =	vor.u32 v1, v6;
	_ =	sdelay $0x4  }
0x132: {  	[tilespmem:v41+s13+$0x0] =	vst.idx.msk $0xffff, v7  }
0x133: {  	v42 =	vor.u32 v3, v6;
	v7 =	vld [tilespmem:s23+$0x90];
	_ =	sdelay $0x4  }
0x134: {  	[tilespmem:v42+s13+$0x0] =	vst.idx.msk $0xffff, v7  }
0x135: {  	v43 =	vor.u32 v4, v6;
	v7 =	vld [tilespmem:s23+$0xA0]  }
0x136: {  	s28 =	sadd.s32 $0xFFFFFFFC, s22  }
0x137: {  	v44 =	vmov s28  }
0x138: {  	v9 =	vshrl.u32 v44, $0x3  }
0x139: {  	v9 =	vshll.u32 v9, v2  }
0x13a: {  	[tilespmem:v43+s13+$0x0] =	vst.idx.msk $0xffff, v7;
	v7 =	vadd.s32 $0x3, v9  }
0x13b: {  	v6 =	vor.u32 v5, v6;
	v8 =	vld [tilespmem:s23+$0xB0];
	v7 =	vbroadcast v7, $0x0;
	_ =	sdelay $0x4  }
0x13c: {  	[tilespmem:v6+s13+$0x0] =	vst.idx.msk $0xffff, v8  }
0x13d: {  	v6 =	vld.idx.msk [tilespmem:v7+s12+$0x0], $0xffff;
	_ =	sdelay $0x4  }
0x13e: {  	v6 =	vshll.u32 v6, $0x6  }
0x13f: {  	v7 =	vld [tilespmem:s23+$0xC0];
	v45 =	vor.u32 v1, v6;
	_ =	sdelay $0x4  }
0x140: {  	[tilespmem:v45+s13+$0x0] =	vst.idx.msk $0xffff, v7  }
0x141: {  	v46 =	vor.u32 v3, v6;
	v7 =	vld [tilespmem:s23+$0xD0];
	_ =	sdelay $0x4  }
0x142: {  	[tilespmem:v46+s13+$0x0] =	vst.idx.msk $0xffff, v7  }
0x143: {  	v47 =	vor.u32 v4, v6;
	v7 =	vld [tilespmem:s23+$0xE0]  }
0x144: {  	s29 =	sadd.s32 $0xFFFFFFFD, s22  }
0x145: {  	v48 =	vmov s29  }
0x146: {  	v9 =	vshrl.u32 v48, $0x3  }
0x147: {  	v9 =	vshll.u32 v9, v2  }
0x148: {  	[tilespmem:v47+s13+$0x0] =	vst.idx.msk $0xffff, v7;
	v7 =	vadd.s32 $0x4, v9  }
0x149: {  	v6 =	vor.u32 v5, v6;
	v8 =	vld [tilespmem:s23+$0xF0];
	v7 =	vbroadcast v7, $0x0;
	_ =	sdelay $0x4  }
0x14a: {  	[tilespmem:v6+s13+$0x0] =	vst.idx.msk $0xffff, v8  }
0x14b: {  	v6 =	vld.idx.msk [tilespmem:v7+s12+$0x0], $0xffff;
	_ =	sdelay $0x4  }
0x14c: {  	v6 =	vshll.u32 v6, $0x6  }
0x14d: {  	v7 =	vld [tilespmem:s23+$0x100];
	v49 =	vor.u32 v1, v6;
	_ =	sdelay $0x4  }
0x14e: {  	[tilespmem:v49+s13+$0x0] =	vst.idx.msk $0xffff, v7  }
0x14f: {  	v50 =	vor.u32 v3, v6;
	v7 =	vld [tilespmem:s23+$0x110];
	_ =	sdelay $0x4  }
0x150: {  	[tilespmem:v50+s13+$0x0] =	vst.idx.msk $0xffff, v7  }
0x151: {  	v51 =	vor.u32 v4, v6;
	v7 =	vld [tilespmem:s23+$0x120]  }
0x152: {  	s30 =	sadd.s32 $0xFFFFFFFE, s22  }
0x153: {  	v52 =	vmov s30  }
0x154: {  	v9 =	vshrl.u32 v52, $0x3  }
0x155: {  	v9 =	vshll.u32 v9, v2  }
0x156: {  	[tilespmem:v51+s13+$0x0] =	vst.idx.msk $0xffff, v7;
	v7 =	vadd.s32 $0x5, v9  }
0x157: {  	v6 =	vor.u32 v5, v6;
	v8 =	vld [tilespmem:s23+$0x130];
	v7 =	vbroadcast v7, $0x0;
	_ =	sdelay $0x4  }
0x158: {  	[tilespmem:v6+s13+$0x0] =	vst.idx.msk $0xffff, v8  }
0x159: {  	v6 =	vld.idx.msk [tilespmem:v7+s12+$0x0], $0xffff;
	_ =	sdelay $0x4  }
0x15a: {  	v6 =	vshll.u32 v6, $0x6  }
0x15b: {  	v7 =	vld [tilespmem:s23+$0x140];
	v53 =	vor.u32 v1, v6;
	_ =	sdelay $0x4  }
0x15c: {  	[tilespmem:v53+s13+$0x0] =	vst.idx.msk $0xffff, v7  }
0x15d: {  	v54 =	vor.u32 v3, v6;
	v7 =	vld [tilespmem:s23+$0x150];
	_ =	sdelay $0x4  }
0x15e: {  	[tilespmem:v54+s13+$0x0] =	vst.idx.msk $0xffff, v7  }
0x15f: {  	v55 =	vor.u32 v4, v6;
	v7 =	vld [tilespmem:s23+$0x160]  }
0x160: {  	s31 =	sadd.s32 $0xFFFFFFFF, s22  }
0x161: {  	v56 =	vmov s31  }
0x162: {  	v9 =	vshrl.u32 v56, $0x3  }
0x163: {  	v9 =	vshll.u32 v9, v2  }
0x164: {  	[tilespmem:v55+s13+$0x0] =	vst.idx.msk $0xffff, v7;
	v7 =	vadd.s32 $0x6, v9  }
0x165: {  	v6 =	vor.u32 v5, v6;
	v8 =	vld [tilespmem:s23+$0x170];
	v7 =	vbroadcast v7, $0x0;
	_ =	sdelay $0x4  }
0x166: {  	[tilespmem:v6+s13+$0x0] =	vst.idx.msk $0xffff, v8  }
0x167: {  	v6 =	vld.idx.msk [tilespmem:v7+s12+$0x0], $0xffff;
	_ =	sdelay $0x4  }
0x168: {  	v6 =	vshll.u32 v6, $0x6  }
0x169: {  	v7 =	vld [tilespmem:s23+$0x180];
	v57 =	vor.u32 v1, v6;
	_ =	sdelay $0x4  }
0x16a: {  	[tilespmem:v57+s13+$0x0] =	vst.idx.msk $0xffff, v7  }
0x16b: {  	v58 =	vor.u32 v3, v6;
	v7 =	vld [tilespmem:s23+$0x190];
	_ =	sdelay $0x4  }
0x16c: {  	[tilespmem:v58+s13+$0x0] =	vst.idx.msk $0xffff, v7  }
0x16d: {  	v59 =	vor.u32 v4, v6;
	v7 =	vld [tilespmem:s23+$0x1A0];
	_ =	sdelay $0x1  }
0x16e: {  	v60 =	vmov s22  }
0x16f: {  	v9 =	vshrl.u32 v60, $0x3  }
0x170: {  	v9 =	vshll.u32 v9, v2  }
0x171: {  	[tilespmem:v59+s13+$0x0] =	vst.idx.msk $0xffff, v7;
	v7 =	vadd.s32 $0x7, v9  }
0x172: {  	v6 =	vor.u32 v5, v6;
	v8 =	vld [tilespmem:s23+$0x1B0];
	v7 =	vbroadcast v7, $0x0;
	_ =	sdelay $0x4  }
0x173: {  	[tilespmem:v6+s13+$0x0] =	vst.idx.msk $0xffff, v8  }
0x174: {  	v6 =	vld.idx.msk [tilespmem:v7+s12+$0x0], $0xffff;
	_ =	sdelay $0x4  }
0x175: {  	v6 =	vshll.u32 v6, $0x6  }
0x176: {  	v7 =	vld [tilespmem:s23+$0x1C0];
	v61 =	vor.u32 v1, v6;
	_ =	sdelay $0x4  }
0x177: {  	[tilespmem:v61+s13+$0x0] =	vst.idx.msk $0xffff, v7  }
0x178: {  	v62 =	vor.u32 v3, v6;
	v7 =	vld [tilespmem:s23+$0x1D0];
	_ =	sdelay $0x4  }
0x179: {  	[tilespmem:v62+s13+$0x0] =	vst.idx.msk $0xffff, v7  }
0x17a: {  	v63 =	vor.u32 v4, v6;
	v7 =	vld [tilespmem:s23+$0x1E0];
	_ =	sdelay $0x4  }
0x17b: {  	[tilespmem:v63+s13+$0x0] =	vst.idx.msk $0xffff, v7  }
0x17c: {  	p1 =	seq.s32 s20, $0x1;
	v6 =	vor.u32 v5, v6;
	v7 =	vld [tilespmem:s23+$0x1F0]  }
.Ltmp15:
0x17d: {  	_ = 	snop;
	(pc) =	sbr.rel @!p1 .LBB2_16-.Ltmp15, $2  }
0x17e: {  	_ =	sdelay $0x2  }
0x17f: {  	s20 =	sadd.s32 $0xFFFFFFFF, s20;
	s22 =	sadd.s32 $0x10, s22;
	s23 =	sadd.s32 $0x400, s23;
	[tilespmem:v6+s13+$0x0] =	vst.idx.msk $0xffff, v7  }
.LBB2_17:
.Ltmp16:
0x180: {  	(pc) =	sbr.rel @p0 .LBB2_20-.Ltmp16, $1  }
0x181: {  	_ =	sdelay $0x3  }
0x182: {  	s20 =	sadd.s32 $0x12C0, s21;
	s21 =	simm.s32 $0xF  }
.LBB2_19:
0x183: {  	s22 =	sadd.s32 $0xFFFFFFF1, s21  }
0x184: {  	v6 =	vmov s22  }
0x185: {  	v6 =	vshrl.u32 v6, $0x3  }
0x186: {  	v6 =	vshll.u32 v6, v2  }
0x187: {  	v6 =	vbroadcast v6, $0x0;
	_ =	sdelay $0x5  }
0x188: {  	v6 =	vld.idx.msk [tilespmem:v6+s14+$0x0], $0xffff;
	_ =	sdelay $0x4  }
0x189: {  	v6 =	vshll.u32 v6, $0x6  }
0x18a: {  	v7 =	vld [tilespmem:s20+$0xFFFFFE00];
	v8 =	vor.u32 v1, v6;
	_ =	sdelay $0x4  }
0x18b: {  	[tilespmem:v8+s13+$0x0] =	vst.idx.msk $0xffff, v7  }
0x18c: {  	v55 =	vor.u32 v3, v6;
	v7 =	vld [tilespmem:s20+$0xFFFFFE10];
	_ =	sdelay $0x4  }
0x18d: {  	[tilespmem:v55+s13+$0x0] =	vst.idx.msk $0xffff, v7  }
0x18e: {  	v56 =	vor.u32 v4, v6;
	v7 =	vld [tilespmem:s20+$0xFFFFFE20]  }
0x18f: {  	s25 =	sadd.s32 $0xFFFFFFF2, s21  }
0x190: {  	v9 =	vmov s25  }
0x191: {  	v9 =	vshrl.u32 v9, $0x3  }
0x192: {  	v9 =	vshll.u32 v9, v2  }
0x193: {  	[tilespmem:v56+s13+$0x0] =	vst.idx.msk $0xffff, v7;
	v7 =	vadd.s32 $0x1, v9  }
0x194: {  	v6 =	vor.u32 v5, v6;
	v8 =	vld [tilespmem:s20+$0xFFFFFE30];
	v7 =	vbroadcast v7, $0x0;
	_ =	sdelay $0x4  }
0x195: {  	[tilespmem:v6+s13+$0x0] =	vst.idx.msk $0xffff, v8  }
0x196: {  	v6 =	vld.idx.msk [tilespmem:v7+s14+$0x0], $0xffff;
	_ =	sdelay $0x4  }
0x197: {  	v6 =	vshll.u32 v6, $0x6  }
0x198: {  	v7 =	vld [tilespmem:s20+$0xFFFFFE40];
	v57 =	vor.u32 v1, v6;
	_ =	sdelay $0x4  }
0x199: {  	[tilespmem:v57+s13+$0x0] =	vst.idx.msk $0xffff, v7  }
0x19a: {  	v58 =	vor.u32 v3, v6;
	v7 =	vld [tilespmem:s20+$0xFFFFFE50];
	_ =	sdelay $0x4  }
0x19b: {  	[tilespmem:v58+s13+$0x0] =	vst.idx.msk $0xffff, v7  }
0x19c: {  	v59 =	vor.u32 v4, v6;
	v7 =	vld [tilespmem:s20+$0xFFFFFE60]  }
0x19d: {  	s26 =	sadd.s32 $0xFFFFFFF3, s21  }
0x19e: {  	v60 =	vmov s26  }
0x19f: {  	v9 =	vshrl.u32 v60, $0x3  }
0x1a0: {  	v9 =	vshll.u32 v9, v2  }
0x1a1: {  	[tilespmem:v59+s13+$0x0] =	vst.idx.msk $0xffff, v7;
	v7 =	vadd.s32 $0x2, v9  }
0x1a2: {  	v6 =	vor.u32 v5, v6;
	v8 =	vld [tilespmem:s20+$0xFFFFFE70];
	v7 =	vbroadcast v7, $0x0;
	_ =	sdelay $0x4  }
0x1a3: {  	[tilespmem:v6+s13+$0x0] =	vst.idx.msk $0xffff, v8  }
0x1a4: {  	v6 =	vld.idx.msk [tilespmem:v7+s14+$0x0], $0xffff;
	_ =	sdelay $0x4  }
0x1a5: {  	v6 =	vshll.u32 v6, $0x6  }
0x1a6: {  	v7 =	vld [tilespmem:s20+$0xFFFFFE80];
	v61 =	vor.u32 v1, v6;
	_ =	sdelay $0x4  }
0x1a7: {  	[tilespmem:v61+s13+$0x0] =	vst.idx.msk $0xffff, v7  }
0x1a8: {  	v62 =	vor.u32 v3, v6;
	v7 =	vld [tilespmem:s20+$0xFFFFFE90];
	_ =	sdelay $0x4  }
0x1a9: {  	[tilespmem:v62+s13+$0x0] =	vst.idx.msk $0xffff, v7  }
0x1aa: {  	v63 =	vor.u32 v4, v6;
	v7 =	vld [tilespmem:s20+$0xFFFFFEA0]  }
0x1ab: {  	s28 =	sadd.s32 $0xFFFFFFF4, s21  }
0x1ac: {  	v12 =	vmov s28  }
0x1ad: {  	v9 =	vshrl.u32 v12, $0x3  }
0x1ae: {  	v9 =	vshll.u32 v9, v2  }
0x1af: {  	[tilespmem:v63+s13+$0x0] =	vst.idx.msk $0xffff, v7;
	v7 =	vadd.s32 $0x3, v9  }
0x1b0: {  	v6 =	vor.u32 v5, v6;
	v8 =	vld [tilespmem:s20+$0xFFFFFEB0];
	v7 =	vbroadcast v7, $0x0;
	_ =	sdelay $0x4  }
0x1b1: {  	[tilespmem:v6+s13+$0x0] =	vst.idx.msk $0xffff, v8  }
0x1b2: {  	v6 =	vld.idx.msk [tilespmem:v7+s14+$0x0], $0xffff;
	_ =	sdelay $0x4  }
0x1b3: {  	v6 =	vshll.u32 v6, $0x6  }
0x1b4: {  	v7 =	vld [tilespmem:s20+$0xFFFFFEC0];
	v13 =	vor.u32 v1, v6;
	_ =	sdelay $0x4  }
0x1b5: {  	[tilespmem:v13+s13+$0x0] =	vst.idx.msk $0xffff, v7  }
0x1b6: {  	v14 =	vor.u32 v3, v6;
	v7 =	vld [tilespmem:s20+$0xFFFFFED0];
	_ =	sdelay $0x4  }
0x1b7: {  	[tilespmem:v14+s13+$0x0] =	vst.idx.msk $0xffff, v7  }
0x1b8: {  	v15 =	vor.u32 v4, v6;
	v7 =	vld [tilespmem:s20+$0xFFFFFEE0]  }
0x1b9: {  	s29 =	sadd.s32 $0xFFFFFFF5, s21  }
0x1ba: {  	v16 =	vmov s29  }
0x1bb: {  	v9 =	vshrl.u32 v16, $0x3  }
0x1bc: {  	v9 =	vshll.u32 v9, v2  }
0x1bd: {  	[tilespmem:v15+s13+$0x0] =	vst.idx.msk $0xffff, v7;
	v7 =	vadd.s32 $0x4, v9  }
0x1be: {  	v6 =	vor.u32 v5, v6;
	v8 =	vld [tilespmem:s20+$0xFFFFFEF0];
	v7 =	vbroadcast v7, $0x0;
	_ =	sdelay $0x4  }
0x1bf: {  	[tilespmem:v6+s13+$0x0] =	vst.idx.msk $0xffff, v8  }
0x1c0: {  	v6 =	vld.idx.msk [tilespmem:v7+s14+$0x0], $0xffff;
	_ =	sdelay $0x4  }
0x1c1: {  	v6 =	vshll.u32 v6, $0x6  }
0x1c2: {  	v7 =	vld [tilespmem:s20+$0xFFFFFF00];
	v17 =	vor.u32 v1, v6;
	_ =	sdelay $0x4  }
0x1c3: {  	[tilespmem:v17+s13+$0x0] =	vst.idx.msk $0xffff, v7  }
0x1c4: {  	v18 =	vor.u32 v3, v6;
	v7 =	vld [tilespmem:s20+$0xFFFFFF10];
	_ =	sdelay $0x4  }
0x1c5: {  	[tilespmem:v18+s13+$0x0] =	vst.idx.msk $0xffff, v7  }
0x1c6: {  	v19 =	vor.u32 v4, v6;
	v7 =	vld [tilespmem:s20+$0xFFFFFF20]  }
0x1c7: {  	s30 =	sadd.s32 $0xFFFFFFF6, s21  }
0x1c8: {  	v20 =	vmov s30  }
0x1c9: {  	v9 =	vshrl.u32 v20, $0x3  }
0x1ca: {  	v9 =	vshll.u32 v9, v2  }
0x1cb: {  	[tilespmem:v19+s13+$0x0] =	vst.idx.msk $0xffff, v7;
	v7 =	vadd.s32 $0x5, v9  }
0x1cc: {  	v6 =	vor.u32 v5, v6;
	v8 =	vld [tilespmem:s20+$0xFFFFFF30];
	v7 =	vbroadcast v7, $0x0;
	_ =	sdelay $0x4  }
0x1cd: {  	[tilespmem:v6+s13+$0x0] =	vst.idx.msk $0xffff, v8  }
0x1ce: {  	v6 =	vld.idx.msk [tilespmem:v7+s14+$0x0], $0xffff;
	_ =	sdelay $0x4  }
0x1cf: {  	v6 =	vshll.u32 v6, $0x6  }
0x1d0: {  	v7 =	vld [tilespmem:s20+$0xFFFFFF40];
	v21 =	vor.u32 v1, v6;
	_ =	sdelay $0x4  }
0x1d1: {  	[tilespmem:v21+s13+$0x0] =	vst.idx.msk $0xffff, v7  }
0x1d2: {  	v22 =	vor.u32 v3, v6;
	v7 =	vld [tilespmem:s20+$0xFFFFFF50];
	_ =	sdelay $0x4  }
0x1d3: {  	[tilespmem:v22+s13+$0x0] =	vst.idx.msk $0xffff, v7  }
0x1d4: {  	v23 =	vor.u32 v4, v6;
	v7 =	vld [tilespmem:s20+$0xFFFFFF60]  }
0x1d5: {  	s31 =	sadd.s32 $0xFFFFFFF7, s21  }
0x1d6: {  	v24 =	vmov s31  }
0x1d7: {  	v9 =	vshrl.u32 v24, $0x3  }
0x1d8: {  	v9 =	vshll.u32 v9, v2  }
0x1d9: {  	[tilespmem:v23+s13+$0x0] =	vst.idx.msk $0xffff, v7;
	v7 =	vadd.s32 $0x6, v9  }
0x1da: {  	v6 =	vor.u32 v5, v6;
	v8 =	vld [tilespmem:s20+$0xFFFFFF70];
	v7 =	vbroadcast v7, $0x0;
	_ =	sdelay $0x4  }
0x1db: {  	[tilespmem:v6+s13+$0x0] =	vst.idx.msk $0xffff, v8  }
0x1dc: {  	v6 =	vld.idx.msk [tilespmem:v7+s14+$0x0], $0xffff;
	_ =	sdelay $0x4  }
0x1dd: {  	v6 =	vshll.u32 v6, $0x6  }
0x1de: {  	v7 =	vld [tilespmem:s20+$0xFFFFFF80];
	v25 =	vor.u32 v1, v6;
	_ =	sdelay $0x4  }
0x1df: {  	[tilespmem:v25+s13+$0x0] =	vst.idx.msk $0xffff, v7  }
0x1e0: {  	v26 =	vor.u32 v3, v6;
	v7 =	vld [tilespmem:s20+$0xFFFFFF90];
	_ =	sdelay $0x4  }
0x1e1: {  	[tilespmem:v26+s13+$0x0] =	vst.idx.msk $0xffff, v7  }
0x1e2: {  	v27 =	vor.u32 v4, v6;
	v7 =	vld [tilespmem:s20+$0xFFFFFFA0]  }
0x1e3: {  	s23 =	sadd.s32 $0xFFFFFFF8, s21  }
0x1e4: {  	v28 =	vmov s23  }
0x1e5: {  	v9 =	vshrl.u32 v28, $0x3  }
0x1e6: {  	v9 =	vshll.u32 v9, v2  }
0x1e7: {  	[tilespmem:v27+s13+$0x0] =	vst.idx.msk $0xffff, v7;
	v7 =	vadd.s32 $0x7, v9  }
0x1e8: {  	v6 =	vor.u32 v5, v6;
	v8 =	vld [tilespmem:s20+$0xFFFFFFB0];
	v7 =	vbroadcast v7, $0x0;
	_ =	sdelay $0x4  }
0x1e9: {  	[tilespmem:v6+s13+$0x0] =	vst.idx.msk $0xffff, v8  }
0x1ea: {  	v6 =	vld.idx.msk [tilespmem:v7+s14+$0x0], $0xffff;
	_ =	sdelay $0x4  }
0x1eb: {  	v6 =	vshll.u32 v6, $0x6  }
0x1ec: {  	v7 =	vld [tilespmem:s20+$0xFFFFFFC0];
	v29 =	vor.u32 v1, v6;
	_ =	sdelay $0x4  }
0x1ed: {  	[tilespmem:v29+s13+$0x0] =	vst.idx.msk $0xffff, v7  }
0x1ee: {  	v30 =	vor.u32 v3, v6;
	v7 =	vld [tilespmem:s20+$0xFFFFFFD0];
	_ =	sdelay $0x4  }
0x1ef: {  	[tilespmem:v30+s13+$0x0] =	vst.idx.msk $0xffff, v7  }
0x1f0: {  	v31 =	vor.u32 v4, v6;
	v7 =	vld [tilespmem:s20+$0xFFFFFFE0];
	_ =	sdelay $0x1  }
0x1f1: {  	s24 =	sadd.s32 $0xFFFFFFF9, s21  }
0x1f2: {  	v32 =	vmov s24  }
0x1f3: {  	v9 =	vshrl.u32 v32, $0x3  }
0x1f4: {  	[tilespmem:v31+s13+$0x0] =	vst.idx.msk $0xffff, v7;
	v7 =	vshll.u32 v9, v2  }
0x1f5: {  	v6 =	vor.u32 v5, v6;
	v8 =	vld [tilespmem:s20+$0xFFFFFFF0];
	v7 =	vbroadcast v7, $0x0;
	_ =	sdelay $0x4  }
0x1f6: {  	[tilespmem:v6+s13+$0x0] =	vst.idx.msk $0xffff, v8  }
0x1f7: {  	v6 =	vld.idx.msk [tilespmem:v7+s14+$0x0], $0xffff;
	_ =	sdelay $0x4  }
0x1f8: {  	v6 =	vshll.u32 v6, $0x6  }
0x1f9: {  	v7 =	vld [tilespmem:s20+$0x0];
	v33 =	vor.u32 v1, v6;
	_ =	sdelay $0x4  }
0x1fa: {  	[tilespmem:v33+s13+$0x0] =	vst.idx.msk $0xffff, v7  }
0x1fb: {  	v34 =	vor.u32 v3, v6;
	v7 =	vld [tilespmem:s20+$0x10];
	_ =	sdelay $0x4  }
0x1fc: {  	[tilespmem:v34+s13+$0x0] =	vst.idx.msk $0xffff, v7  }
0x1fd: {  	v35 =	vor.u32 v4, v6;
	v7 =	vld [tilespmem:s20+$0x20]  }
0x1fe: {  	s25 =	sadd.s32 $0xFFFFFFFA, s21  }
0x1ff: {  	v36 =	vmov s25  }
0x200: {  	v9 =	vshrl.u32 v36, $0x3  }
0x201: {  	v9 =	vshll.u32 v9, v2  }
0x202: {  	[tilespmem:v35+s13+$0x0] =	vst.idx.msk $0xffff, v7;
	v7 =	vadd.s32 $0x1, v9  }
0x203: {  	v6 =	vor.u32 v5, v6;
	v8 =	vld [tilespmem:s20+$0x30];
	v7 =	vbroadcast v7, $0x0;
	_ =	sdelay $0x4  }
0x204: {  	[tilespmem:v6+s13+$0x0] =	vst.idx.msk $0xffff, v8  }
0x205: {  	v6 =	vld.idx.msk [tilespmem:v7+s14+$0x0], $0xffff;
	_ =	sdelay $0x4  }
0x206: {  	v6 =	vshll.u32 v6, $0x6  }
0x207: {  	v7 =	vld [tilespmem:s20+$0x40];
	v37 =	vor.u32 v1, v6;
	_ =	sdelay $0x4  }
0x208: {  	[tilespmem:v37+s13+$0x0] =	vst.idx.msk $0xffff, v7  }
0x209: {  	v38 =	vor.u32 v3, v6;
	v7 =	vld [tilespmem:s20+$0x50];
	_ =	sdelay $0x4  }
0x20a: {  	[tilespmem:v38+s13+$0x0] =	vst.idx.msk $0xffff, v7  }
0x20b: {  	v39 =	vor.u32 v4, v6;
	v7 =	vld [tilespmem:s20+$0x60]  }
0x20c: {  	s26 =	sadd.s32 $0xFFFFFFFB, s21  }
0x20d: {  	v40 =	vmov s26  }
0x20e: {  	v9 =	vshrl.u32 v40, $0x3  }
0x20f: {  	v9 =	vshll.u32 v9, v2  }
0x210: {  	[tilespmem:v39+s13+$0x0] =	vst.idx.msk $0xffff, v7;
	v7 =	vadd.s32 $0x2, v9  }
0x211: {  	v6 =	vor.u32 v5, v6;
	v8 =	vld [tilespmem:s20+$0x70];
	v7 =	vbroadcast v7, $0x0;
	_ =	sdelay $0x4  }
0x212: {  	[tilespmem:v6+s13+$0x0] =	vst.idx.msk $0xffff, v8  }
0x213: {  	v6 =	vld.idx.msk [tilespmem:v7+s14+$0x0], $0xffff;
	_ =	sdelay $0x4  }
0x214: {  	v6 =	vshll.u32 v6, $0x6  }
0x215: {  	v7 =	vld [tilespmem:s20+$0x80];
	v41 =	vor.u32 v1, v6;
	_ =	sdelay $0x4  }
0x216: {  	[tilespmem:v41+s13+$0x0] =	vst.idx.msk $0xffff, v7  }
0x217: {  	v42 =	vor.u32 v3, v6;
	v7 =	vld [tilespmem:s20+$0x90];
	_ =	sdelay $0x4  }
0x218: {  	[tilespmem:v42+s13+$0x0] =	vst.idx.msk $0xffff, v7  }
0x219: {  	v43 =	vor.u32 v4, v6;
	v7 =	vld [tilespmem:s20+$0xA0]  }
0x21a: {  	s28 =	sadd.s32 $0xFFFFFFFC, s21  }
0x21b: {  	v44 =	vmov s28  }
0x21c: {  	v9 =	vshrl.u32 v44, $0x3  }
0x21d: {  	v9 =	vshll.u32 v9, v2  }
0x21e: {  	[tilespmem:v43+s13+$0x0] =	vst.idx.msk $0xffff, v7;
	v7 =	vadd.s32 $0x3, v9  }
0x21f: {  	v6 =	vor.u32 v5, v6;
	v8 =	vld [tilespmem:s20+$0xB0];
	v7 =	vbroadcast v7, $0x0;
	_ =	sdelay $0x4  }
0x220: {  	[tilespmem:v6+s13+$0x0] =	vst.idx.msk $0xffff, v8  }
0x221: {  	v6 =	vld.idx.msk [tilespmem:v7+s14+$0x0], $0xffff;
	_ =	sdelay $0x4  }
0x222: {  	v6 =	vshll.u32 v6, $0x6  }
0x223: {  	v7 =	vld [tilespmem:s20+$0xC0];
	v45 =	vor.u32 v1, v6;
	_ =	sdelay $0x4  }
0x224: {  	[tilespmem:v45+s13+$0x0] =	vst.idx.msk $0xffff, v7  }
0x225: {  	v46 =	vor.u32 v3, v6;
	v7 =	vld [tilespmem:s20+$0xD0];
	_ =	sdelay $0x4  }
0x226: {  	[tilespmem:v46+s13+$0x0] =	vst.idx.msk $0xffff, v7  }
0x227: {  	v47 =	vor.u32 v4, v6;
	v7 =	vld [tilespmem:s20+$0xE0]  }
0x228: {  	s29 =	sadd.s32 $0xFFFFFFFD, s21  }
0x229: {  	v48 =	vmov s29  }
0x22a: {  	v9 =	vshrl.u32 v48, $0x3  }
0x22b: {  	v9 =	vshll.u32 v9, v2  }
0x22c: {  	[tilespmem:v47+s13+$0x0] =	vst.idx.msk $0xffff, v7;
	v7 =	vadd.s32 $0x4, v9  }
0x22d: {  	v6 =	vor.u32 v5, v6;
	v8 =	vld [tilespmem:s20+$0xF0];
	v7 =	vbroadcast v7, $0x0;
	_ =	sdelay $0x4  }
0x22e: {  	[tilespmem:v6+s13+$0x0] =	vst.idx.msk $0xffff, v8  }
0x22f: {  	v6 =	vld.idx.msk [tilespmem:v7+s14+$0x0], $0xffff;
	_ =	sdelay $0x4  }
0x230: {  	v6 =	vshll.u32 v6, $0x6  }
0x231: {  	v7 =	vld [tilespmem:s20+$0x100];
	v49 =	vor.u32 v1, v6;
	_ =	sdelay $0x4  }
0x232: {  	[tilespmem:v49+s13+$0x0] =	vst.idx.msk $0xffff, v7  }
0x233: {  	v50 =	vor.u32 v3, v6;
	v7 =	vld [tilespmem:s20+$0x110];
	_ =	sdelay $0x4  }
0x234: {  	[tilespmem:v50+s13+$0x0] =	vst.idx.msk $0xffff, v7  }
0x235: {  	v51 =	vor.u32 v4, v6;
	v7 =	vld [tilespmem:s20+$0x120]  }
0x236: {  	s30 =	sadd.s32 $0xFFFFFFFE, s21  }
0x237: {  	v52 =	vmov s30  }
0x238: {  	v9 =	vshrl.u32 v52, $0x3  }
0x239: {  	v9 =	vshll.u32 v9, v2  }
0x23a: {  	[tilespmem:v51+s13+$0x0] =	vst.idx.msk $0xffff, v7;
	v7 =	vadd.s32 $0x5, v9  }
0x23b: {  	v6 =	vor.u32 v5, v6;
	v8 =	vld [tilespmem:s20+$0x130];
	v7 =	vbroadcast v7, $0x0;
	_ =	sdelay $0x4  }
0x23c: {  	[tilespmem:v6+s13+$0x0] =	vst.idx.msk $0xffff, v8  }
0x23d: {  	v6 =	vld.idx.msk [tilespmem:v7+s14+$0x0], $0xffff;
	_ =	sdelay $0x4  }
0x23e: {  	v6 =	vshll.u32 v6, $0x6  }
0x23f: {  	v7 =	vld [tilespmem:s20+$0x140];
	v53 =	vor.u32 v1, v6;
	_ =	sdelay $0x4  }
0x240: {  	[tilespmem:v53+s13+$0x0] =	vst.idx.msk $0xffff, v7  }
0x241: {  	v54 =	vor.u32 v3, v6;
	v7 =	vld [tilespmem:s20+$0x150];
	_ =	sdelay $0x4  }
0x242: {  	[tilespmem:v54+s13+$0x0] =	vst.idx.msk $0xffff, v7  }
0x243: {  	v55 =	vor.u32 v4, v6;
	v7 =	vld [tilespmem:s20+$0x160]  }
0x244: {  	s31 =	sadd.s32 $0xFFFFFFFF, s21  }
0x245: {  	v56 =	vmov s31  }
0x246: {  	v9 =	vshrl.u32 v56, $0x3  }
0x247: {  	v9 =	vshll.u32 v9, v2  }
0x248: {  	[tilespmem:v55+s13+$0x0] =	vst.idx.msk $0xffff, v7;
	v7 =	vadd.s32 $0x6, v9  }
0x249: {  	v6 =	vor.u32 v5, v6;
	v8 =	vld [tilespmem:s20+$0x170];
	v7 =	vbroadcast v7, $0x0;
	_ =	sdelay $0x4  }
0x24a: {  	[tilespmem:v6+s13+$0x0] =	vst.idx.msk $0xffff, v8  }
0x24b: {  	v6 =	vld.idx.msk [tilespmem:v7+s14+$0x0], $0xffff;
	_ =	sdelay $0x4  }
0x24c: {  	v6 =	vshll.u32 v6, $0x6  }
0x24d: {  	v7 =	vld [tilespmem:s20+$0x180];
	v57 =	vor.u32 v1, v6;
	_ =	sdelay $0x4  }
0x24e: {  	[tilespmem:v57+s13+$0x0] =	vst.idx.msk $0xffff, v7  }
0x24f: {  	v58 =	vor.u32 v3, v6;
	v7 =	vld [tilespmem:s20+$0x190];
	_ =	sdelay $0x4  }
0x250: {  	[tilespmem:v58+s13+$0x0] =	vst.idx.msk $0xffff, v7  }
0x251: {  	v59 =	vor.u32 v4, v6;
	v7 =	vld [tilespmem:s20+$0x1A0];
	_ =	sdelay $0x1  }
0x252: {  	v60 =	vmov s21  }
0x253: {  	v9 =	vshrl.u32 v60, $0x3  }
0x254: {  	v9 =	vshll.u32 v9, v2  }
0x255: {  	[tilespmem:v59+s13+$0x0] =	vst.idx.msk $0xffff, v7;
	v7 =	vadd.s32 $0x7, v9  }
0x256: {  	v6 =	vor.u32 v5, v6;
	v8 =	vld [tilespmem:s20+$0x1B0];
	v7 =	vbroadcast v7, $0x0;
	_ =	sdelay $0x4  }
0x257: {  	[tilespmem:v6+s13+$0x0] =	vst.idx.msk $0xffff, v8  }
0x258: {  	v6 =	vld.idx.msk [tilespmem:v7+s14+$0x0], $0xffff;
	_ =	sdelay $0x4  }
0x259: {  	v6 =	vshll.u32 v6, $0x6  }
0x25a: {  	v7 =	vld [tilespmem:s20+$0x1C0];
	v61 =	vor.u32 v1, v6;
	_ =	sdelay $0x4  }
0x25b: {  	[tilespmem:v61+s13+$0x0] =	vst.idx.msk $0xffff, v7  }
0x25c: {  	v62 =	vor.u32 v3, v6;
	v7 =	vld [tilespmem:s20+$0x1D0];
	_ =	sdelay $0x4  }
0x25d: {  	[tilespmem:v62+s13+$0x0] =	vst.idx.msk $0xffff, v7  }
0x25e: {  	v63 =	vor.u32 v4, v6;
	v7 =	vld [tilespmem:s20+$0x1E0];
	_ =	sdelay $0x4  }
0x25f: {  	[tilespmem:v63+s13+$0x0] =	vst.idx.msk $0xffff, v7  }
0x260: {  	p0 =	sne.s32 s19, $0x1;
	v6 =	vor.u32 v5, v6;
	v7 =	vld [tilespmem:s20+$0x1F0]  }
.Ltmp17:
0x261: {  	_ = 	snop;
	(pc) =	sbr.rel @p0 .LBB2_19-.Ltmp17, $2  }
0x262: {  	_ =	sdelay $0x2  }
0x263: {  	s19 =	sadd.s32 $0xFFFFFFFF, s19;
	s21 =	sadd.s32 $0x10, s21;
	s20 =	sadd.s32 $0x400, s20;
	[tilespmem:v6+s13+$0x0] =	vst.idx.msk $0xffff, v7  }
.Ltmp18:
0x264: {  	_ = 	snop;
	(pc) =	sbr.rel .LBB2_20-.Ltmp18, $1  }
0x265: {  	_ =	sdelay $0x3  }
.LBB2_22:
0x266: {  	_ =	sfence.sel $0x180000  }
0x267: {  	[bflag:$0x0] =	sbarrier.arrive $0xFFFF  }
0x268: {  	p0 =	sne.s32 s3, $0x0;
	_ =	strace $0x90000047  }
0x269: {  	s0 =	sadd.s32 @!p0 $0x100000, s0;
	[bflag:$0x2] =	sbarrier.arrive $0xFFFF  }
0x26a: {  	[sflag:s0] =	ssyncadd.tile.s32 @!p0 $0x1;
	_ =	shalt  }
.Lfunc_end2:
_tile_overlayer_lowered:
.L_overlay_start_2:
0x26b: {  	(tag) =	ssettag $0x2  }
0x26c: {  	s0 =	rddreg [dreg:$0x0];
	s2 =	stileid.u32  }
0x26d: {  	s1 =	rddreg [dreg:$0x1];
	p0 =	sne.s32 s2, $0x0  }
0x26e: {  	s3 =	rddreg [dreg:$0x2];
	[bflag:$0x3] =	sbarrier.arrive $0xFFFF;
	s2 =	simm.s32 @!p0 $0x1C03  }
0x26f: {  	[timem:s3], [sflag:s2] =	dma.local @!p0 [hbm:s0], s1  }
0x270: {  	s0 =	simm.s32 @!p0 $0x3  }
0x271: {  	_ =	swait.ge @!p0 [sflag:s0], s1  }
0x272: {  	s1 =	ssub.s32 @!p0 $0x0, s1;
	[sflag:s0] =	ssyncset.done @!p0 $0x0  }
0x273: {  	[sflag:s0] =	ssyncadd.s32 @!p0 s1  }
0x274: {  	[bflag:$0x3] =	sbarrier.arrive $0xFFFF  }
0x275: {  	_ =	shalt  }

// kernel: sparse-core-data-format-call.cloned.1.call-start
scs
called_computation_lowered:
.L_overlay_start_0:
0x0: {  	s2 =	sld [smem:$0x3FD9]  }
0x1: {  	s3 =	sld [smem:$0x3FFE];
	_ =	sdelay $0x1  }
0x2: {  	s1 =	srdreg.scid  }
0x3: {  	s0 =	sand.u32 $0x1, s1  }
0x4: {  	s18 =	sshll.u32 s0, $0xA;
	s2 =	sadd.s32 s3, s2  }
0x5: {  	s2 =	sadd.s32 s2, s18  }
0x6: {  	[smem:$0x3FC5] =	sst s2  }
0x7: {  	_ = 	snop  }
0x8: {  	s2 =	sld [smem:$0x3FD0];
	(tm) =	ssettm $0x1  }
0x9: {  	s19 =	sld [smem:$0x3FFB];
	_ =	sdelay $0x3  }
0xa: {  	_ =	strace s19  }
0xb: {  	s3 =	sld [smem:$0x3FFC];
	_ =	sdelay $0x3  }
0xc: {  	_ =	strace s3  }
0xd: {  	s3 =	sld [smem:$0x3FFD];
	_ =	sdelay $0x3  }
0xe: {  	_ =	strace s3  }
0xf: {  	_ =	strace $0x8FFFFFFF  }
0x10: {  	s20 =	sld [smem:$0x3FDB];
	_ =	sdelay $0x1  }
0x11: {  	s4 =	simm.s32 $_scs_section_size  }
0x12: {  	s5 =	simm.s32 $_size__tile_overlayer_lowered;
	s6 =	simm.s32 $_tile_overlayer_lowered  }
0x13: {  	s23 =	simm.s32 $0x1BFF;
	s22 =	sshll.u32 s6, $0x1;
	s3 =	sadd.s32 s4, s20  }
0x14: {  	s7 =	simm.s32 $0x0;
	s21 =	sshll.u32 s5, $0x1;
	s5 =	sadd.s32 s22, s3  }
0x15: {  	[timem:s7], [sflag:s23] =	dma.local [hbm:s5], s21  }
0x16: {  	_ =	swait.ge [sflag:s23], s21  }
0x17: {  	s4 =	ssub.s32 $0x0, s21;
	[sflag:s23] =	ssyncset.done $0x0  }
0x18: {  	[sflag:s23] =	ssyncadd.s32 s4;
	_ =	sdelay $0x1  }
0x19: {  	s24 =	simm.s32 $0x1B8B  }
0x1a: {  	_ =	swait.ge [sflag:s24], $0x1  }
0x1b: {  	[sflag:s24] =	ssyncset.done $0x0  }
0x1c: {  	s26 =	simm.s32 $0x1B8E;
	s25 =	sld [smem:$0x3FFE];
	[sflag:s24] =	ssyncadd.s32 $0xFFFFFFFF  }
0x1d: {  	s27 =	simm.s32 $execute0_lowered;
	[smem:$0x3FD2] =	sst s26  }
0x1e: {  	s5 =	sshll.u32 s27, $0x1;
	_ =	strace $0x80000049;
	[dreg:$0x1] =	wrdreg $0xFFFFFFFF  }
0x1f: {  	s28 =	simm.s32 $_size_execute0_lowered;
	s3 =	sadd.s32 s3, s5;
	[dreg:$0x0] =	wrdreg $0x0  }
0x20: {  	s5 =	sshll.u32 s28, $0x1;
	[dreg:$0x2] =	wrdreg s3  }
0x21: {  	[dreg:$0x3] =	wrdreg s5  }
0x22: {  	[dreg:$0x4] =	wrdreg $0xC0  }
0x23: {  	_ =	task [dreg:s7], $0x5FFFF  }
0x24: {  	[dreg:$0x1] =	wrdreg $0xFFFFFFFF  }
0x25: {  	[dreg:$0x0] =	wrdreg $0x60  }
0x26: {  	[dreg:$0x2] =	wrdreg s25  }
0x27: {  	[dreg:$0x3] =	wrdreg s2  }
0x28: {  	[dreg:$0x4] =	wrdreg $0x9  }
0x29: {  	_ =	task.clear_ibuf [dreg:s7], $0x5FFFF;
	_ =	strace $0x90000049  }
0x2a: {  	s29 =	simm.s32 $0x9;
	_ =	strace $0x8000004B  }
0x2b: {  	_ =	swait.ge [sflag:s29], $0x1  }
0x2c: {  	[sflag:s29] =	ssyncadd.s32 $0xFFFFFFFF  }
0x2d: {  	_ =	strace $0x9000004B  }
0x2e: {  	_ =	sfence  }
0x2f: {  	s30 =	sld [smem:$0x0];
	_ =	sdelay $0x2  }
0x30: {  	s31 =	sshll.u32 s1, $0xD;
	s1 =	sshrl.u32 s1, $0x2  }
0x31: {  	s3 =	sand.u32 $0x4000, s31;
	s1 =	sadd.s32 s1, s30  }
0x32: {  	s0 =	sor.u32 s3, s0;
	s1 =	sshll.u32 s1, $0x11  }
0x33: {  	s0 =	sor.u32 s1, s0  }
0x34: {  	s0 =	sadd.s32 $0x8F2B, s0  }
0x35: {  	[sflag:s0] =	ssyncadd.remote.s32 $0x1  }
0x36: {  	_ =	sfence.sel $0xFFFF  }
0x37: {  	[dreg:$0x0] =	wrdreg $0xFFFFFFFF;
	(pc) =	sbr.abs _section_cstart, $3  }
0x38: {  	[dreg:$0x1] =	wrdreg $0xFFFFFFFF  }
0x39: {  	_ =	task.clear_ibuf [dreg:s7], $0x2FFFF;
	_ =	strace $0x9FFFFFFF  }
0x3a: {  	(tm) =	ssettm $0x7FFFFFFF  }
0x3b: {  	_ =	shalt  }
tec
execute0_lowered:
.L_overlay_start_1:
0x0: {  	(tag) =	ssettag $0x1  }
0x1: {  	s0 =	srdreg.scid  }
0x2: {  	s1 =	sshll.u32 s0, $0x4  }
0x3: {  	s4 =	rddreg [dreg:$0x0];
	s0 =	stileid.u32;
	s1 =	sand.u32 $0x10, s1  }
0x4: {  	s2 =	rddreg [dreg:$0x1];
	s7 =	simm.s32 $0x1;
	s1 =	sor.u32 s0, s1  }
0x5: {  	s8 =	simm.s32 $0x2;
	s11 =	simm.s32 $0x0;
	s3 =	sshll.u32 s1, $0x7  }
0x6: {  	s10 =	simm.s32 $0x0;
	s4 =	sadd.s32 $0x800, s4;
	s6 =	ssub.s32 $0x68000, s3  }
.Ltmp0:
0x7: {  	s1 =	rddreg [dreg:$0x2];
	s5 =	sand.u32 $0xF80, s6;
	(pc) =	sbr.rel .LBB1_1-.Ltmp0, $4  }
0x8: {  	_ =	strace $0x8000004A;
	s9 =	smov.u32 s3;
	p0 =	sne.s32 s5, $0x0  }
0x9: {  	s6 =	sshrl.u32 s6, $0xC;
	s5 =	simm.s32 $0x1;
	s7 =	simm.s32 @!p0 $0x0  }
0xa: {  	[sflag:s5] =	ssyncpa.u1 $0x0;
	p0 =	por $0x0, $0x0;
	s6 =	sadd.s32 s7, s6  }
0xb: {  	[sflag:s8] =	ssyncpa.u1 $0x0;
	s8 =	simm.s32 $0x340000;
	s7 =	sadd.s32 $0x1, s6  }
.LBB1_4:
0xc: {  	s14 =	sshll.u32 s11, $0x3  }
0xd: {  	s30 =	sand.u32 $0x7F, s11;
	s15 =	sand.u32 $0xFFFFFC00, s14  }
0xe: {  	s11 =	sor.u32 s30, s15  }
0xf: {  	s15 =	smulhi.u32 $0x4EC4EC4F, s11  }
0x10: {  	s14 =	smulhi.u32 $0x4EC4EC4F, s14  }
0x11: {  	s15 =	sshrl.u32 s15, $0x11  }
0x12: {  	s14 =	sshrl.u32 s14, $0x11;
	s15 =	smul.u32 $0x68000, s15  }
0x13: {  	s14 =	sand.u32 $0x3F, s14  }
0x14: {  	s14 =	smul.u32 $0xD000, s14;
	s11 =	ssub.s32 s11, s15  }
0x15: {  	[tilespmem:s13+$0x810 ss:$0x81] =	vst.msk $0xffff, v2;
	s15 =	sand.u32 $0x7, s11  }
0x16: {  	[tilespmem:s13+$0x1020 ss:$0x81] =	vst.msk $0xffff, v0;
	s14 =	sadd.s32 s2, s14;
	s11 =	sshrl.u32 s11, $0x3;
	s15 =	sshll.u32 s15, $0x12  }
0x17: {  	[tilespmem:s13+$0x0 ss:$0x81] =	vst.msk $0xffff, v1;
	s11 =	sadd.s32 s11, s14;
	s31 =	sor.u32 $0x400, s15  }
0x18: {  	[hbm4b:s11+s31] =	stream.strided.scatter [tilespmem:s12], [sflag:$0x2], $0x2000, s8, s31, $0x20;
	[tilespmem:$0x8080] =	vst v63  }
.LBB1_5:
0x19: {  	s13 =	sadd.s32 $0x1000, s9  }
0x1a: {  	p2 =	sgt.s32 s13, $0x67FFF  }
0x1b: {  	s13 =	smov.u32 @p2 s3;
	p2 =	sne.s32 s10, s7  }
.Ltmp1:
0x1c: {  	p1 =	slt.u32 s10, $0x2;
	(pc) =	sbr.rel @!p2 .LBB1_6-.Ltmp1, $4  }
0x1d: {  	s12 =	simm.s32 @!p1 $0x2  }
0x1e: {  	s14 =	sadd.s32 $0x1, s10;
	_ =	swait.ge @!p1 [sflag:s12], $0x2000  }
0x1f: {  	s11 =	smov.u32 s9;
	p0 =	por !p0, !p0;
	[sflag:s12] =	ssyncset.done @!p1 $0x0  }
0x20: {  	s10 =	smov.u32 s14;
	s9 =	smov.u32 s13;
	[sflag:s12] =	ssyncadd.s32 @!p1 $0xFFFFE000  }
.LBB1_1:
0x21: {  	p1 =	sge.u32 s10, s6  }
0x22: {  	s12 =	sand.u32 @!p1 $0x1FFFFFF, s9  }
0x23: {  	s13 =	smulhi.u32 @!p1 $0x2762763, s12;
	_ =	sdelay $0x1  }
0x24: {  	s13 =	sshrl.u32 @!p1 s13, $0xC  }
0x25: {  	s13 =	smul.u32 @!p1 $0x68000, s13;
	_ =	sdelay $0x1  }
0x26: {  	s31 =	sadd.s32 $0xFFFFFFFF, s10;
	s14 =	sxor.u32 @!p1 $0xFFFFFFFF, s10;
	s12 =	ssub.s32 @!p1 s12, s13  }
0x27: {  	s15 =	simm.s32 @!p1 $0x80;
	s14 =	sshll.u32 @!p1 s14, $0xD;
	s12 =	sshll.u32 @!p1 s12, $0x4  }
0x28: {  	s13 =	sand.u32 @!p1 $0x2000, s14;
	s14 =	simm.s32 @!p1 $0x40;
	s12 =	sadd.s32 @!p1 s4, s12  }
0x29: {  	[tilespmem:s13], [sflag:$0x1] =	stream.strided.gather @!p1 [hbm4b:s12+s14], $0x2000, s15, s14, $0x38;
	[tilespmem:$0x8080] =	vst v63  }
0x2a: {  	p1 =	sge.u32 s31, s6  }
.Ltmp2:
0x2b: {  	_ = 	snop;
	(pc) =	sbr.rel @p1 .LBB1_5-.Ltmp2, $1  }
0x2c: {  	_ =	sdelay $0x3  }
0x2d: {  	s12 =	simm.s32 $0x1  }
0x2e: {  	_ =	swait.ge [sflag:s5], $0x2000;
	s12 =	simm.s32 @!p0 $0x0  }
0x2f: {  	[sflag:s5] =	ssyncset.done $0x0;
	s13 =	sshll.u32 s12, $0xD  }
0x30: {  	[sflag:s5] =	ssyncadd.s32 $0xFFFFE000;
	s16 =	sor.u32 $0x20, s13  }
0x31: {  	s12 =	smul.u32 $0x8100, s12;
	v3 =	vld [tilespmem:s16+$0x10]  }
0x32: {  	s30 =	sand.u32 $0x1, s10;
	v2 =	vld [tilespmem:s16+$0xFFFFFFF0]  }
0x33: {  	s13 =	smul.u32 $0x8100, s30;
	s12 =	sshrl.u32 s12, $0x2;
	v0 =	vld [tilespmem:s16+$0x0]  }
0x34: {  	v1 =	vld [tilespmem:s16+$0xFFFFFFE0];
	s14 =	sor.u32 $0x4000, s12  }
0x35: {  	s31 =	sshrl.u32 s13, $0x2;
	s13 =	sadd.s32 $0x0, s14  }
0x36: {  	s15 =	simm.s32 $0x4;
	s16 =	sadd.s32 $0x40, s16;
	s12 =	sor.u32 $0x4000, s31;
	[tilespmem:s13+$0x1830 ss:$0x81] =	vst.msk $0xffff, v3  }
.LBB1_3:
0x37: {  	v3 =	vld [tilespmem:s16+$0x10];
	p1 =	sne.s32 s15, $0x1FC;
	[tilespmem:s13+$0x810 ss:$0x81] =	vst.msk $0xffff, v2;
	s17 =	smov.u32 s15;
	s15 =	sadd.s32 $0x4, s15  }
.Ltmp3:
0x38: {  	v2 =	vld [tilespmem:s16+$0xFFFFFFF0];
	[tilespmem:s13+$0x1020 ss:$0x81] =	vst.msk $0xffff, v0;
	(pc) =	sbr.rel @p1 .LBB1_3-.Ltmp3, $4  }
0x39: {  	v0 =	vld [tilespmem:s16+$0x0];
	[tilespmem:s13+$0x0 ss:$0x81] =	vst.msk $0xffff, v1  }
0x3a: {  	s13 =	sshra.s32 s17, $0x2;
	v1 =	vld [tilespmem:s16+$0xFFFFFFE0]  }
0x3b: {  	s13 =	sadd.s32 s13, s14  }
0x3c: {  	s16 =	sadd.s32 $0x40, s16;
	[tilespmem:s13+$0x1830 ss:$0x81] =	vst.msk $0xffff, v3  }
.Ltmp4:
0x3d: {  	_ = 	snop;
	(pc) =	sbr.rel .LBB1_4-.Ltmp4, $1  }
0x3e: {  	_ =	sdelay $0x3  }
.LBB1_6:
0x3f: {  	_ =	sfence.sel $0x180000  }
0x40: {  	s2 =	simm.s32 $0x1;
	[bflag:$0x0] =	sbarrier.arrive $0xFFFF  }
0x41: {  	s31 =	simm.s32 $0x2;
	[sflag:s2] =	ssyncpa.u1 $0x1  }
0x42: {  	[sflag:s31] =	ssyncpa.u1 $0x1  }
0x43: {  	p0 =	sne.s32 s0, $0x0;
	_ =	strace $0x9000004A  }
0x44: {  	s0 =	sadd.s32 @!p0 $0x100000, s1;
	[bflag:$0x2] =	sbarrier.arrive $0xFFFF  }
0x45: {  	[sflag:s0] =	ssyncadd.tile.s32 @!p0 $0x1;
	_ =	shalt  }
.Lfunc_end1:
_tile_overlayer_lowered:
.L_overlay_start_2:
0x46: {  	(tag) =	ssettag $0x2  }
0x47: {  	s0 =	rddreg [dreg:$0x0];
	s2 =	stileid.u32  }
0x48: {  	s1 =	rddreg [dreg:$0x1];
	p0 =	sne.s32 s2, $0x0  }
0x49: {  	s3 =	rddreg [dreg:$0x2];
	[bflag:$0x3] =	sbarrier.arrive $0xFFFF;
	s2 =	simm.s32 @!p0 $0x1C01  }
0x4a: {  	[timem:s3], [sflag:s2] =	dma.local @!p0 [hbm:s0], s1  }
0x4b: {  	s0 =	simm.s32 @!p0 $0x1  }
0x4c: {  	_ =	swait.ge @!p0 [sflag:s0], s1  }
0x4d: {  	s1 =	ssub.s32 @!p0 $0x0, s1;
	[sflag:s0] =	ssyncset.done @!p0 $0x0  }
0x4e: {  	[sflag:s0] =	ssyncadd.s32 @!p0 s1  }
0x4f: {  	[bflag:$0x3] =	sbarrier.arrive $0xFFFF  }
0x50: {  	_ =	shalt  }

</sc_bundles>
